<compile_context>
chip_gen: v7x
topology: tpu7x:2x2x1
jax: 0.10.2.dev20260603
libtpu: 0.0.44.dev20260713+nightly
codegen_flags: <defaults>
</compile_context>

<pallas_src>
import functools

import jax
import jax.numpy as jnp
from jax import lax
from jax.experimental import pallas as pl
from jax.experimental.pallas import tpu as pltpu
from jax.experimental.pallas import tpu_sc as plsc

N = 10000
E = 320000
D = 128

NC = 2
NS = 16
NW = NC * NS
CHUNK = 128
NCHUNKS = E // CHUNK
KPW = 79
NBUF = 3
DRING = 4
NPAD = 10112
ROWS_PER_TILE = NPAD // NS


def _sc_segment_sum(h, ei):
    mesh = plsc.VectorSubcoreMesh(core_axis_name="c", subcore_axis_name="s")

    @functools.partial(
        pl.kernel,
        mesh=mesh,
        out_type=jax.ShapeDtypeStruct((NC, NPAD, D), jnp.float32),
        scratch_types=[
            pltpu.VMEM((NBUF, CHUNK), jnp.int32),
            pltpu.VMEM((DRING, CHUNK), jnp.int32),
            pltpu.VMEM((NBUF, CHUNK, D), jnp.float32),
            pltpu.VMEM_SHARED((NPAD, D), jnp.float32),
            pltpu.SemaphoreType.DMA,
            pltpu.SemaphoreType.DMA,
            pltpu.SemaphoreType.DMA,
        ],
    )
    def seg_sum(h_hbm, ei_hbm, out_hbm, sidx_v, didx_v,
                rows_v, agg_sh, isem, gsem, ssem):
        cid = lax.axis_index("c")
        sid = lax.axis_index("s")
        wid = sid * NC + cid
        start = 78 * wid + jnp.minimum(wid, 4)
        kmax = 78 + (wid < 4).astype(jnp.int32)

        def fire_idx(k):
            base = (start + k) * CHUNK
            pltpu.async_copy(ei_hbm.at[0, pl.ds(base, CHUNK)],
                             sidx_v.at[k % NBUF], isem)
            pltpu.async_copy(ei_hbm.at[1, pl.ds(base, CHUNK)],
                             didx_v.at[k % DRING], isem)

        def wait_idx():
            pltpu.make_async_copy(h_hbm.at[pl.ds(0, 2)],
                                  rows_v.at[0, pl.ds(0, 2)], isem).wait()

        def fire_rows(k):
            pltpu.async_copy(h_hbm.at[sidx_v.at[k % NBUF]],
                             rows_v.at[k % NBUF], gsem)

        def wait_rows(k):
            pltpu.make_async_copy(h_hbm.at[sidx_v.at[0]],
                                  rows_v.at[k % NBUF], gsem).wait()

        def fire_scat(k):
            pltpu.async_copy(rows_v.at[k % NBUF],
                             agg_sh.at[didx_v.at[k % DRING]], ssem,
                             add=True)

        def wait_scat():
            pltpu.make_async_copy(rows_v.at[0],
                                  agg_sh.at[didx_v.at[0]], ssem).wait()

        fire_idx(0)
        fire_idx(1)
        fire_idx(2)

        def zrow(i, carry):
            for j in range(D // 16):
                rows_v[2, i, pl.ds(j * 16, 16)] = jnp.zeros((16,),
                                                            jnp.float32)
            return carry
        lax.fori_loop(0, CHUNK, zrow, 0)
        wait_idx()
        wait_idx()
        fire_rows(0)
        fire_rows(1)
        r0 = sid * ROWS_PER_TILE
        for t in range(4):
            pltpu.sync_copy(rows_v.at[2], agg_sh.at[pl.ds(r0 + t * 128, 128)])
        pltpu.sync_copy(rows_v.at[2, pl.ds(0, ROWS_PER_TILE - 512)],
                        agg_sh.at[pl.ds(r0 + 512, ROWS_PER_TILE - 512)])
        plsc.subcore_barrier()

        def body(k, carry):
            @pl.when(k < kmax)
            def _():
                wait_rows(k)

                @pl.when(k > 0)
                def _():
                    wait_scat()
                fire_scat(k)

            @pl.when(k + 3 < kmax)
            def _():
                fire_idx(k + 3)

            @pl.when(k + 2 < kmax)
            def _():
                wait_idx()
                fire_rows(k + 2)
            return carry
        lax.fori_loop(0, KPW, body, 0)
        wait_scat()
        plsc.subcore_barrier()

        pltpu.sync_copy(agg_sh.at[pl.ds(r0, ROWS_PER_TILE)],
                        out_hbm.at[cid, pl.ds(r0, ROWS_PER_TILE)])

    return seg_sum(h, ei)


BN = 2000


def _tc_mlp_body(eps_sm, h_b, parts_b, w1, b1, w2, b2, g, b, out_b):
    rst = (1.0 + eps_sm[0, 0]) * h_b[...] + parts_b[0] + parts_b[1]
    z = jnp.dot(rst, w1[...], preferred_element_type=jnp.float32) + b1[...]
    z = jnp.maximum(z, 0.0)
    z = jnp.dot(z, w2[...], preferred_element_type=jnp.float32) + b2[...]
    mu = jnp.mean(z, axis=-1, keepdims=True)
    var = jnp.mean((z - mu) ** 2, axis=-1, keepdims=True)
    z = (z - mu) * lax.rsqrt(var + 1e-5) * g[...] + b[...]
    out_b[...] = jnp.maximum(z, 0.0) + h_b[...]


def _tc_mlp(h, parts, W1, b1, W2, b2, eps, ln_g, ln_b):
    eps_arr = jnp.reshape(eps, (1, 1)).astype(jnp.float32)
    return pl.pallas_call(
        _tc_mlp_body,
        grid=(N // BN,),
        in_specs=[
            pl.BlockSpec(memory_space=pltpu.SMEM),
            pl.BlockSpec((BN, D), lambda i: (i, 0)),
            pl.BlockSpec((NC, BN, D), lambda i: (0, i, 0)),
            pl.BlockSpec((D, D), lambda i: (0, 0)),
            pl.BlockSpec((1, D), lambda i: (0, 0)),
            pl.BlockSpec((D, D), lambda i: (0, 0)),
            pl.BlockSpec((1, D), lambda i: (0, 0)),
            pl.BlockSpec((1, D), lambda i: (0, 0)),
            pl.BlockSpec((1, D), lambda i: (0, 0)),
        ],
        out_specs=pl.BlockSpec((BN, D), lambda i: (i, 0)),
        out_shape=jax.ShapeDtypeStruct((N, D), jnp.float32),
    )(eps_arr, h, parts, W1, jnp.reshape(b1, (1, D)), W2,
      jnp.reshape(b2, (1, D)), jnp.reshape(ln_g, (1, D)),
      jnp.reshape(ln_b, (1, D)))


def kernel(h, edge_index, W1_0, b1_0, W2_0, b2_0, eps_0, W1_1, b1_1, W2_1,
           b2_1, eps_1, W1_2, b1_2, W2_2, b2_2, eps_2, ln_g, ln_b):
    ei = edge_index.astype(jnp.int32)
    params = [(W1_0, b1_0, W2_0, b2_0, eps_0),
              (W1_1, b1_1, W2_1, b2_1, eps_1),
              (W1_2, b1_2, W2_2, b2_2, eps_2)]
    for (W1, b1, W2, b2, eps) in params:
        parts = _sc_segment_sum(h, ei)
        h = _tc_mlp(h, parts, W1, b1, W2, b2, eps, ln_g, ln_b)
    return h

# --- scband reference (transcript-rebuilt; emitter-appended) ---
"""Pipeline reference for scband-ginbackbone-10943576670412 (READ-ONLY COPY).

The authoritative reference and input builder live on the scoring server;
editing this copy changes nothing except your own understanding.
"""

import jax, jax.numpy as jnp
import numpy as np

N = 10000
E = 320000
D = 128
H = 128
L = 3

def setup_inputs(seed: int = 0) -> dict:
    key = jax.random.key(seed)
    ks = jax.random.split(key, 2 + 4 * L)
    inp = {}
    inp['h'] = jax.random.normal(ks[0], (N, D), dtype=jnp.float32)
    inp['edge_index'] = jax.random.randint(ks[1], (2, E), 0, N)
    dims_in = [D, H, H]
    for i in range(L):
        k0, k1 = ks[2 + 4 * i], ks[3 + 4 * i]
        inp[f'W1_{i}'] = jax.random.normal(k0, (dims_in[i], H), dtype=jnp.float32) * 0.05
        inp[f'b1_{i}'] = jnp.zeros((H,), dtype=jnp.float32)
        inp[f'W2_{i}'] = jax.random.normal(k1, (H, H), dtype=jnp.float32) * 0.05
        inp[f'b2_{i}'] = jnp.zeros((H,), dtype=jnp.float32)
        inp[f'eps_{i}'] = jnp.zeros((), dtype=jnp.float32)
    inp['ln_g'] = jnp.ones((H,), dtype=jnp.float32)
    inp['ln_b'] = jnp.zeros((H,), dtype=jnp.float32)
    return inp

def _layer_norm(z, g, b):
    mu = jnp.mean(z, axis=-1, keepdims=True)
    var = jnp.var(z, axis=-1, keepdims=True)
    return (z - mu) / jnp.sqrt(var + 1e-5) * g + b

def reference(h, edge_index, W1_0, b1_0, W2_0, b2_0, eps_0, W1_1, b1_1, W2_1, b2_1, eps_1, W1_2, b1_2, W2_2, b2_2, eps_2, ln_g, ln_b):
    src = edge_index[0]
    dst = edge_index[1]
    params = [(W1_0, b1_0, W2_0, b2_0, eps_0), (W1_1, b1_1, W2_1, b2_1, eps_1), (W1_2, b1_2, W2_2, b2_2, eps_2)]
    for (W1, b1, W2, b2, eps) in params:
        h_res = h
        # GINConv (sum aggregation, learn_eps=True): (1+eps)*h + sum_{j in N(i)} h_j
        agg = jax.ops.segment_sum(h[src], dst, num_segments=N)
        rst = (1.0 + eps) * h + agg
        # MLP apply_func: Linear -> ReLU -> Linear
        z = jnp.maximum(rst @ W1 + b1, 0.0)
        z = z @ W2 + b2
        # eval mode: LayerNorm (not BatchNorm)
        z = _layer_norm(z, ln_g, ln_b)
        z = jnp.maximum(z, 0.0)
        # dropout is identity in eval; residual (shapes always match: D == H)
        h = z + h_res
    return h

if __name__ == "__main__":
    import jax
    _d = setup_inputs()
    print(jax.jit(kernel)(*tuple(_d.values())))

</pallas_src>

<mosaic_0001>
#map = affine_map<(d0, d1) -> (0, 0)>
#map1 = affine_map<(d0, d1) -> (0, 0, 0)>
module attributes {stable_mosaic.version = 14 : i64} {
  func.func @seg_sum(%arg0: i32, %arg1: i32, %arg2: memref<10000x128xf32, #tpu.memory_space<hbm>>, %arg3: memref<2x320000xi32, #tpu.memory_space<hbm>>, %arg4: memref<2x10112x128xf32, #tpu.memory_space<hbm>>, %arg5: memref<3x128xi32, #tpu.memory_space<vmem>>, %arg6: memref<4x128xi32, #tpu.memory_space<vmem>>, %arg7: memref<3x128x128xf32, #tpu.memory_space<vmem>>, %arg8: memref<10112x128xf32, #tpu.memory_space<vmem_shared>>, %arg9: memref<!tpu.dma_semaphore, #tpu.memory_space<semaphore_mem>>, %arg10: memref<!tpu.dma_semaphore, #tpu.memory_space<semaphore_mem>>, %arg11: memref<!tpu.dma_semaphore, #tpu.memory_space<semaphore_mem>>) attributes {dimension_semantics = [#tpu.dimension_semantics<core_parallel>, #tpu.dimension_semantics<subcore_parallel>], iteration_bounds = array<i64: 2, 16>, scalar_prefetch = 0 : i64, scratch_operands = 7 : i64, tpu.core_type = #tpu.core_type<sc_vector_subcore>, window_params = [{transform_indices = #map}, {transform_indices = #map}, {transform_indices = #map1}]} {
    %mul3A = arith.constant 2 : i32
    %mul3A_0 = arith.muli %arg1, %mul3A : i32
    %add3A = arith.addi %mul3A_0, %arg0 : i32
    %mul3A_1 = arith.constant 78 : i32
    %mul3A_2 = arith.muli %mul3A_1, %add3A : i32
    %min3A = arith.constant 4 : i32
    %min3A_3 = arith.minsi %add3A, %min3A : i32
    %add3A_4 = arith.addi %mul3A_2, %min3A_3 : i32
    %lt3A = arith.constant 4 : i32
    %lt3A_5 = arith.cmpi slt, %add3A, %lt3A : i32
    %convert_element_type3A = arith.extui %lt3A_5 : i1 to i32
    %add3A_6 = arith.constant 78 : i32
    %add3A_7 = arith.addi %add3A_6, %convert_element_type3A : i32
    %add3A_8 = arith.constant 0 : i32
    %add3A_9 = arith.addi %add3A_4, %add3A_8 : i32
    %mul3A_10 = arith.constant 128 : i32
    %mul3A_11 = arith.muli %add3A_9, %mul3A_10 : i32
    %dma_start3A = arith.constant 0 : i32
    %dma_start3A_12 = arith.constant 0 : i32
    %dma_start3A_13 = arith.constant 0 : i32
    %dma_start3A_14 = tpu.memref_slice %arg5[%dma_start3A_12, %dma_start3A_13] : memref<3x128xi32, #tpu.memory_space<vmem>> -> memref<1x128xi32, #tpu.memory_space<vmem>>
    %dma_start3A_15 = tpu.memref_squeeze %dma_start3A_14 : memref<1x128xi32, #tpu.memory_space<vmem>> -> memref<128xi32, #tpu.memory_space<vmem>>
    %dma_start3A_16 = tpu.memref_slice %arg3[%dma_start3A, %mul3A_11] : memref<2x320000xi32, #tpu.memory_space<hbm>> -> memref<1x128xi32, #tpu.memory_space<hbm>>
    %dma_start3A_17 = tpu.memref_squeeze %dma_start3A_16 : memref<1x128xi32, #tpu.memory_space<hbm>> -> memref<128xi32, #tpu.memory_space<hbm>>
    %dma_start3A_18 = arith.constant 0 : i32
    %dma_start3A_19 = tpu.memref_slice %arg5[%dma_start3A_12, %dma_start3A_18] : memref<3x128xi32, #tpu.memory_space<vmem>> -> memref<1x128xi32, #tpu.memory_space<vmem>>
    %dma_start3A_20 = tpu.memref_squeeze %dma_start3A_19 : memref<1x128xi32, #tpu.memory_space<vmem>> -> memref<128xi32, #tpu.memory_space<vmem>>
    %dma_start3A_21 = tpu.memref_slice %arg3[%dma_start3A, %mul3A_11] : memref<2x320000xi32, #tpu.memory_space<hbm>> -> memref<1x128xi32, #tpu.memory_space<hbm>>
    %dma_start3A_22 = tpu.memref_squeeze %dma_start3A_21 : memref<1x128xi32, #tpu.memory_space<hbm>> -> memref<128xi32, #tpu.memory_space<hbm>>
    tpu.enqueue_dma source(%dma_start3A_22 : memref<128xi32, #tpu.memory_space<hbm>>) target(%dma_start3A_20 : memref<128xi32, #tpu.memory_space<vmem>>) target_semaphore(%arg9 : memref<!tpu.dma_semaphore, #tpu.memory_space<semaphore_mem>>)
    %dma_start3A_23 = arith.constant 1 : i32
    %dma_start3A_24 = arith.constant 0 : i32
    %dma_start3A_25 = arith.constant 0 : i32
    %dma_start3A_26 = tpu.memref_slice %arg6[%dma_start3A_24, %dma_start3A_25] : memref<4x128xi32, #tpu.memory_space<vmem>> -> memref<1x128xi32, #tpu.memory_space<vmem>>
    %dma_start3A_27 = tpu.memref_squeeze %dma_start3A_26 : memref<1x128xi32, #tpu.memory_space<vmem>> -> memref<128xi32, #tpu.memory_space<vmem>>
    %dma_start3A_28 = tpu.memref_slice %arg3[%dma_start3A_23, %mul3A_11] : memref<2x320000xi32, #tpu.memory_space<hbm>> -> memref<1x128xi32, #tpu.memory_space<hbm>>
    %dma_start3A_29 = tpu.memref_squeeze %dma_start3A_28 : memref<1x128xi32, #tpu.memory_space<hbm>> -> memref<128xi32, #tpu.memory_space<hbm>>
    %dma_start3A_30 = arith.constant 0 : i32
    %dma_start3A_31 = tpu.memref_slice %arg6[%dma_start3A_24, %dma_start3A_30] : memref<4x128xi32, #tpu.memory_space<vmem>> -> memref<1x128xi32, #tpu.memory_space<vmem>>
    %dma_start3A_32 = tpu.memref_squeeze %dma_start3A_31 : memref<1x128xi32, #tpu.memory_space<vmem>> -> memref<128xi32, #tpu.memory_space<vmem>>
    %dma_start3A_33 = tpu.memref_slice %arg3[%dma_start3A_23, %mul3A_11] : memref<2x320000xi32, #tpu.memory_space<hbm>> -> memref<1x128xi32, #tpu.memory_space<hbm>>
    %dma_start3A_34 = tpu.memref_squeeze %dma_start3A_33 : memref<1x128xi32, #tpu.memory_space<hbm>> -> memref<128xi32, #tpu.memory_space<hbm>>
    tpu.enqueue_dma source(%dma_start3A_34 : memref<128xi32, #tpu.memory_space<hbm>>) target(%dma_start3A_32 : memref<128xi32, #tpu.memory_space<vmem>>) target_semaphore(%arg9 : memref<!tpu.dma_semaphore, #tpu.memory_space<semaphore_mem>>)
    %add3A_35 = arith.constant 1 : i32
    %add3A_36 = arith.addi %add3A_4, %add3A_35 : i32
    %mul3A_37 = arith.constant 128 : i32
    %mul3A_38 = arith.muli %add3A_36, %mul3A_37 : i32
    %dma_start3A_39 = arith.constant 0 : i32
    %dma_start3A_40 = arith.constant 1 : i32
    %dma_start3A_41 = arith.constant 0 : i32
    %dma_start3A_42 = tpu.memref_slice %arg5[%dma_start3A_40, %dma_start3A_41] : memref<3x128xi32, #tpu.memory_space<vmem>> -> memref<1x128xi32, #tpu.memory_space<vmem>>
    %dma_start3A_43 = tpu.memref_squeeze %dma_start3A_42 : memref<1x128xi32, #tpu.memory_space<vmem>> -> memref<128xi32, #tpu.memory_space<vmem>>
    %dma_start3A_44 = tpu.memref_slice %arg3[%dma_start3A_39, %mul3A_38] : memref<2x320000xi32, #tpu.memory_space<hbm>> -> memref<1x128xi32, #tpu.memory_space<hbm>>
    %dma_start3A_45 = tpu.memref_squeeze %dma_start3A_44 : memref<1x128xi32, #tpu.memory_space<hbm>> -> memref<128xi32, #tpu.memory_space<hbm>>
    %dma_start3A_46 = arith.constant 0 : i32
    %dma_start3A_47 = tpu.memref_slice %arg5[%dma_start3A_40, %dma_start3A_46] : memref<3x128xi32, #tpu.memory_space<vmem>> -> memref<1x128xi32, #tpu.memory_space<vmem>>
    %dma_start3A_48 = tpu.memref_squeeze %dma_start3A_47 : memref<1x128xi32, #tpu.memory_space<vmem>> -> memref<128xi32, #tpu.memory_space<vmem>>
    %dma_start3A_49 = tpu.memref_slice %arg3[%dma_start3A_39, %mul3A_38] : memref<2x320000xi32, #tpu.memory_space<hbm>> -> memref<1x128xi32, #tpu.memory_space<hbm>>
    %dma_start3A_50 = tpu.memref_squeeze %dma_start3A_49 : memref<1x128xi32, #tpu.memory_space<hbm>> -> memref<128xi32, #tpu.memory_space<hbm>>
    tpu.enqueue_dma source(%dma_start3A_50 : memref<128xi32, #tpu.memory_space<hbm>>) target(%dma_start3A_48 : memref<128xi32, #tpu.memory_space<vmem>>) target_semaphore(%arg9 : memref<!tpu.dma_semaphore, #tpu.memory_space<semaphore_mem>>)
    %dma_start3A_51 = arith.constant 1 : i32
    %dma_start3A_52 = arith.constant 1 : i32
    %dma_start3A_53 = arith.constant 0 : i32
    %dma_start3A_54 = tpu.memref_slice %arg6[%dma_start3A_52, %dma_start3A_53] : memref<4x128xi32, #tpu.memory_space<vmem>> -> memref<1x128xi32, #tpu.memory_space<vmem>>
    %dma_start3A_55 = tpu.memref_squeeze %dma_start3A_54 : memref<1x128xi32, #tpu.memory_space<vmem>> -> memref<128xi32, #tpu.memory_space<vmem>>
    %dma_start3A_56 = tpu.memref_slice %arg3[%dma_start3A_51, %mul3A_38] : memref<2x320000xi32, #tpu.memory_space<hbm>> -> memref<1x128xi32, #tpu.memory_space<hbm>>
    %dma_start3A_57 = tpu.memref_squeeze %dma_start3A_56 : memref<1x128xi32, #tpu.memory_space<hbm>> -> memref<128xi32, #tpu.memory_space<hbm>>
    %dma_start3A_58 = arith.constant 0 : i32
    %dma_start3A_59 = tpu.memref_slice %arg6[%dma_start3A_52, %dma_start3A_58] : memref<4x128xi32, #tpu.memory_space<vmem>> -> memref<1x128xi32, #tpu.memory_space<vmem>>
    %dma_start3A_60 = tpu.memref_squeeze %dma_start3A_59 : memref<1x128xi32, #tpu.memory_space<vmem>> -> memref<128xi32, #tpu.memory_space<vmem>>
    %dma_start3A_61 = tpu.memref_slice %arg3[%dma_start3A_51, %mul3A_38] : memref<2x320000xi32, #tpu.memory_space<hbm>> -> memref<1x128xi32, #tpu.memory_space<hbm>>
    %dma_start3A_62 = tpu.memref_squeeze %dma_start3A_61 : memref<1x128xi32, #tpu.memory_space<hbm>> -> memref<128xi32, #tpu.memory_space<hbm>>
    tpu.enqueue_dma source(%dma_start3A_62 : memref<128xi32, #tpu.memory_space<hbm>>) target(%dma_start3A_60 : memref<128xi32, #tpu.memory_space<vmem>>) target_semaphore(%arg9 : memref<!tpu.dma_semaphore, #tpu.memory_space<semaphore_mem>>)
    %add3A_63 = arith.constant 2 : i32
    %add3A_64 = arith.addi %add3A_4, %add3A_63 : i32
    %mul3A_65 = arith.constant 128 : i32
    %mul3A_66 = arith.muli %add3A_64, %mul3A_65 : i32
    %dma_start3A_67 = arith.constant 0 : i32
    %dma_start3A_68 = arith.constant 2 : i32
    %dma_start3A_69 = arith.constant 0 : i32
    %dma_start3A_70 = tpu.memref_slice %arg5[%dma_start3A_68, %dma_start3A_69] : memref<3x128xi32, #tpu.memory_space<vmem>> -> memref<1x128xi32, #tpu.memory_space<vmem>>
    %dma_start3A_71 = tpu.memref_squeeze %dma_start3A_70 : memref<1x128xi32, #tpu.memory_space<vmem>> -> memref<128xi32, #tpu.memory_space<vmem>>
    %dma_start3A_72 = tpu.memref_slice %arg3[%dma_start3A_67, %mul3A_66] : memref<2x320000xi32, #tpu.memory_space<hbm>> -> memref<1x128xi32, #tpu.memory_space<hbm>>
    %dma_start3A_73 = tpu.memref_squeeze %dma_start3A_72 : memref<1x128xi32, #tpu.memory_space<hbm>> -> memref<128xi32, #tpu.memory_space<hbm>>
    %dma_start3A_74 = arith.constant 0 : i32
    %dma_start3A_75 = tpu.memref_slice %arg5[%dma_start3A_68, %dma_start3A_74] : memref<3x128xi32, #tpu.memory_space<vmem>> -> memref<1x128xi32, #tpu.memory_space<vmem>>
    %dma_start3A_76 = tpu.memref_squeeze %dma_start3A_75 : memref<1x128xi32, #tpu.memory_space<vmem>> -> memref<128xi32, #tpu.memory_space<vmem>>
    %dma_start3A_77 = tpu.memref_slice %arg3[%dma_start3A_67, %mul3A_66] : memref<2x320000xi32, #tpu.memory_space<hbm>> -> memref<1x128xi32, #tpu.memory_space<hbm>>
    %dma_start3A_78 = tpu.memref_squeeze %dma_start3A_77 : memref<1x128xi32, #tpu.memory_space<hbm>> -> memref<128xi32, #tpu.memory_space<hbm>>
    tpu.enqueue_dma source(%dma_start3A_78 : memref<128xi32, #tpu.memory_space<hbm>>) target(%dma_start3A_76 : memref<128xi32, #tpu.memory_space<vmem>>) target_semaphore(%arg9 : memref<!tpu.dma_semaphore, #tpu.memory_space<semaphore_mem>>)
    %dma_start3A_79 = arith.constant 1 : i32
    %dma_start3A_80 = arith.constant 2 : i32
    %dma_start3A_81 = arith.constant 0 : i32
    %dma_start3A_82 = tpu.memref_slice %arg6[%dma_start3A_80, %dma_start3A_81] : memref<4x128xi32, #tpu.memory_space<vmem>> -> memref<1x128xi32, #tpu.memory_space<vmem>>
    %dma_start3A_83 = tpu.memref_squeeze %dma_start3A_82 : memref<1x128xi32, #tpu.memory_space<vmem>> -> memref<128xi32, #tpu.memory_space<vmem>>
    %dma_start3A_84 = tpu.memref_slice %arg3[%dma_start3A_79, %mul3A_66] : memref<2x320000xi32, #tpu.memory_space<hbm>> -> memref<1x128xi32, #tpu.memory_space<hbm>>
    %dma_start3A_85 = tpu.memref_squeeze %dma_start3A_84 : memref<1x128xi32, #tpu.memory_space<hbm>> -> memref<128xi32, #tpu.memory_space<hbm>>
    %dma_start3A_86 = arith.constant 0 : i32
    %dma_start3A_87 = tpu.memref_slice %arg6[%dma_start3A_80, %dma_start3A_86] : memref<4x128xi32, #tpu.memory_space<vmem>> -> memref<1x128xi32, #tpu.memory_space<vmem>>
    %dma_start3A_88 = tpu.memref_squeeze %dma_start3A_87 : memref<1x128xi32, #tpu.memory_space<vmem>> -> memref<128xi32, #tpu.memory_space<vmem>>
    %dma_start3A_89 = tpu.memref_slice %arg3[%dma_start3A_79, %mul3A_66] : memref<2x320000xi32, #tpu.memory_space<hbm>> -> memref<1x128xi32, #tpu.memory_space<hbm>>
    %dma_start3A_90 = tpu.memref_squeeze %dma_start3A_89 : memref<1x128xi32, #tpu.memory_space<hbm>> -> memref<128xi32, #tpu.memory_space<hbm>>
    tpu.enqueue_dma source(%dma_start3A_90 : memref<128xi32, #tpu.memory_space<hbm>>) target(%dma_start3A_88 : memref<128xi32, #tpu.memory_space<vmem>>) target_semaphore(%arg9 : memref<!tpu.dma_semaphore, #tpu.memory_space<semaphore_mem>>)
    %scan3A = arith.constant 0 : i32
    %scan3A_91 = arith.constant 0 : i32
    %scan3A_92 = arith.constant 128 : i32
    %scan3A_93 = arith.addi %scan3A_91, %scan3A_92 : i32
    %scan3A_94 = arith.constant 1 : i32
    scf.for %scan3A_184 = %scan3A_91 to %scan3A_93 step %scan3A_94  : i32 {
      %broadcast_in_dim3A = arith.constant 0.000000e+00 : f32
      %broadcast_in_dim3A_185 = vector.broadcast %broadcast_in_dim3A : f32 to vector<16xf32>
      %swap3A = arith.constant 2 : i32
      %swap3A_186 = arith.index_cast %swap3A : i32 to index
      %swap3A_187 = arith.index_cast %scan3A_184 : i32 to index
      %swap3A_188 = arith.constant 0 : index
      %swap3A_189 = tpu.vector_load %arg7[%swap3A_186, %swap3A_187, %swap3A_188] {strides = array<i32>} : memref<3x128x128xf32, #tpu.memory_space<vmem>>, vector<1x1x16xf32>,
      %swap3A_190 = vector.shape_cast %swap3A_189 : vector<1x1x16xf32> to vector<16xf32>
      %swap3A_191 = vector.shape_cast %broadcast_in_dim3A_185 : vector<16xf32> to vector<1x1x16xf32>
      tpu.vector_store %arg7[%swap3A_186, %swap3A_187, %swap3A_188], %swap3A_191 {strides = array<i32>} : memref<3x128x128xf32, #tpu.memory_space<vmem>>, vector<1x1x16xf32>,
      %broadcast_in_dim3A_192 = arith.constant 0.000000e+00 : f32
      %broadcast_in_dim3A_193 = vector.broadcast %broadcast_in_dim3A_192 : f32 to vector<16xf32>
      %swap3A_194 = arith.constant 2 : i32
      %swap3A_195 = arith.index_cast %swap3A_194 : i32 to index
      %swap3A_196 = arith.index_cast %scan3A_184 : i32 to index
      %swap3A_197 = arith.constant 16 : index
      %swap3A_198 = tpu.vector_load %arg7[%swap3A_195, %swap3A_196, %swap3A_197] {strides = array<i32>} : memref<3x128x128xf32, #tpu.memory_space<vmem>>, vector<1x1x16xf32>,
      %swap3A_199 = vector.shape_cast %swap3A_198 : vector<1x1x16xf32> to vector<16xf32>
      %swap3A_200 = vector.shape_cast %broadcast_in_dim3A_193 : vector<16xf32> to vector<1x1x16xf32>
      tpu.vector_store %arg7[%swap3A_195, %swap3A_196, %swap3A_197], %swap3A_200 {strides = array<i32>} : memref<3x128x128xf32, #tpu.memory_space<vmem>>, vector<1x1x16xf32>,
      %broadcast_in_dim3A_201 = arith.constant 0.000000e+00 : f32
      %broadcast_in_dim3A_202 = vector.broadcast %broadcast_in_dim3A_201 : f32 to vector<16xf32>
      %swap3A_203 = arith.constant 2 : i32
      %swap3A_204 = arith.index_cast %swap3A_203 : i32 to index
      %swap3A_205 = arith.index_cast %scan3A_184 : i32 to index
      %swap3A_206 = arith.constant 32 : index
      %swap3A_207 = tpu.vector_load %arg7[%swap3A_204, %swap3A_205, %swap3A_206] {strides = array<i32>} : memref<3x128x128xf32, #tpu.memory_space<vmem>>, vector<1x1x16xf32>,
      %swap3A_208 = vector.shape_cast %swap3A_207 : vector<1x1x16xf32> to vector<16xf32>
      %swap3A_209 = vector.shape_cast %broadcast_in_dim3A_202 : vector<16xf32> to vector<1x1x16xf32>
      tpu.vector_store %arg7[%swap3A_204, %swap3A_205, %swap3A_206], %swap3A_209 {strides = array<i32>} : memref<3x128x128xf32, #tpu.memory_space<vmem>>, vector<1x1x16xf32>,
      %broadcast_in_dim3A_210 = arith.constant 0.000000e+00 : f32
      %broadcast_in_dim3A_211 = vector.broadcast %broadcast_in_dim3A_210 : f32 to vector<16xf32>
      %swap3A_212 = arith.constant 2 : i32
      %swap3A_213 = arith.index_cast %swap3A_212 : i32 to index
      %swap3A_214 = arith.index_cast %scan3A_184 : i32 to index
      %swap3A_215 = arith.constant 48 : index
      %swap3A_216 = tpu.vector_load %arg7[%swap3A_213, %swap3A_214, %swap3A_215] {strides = array<i32>} : memref<3x128x128xf32, #tpu.memory_space<vmem>>, vector<1x1x16xf32>,
      %swap3A_217 = vector.shape_cast %swap3A_216 : vector<1x1x16xf32> to vector<16xf32>
      %swap3A_218 = vector.shape_cast %broadcast_in_dim3A_211 : vector<16xf32> to vector<1x1x16xf32>
      tpu.vector_store %arg7[%swap3A_213, %swap3A_214, %swap3A_215], %swap3A_218 {strides = array<i32>} : memref<3x128x128xf32, #tpu.memory_space<vmem>>, vector<1x1x16xf32>,
      %broadcast_in_dim3A_219 = arith.constant 0.000000e+00 : f32
      %broadcast_in_dim3A_220 = vector.broadcast %broadcast_in_dim3A_219 : f32 to vector<16xf32>
      %swap3A_221 = arith.constant 2 : i32
      %swap3A_222 = arith.index_cast %swap3A_221 : i32 to index
      %swap3A_223 = arith.index_cast %scan3A_184 : i32 to index
      %swap3A_224 = arith.constant 64 : index
      %swap3A_225 = tpu.vector_load %arg7[%swap3A_222, %swap3A_223, %swap3A_224] {strides = array<i32>} : memref<3x128x128xf32, #tpu.memory_space<vmem>>, vector<1x1x16xf32>,
      %swap3A_226 = vector.shape_cast %swap3A_225 : vector<1x1x16xf32> to vector<16xf32>
      %swap3A_227 = vector.shape_cast %broadcast_in_dim3A_220 : vector<16xf32> to vector<1x1x16xf32>
      tpu.vector_store %arg7[%swap3A_222, %swap3A_223, %swap3A_224], %swap3A_227 {strides = array<i32>} : memref<3x128x128xf32, #tpu.memory_space<vmem>>, vector<1x1x16xf32>,
      %broadcast_in_dim3A_228 = arith.constant 0.000000e+00 : f32
      %broadcast_in_dim3A_229 = vector.broadcast %broadcast_in_dim3A_228 : f32 to vector<16xf32>
      %swap3A_230 = arith.constant 2 : i32
      %swap3A_231 = arith.index_cast %swap3A_230 : i32 to index
      %swap3A_232 = arith.index_cast %scan3A_184 : i32 to index
      %swap3A_233 = arith.constant 80 : index
      %swap3A_234 = tpu.vector_load %arg7[%swap3A_231, %swap3A_232, %swap3A_233] {strides = array<i32>} : memref<3x128x128xf32, #tpu.memory_space<vmem>>, vector<1x1x16xf32>,
      %swap3A_235 = vector.shape_cast %swap3A_234 : vector<1x1x16xf32> to vector<16xf32>
      %swap3A_236 = vector.shape_cast %broadcast_in_dim3A_229 : vector<16xf32> to vector<1x1x16xf32>
      tpu.vector_store %arg7[%swap3A_231, %swap3A_232, %swap3A_233], %swap3A_236 {strides = array<i32>} : memref<3x128x128xf32, #tpu.memory_space<vmem>>, vector<1x1x16xf32>,
      %broadcast_in_dim3A_237 = arith.constant 0.000000e+00 : f32
      %broadcast_in_dim3A_238 = vector.broadcast %broadcast_in_dim3A_237 : f32 to vector<16xf32>
      %swap3A_239 = arith.constant 2 : i32
      %swap3A_240 = arith.index_cast %swap3A_239 : i32 to index
      %swap3A_241 = arith.index_cast %scan3A_184 : i32 to index
      %swap3A_242 = arith.constant 96 : index
      %swap3A_243 = tpu.vector_load %arg7[%swap3A_240, %swap3A_241, %swap3A_242] {strides = array<i32>} : memref<3x128x128xf32, #tpu.memory_space<vmem>>, vector<1x1x16xf32>,
      %swap3A_244 = vector.shape_cast %swap3A_243 : vector<1x1x16xf32> to vector<16xf32>
      %swap3A_245 = vector.shape_cast %broadcast_in_dim3A_238 : vector<16xf32> to vector<1x1x16xf32>
      tpu.vector_store %arg7[%swap3A_240, %swap3A_241, %swap3A_242], %swap3A_245 {strides = array<i32>} : memref<3x128x128xf32, #tpu.memory_space<vmem>>, vector<1x1x16xf32>,
      %broadcast_in_dim3A_246 = arith.constant 0.000000e+00 : f32
      %broadcast_in_dim3A_247 = vector.broadcast %broadcast_in_dim3A_246 : f32 to vector<16xf32>
      %swap3A_248 = arith.constant 2 : i32
      %swap3A_249 = arith.index_cast %swap3A_248 : i32 to index
      %swap3A_250 = arith.index_cast %scan3A_184 : i32 to index
      %swap3A_251 = arith.constant 112 : index
      %swap3A_252 = tpu.vector_load %arg7[%swap3A_249, %swap3A_250, %swap3A_251] {strides = array<i32>} : memref<3x128x128xf32, #tpu.memory_space<vmem>>, vector<1x1x16xf32>,
      %swap3A_253 = vector.shape_cast %swap3A_252 : vector<1x1x16xf32> to vector<16xf32>
      %swap3A_254 = vector.shape_cast %broadcast_in_dim3A_247 : vector<16xf32> to vector<1x1x16xf32>
      tpu.vector_store %arg7[%swap3A_249, %swap3A_250, %swap3A_251], %swap3A_254 {strides = array<i32>} : memref<3x128x128xf32, #tpu.memory_space<vmem>>, vector<1x1x16xf32>,
    }
    %scan3A_95 = arith.constant 128 : i32
    %dma_wait3A = arith.constant 0 : i32
    %dma_wait3A_96 = arith.constant 0 : i32
    %dma_wait3A_97 = arith.constant 0 : i32
    %dma_wait3A_98 = tpu.memref_slice %arg7[%dma_wait3A, %dma_wait3A_96, %dma_wait3A_97] : memref<3x128x128xf32, #tpu.memory_space<vmem>> -> memref<1x2x128xf32, #tpu.memory_space<vmem>>
    %dma_wait3A_99 = tpu.memref_squeeze %dma_wait3A_98 : memref<1x2x128xf32, #tpu.memory_space<vmem>> -> memref<2x128xf32, #tpu.memory_space<vmem>>
    %dma_wait3A_100 = arith.constant 0 : i32
    %dma_wait3A_101 = arith.constant 0 : i32
    %dma_wait3A_102 = tpu.memref_slice %arg2[%dma_wait3A_100, %dma_wait3A_101] : memref<10000x128xf32, #tpu.memory_space<hbm>> -> memref<2x128xf32, #tpu.memory_space<hbm>>
    %dma_wait3A_103 = arith.constant 0 : i32
    %dma_wait3A_104 = arith.constant 0 : i32
    %dma_wait3A_105 = tpu.memref_slice %arg7[%dma_wait3A, %dma_wait3A_103, %dma_wait3A_104] : memref<3x128x128xf32, #tpu.memory_space<vmem>> -> memref<1x2x128xf32, #tpu.memory_space<vmem>>
    %dma_wait3A_106 = tpu.memref_squeeze %dma_wait3A_105 : memref<1x2x128xf32, #tpu.memory_space<vmem>> -> memref<2x128xf32, #tpu.memory_space<vmem>>
    %dma_wait3A_107 = arith.constant 0 : i32
    %dma_wait3A_108 = arith.constant 0 : i32
    %dma_wait3A_109 = tpu.memref_slice %arg2[%dma_wait3A_107, %dma_wait3A_108] : memref<10000x128xf32, #tpu.memory_space<hbm>> -> memref<2x128xf32, #tpu.memory_space<hbm>>
    tpu.wait_dma2 semaphore(%arg9 : memref<!tpu.dma_semaphore, #tpu.memory_space<semaphore_mem>>) src(%dma_wait3A_109 : memref<2x128xf32, #tpu.memory_space<hbm>>) dst(%dma_wait3A_106 : memref<2x128xf32, #tpu.memory_space<vmem>>)
    %dma_wait3A_110 = arith.constant 0 : i32
    %dma_wait3A_111 = arith.constant 0 : i32
    %dma_wait3A_112 = arith.constant 0 : i32
    %dma_wait3A_113 = tpu.memref_slice %arg7[%dma_wait3A_110, %dma_wait3A_111, %dma_wait3A_112] : memref<3x128x128xf32, #tpu.memory_space<vmem>> -> memref<1x2x128xf32, #tpu.memory_space<vmem>>
    %dma_wait3A_114 = tpu.memref_squeeze %dma_wait3A_113 : memref<1x2x128xf32, #tpu.memory_space<vmem>> -> memref<2x128xf32, #tpu.memory_space<vmem>>
    %dma_wait3A_115 = arith.constant 0 : i32
    %dma_wait3A_116 = arith.constant 0 : i32
    %dma_wait3A_117 = tpu.memref_slice %arg2[%dma_wait3A_115, %dma_wait3A_116] : memref<10000x128xf32, #tpu.memory_space<hbm>> -> memref<2x128xf32, #tpu.memory_space<hbm>>
    %dma_wait3A_118 = arith.constant 0 : i32
    %dma_wait3A_119 = arith.constant 0 : i32
    %dma_wait3A_120 = tpu.memref_slice %arg7[%dma_wait3A_110, %dma_wait3A_118, %dma_wait3A_119] : memref<3x128x128xf32, #tpu.memory_space<vmem>> -> memref<1x2x128xf32, #tpu.memory_space<vmem>>
    %dma_wait3A_121 = tpu.memref_squeeze %dma_wait3A_120 : memref<1x2x128xf32, #tpu.memory_space<vmem>> -> memref<2x128xf32, #tpu.memory_space<vmem>>
    %dma_wait3A_122 = arith.constant 0 : i32
    %dma_wait3A_123 = arith.constant 0 : i32
    %dma_wait3A_124 = tpu.memref_slice %arg2[%dma_wait3A_122, %dma_wait3A_123] : memref<10000x128xf32, #tpu.memory_space<hbm>> -> memref<2x128xf32, #tpu.memory_space<hbm>>
    tpu.wait_dma2 semaphore(%arg9 : memref<!tpu.dma_semaphore, #tpu.memory_space<semaphore_mem>>) src(%dma_wait3A_124 : memref<2x128xf32, #tpu.memory_space<hbm>>) dst(%dma_wait3A_121 : memref<2x128xf32, #tpu.memory_space<vmem>>)
    %dma_start3A_125 = arith.constant 0 : i32
    %dma_start3A_126 = arith.constant 0 : i32
    %dma_start3A_127 = arith.constant 0 : i32
    %dma_start3A_128 = arith.constant 0 : i32
    %dma_start3A_129 = tpu.memref_slice %arg7[%dma_start3A_126, %dma_start3A_127, %dma_start3A_128] : memref<3x128x128xf32, #tpu.memory_space<vmem>> -> memref<1x128x128xf32, #tpu.memory_space<vmem>>
    %dma_start3A_130 = tpu.memref_squeeze %dma_start3A_129 : memref<1x128x128xf32, #tpu.memory_space<vmem>> -> memref<128x128xf32, #tpu.memory_space<vmem>>
    %dma_start3A_131 = arith.constant 0 : i32
    %dma_start3A_132 = tpu.memref_slice %arg5[%dma_start3A_125, %dma_start3A_131] : memref<3x128xi32, #tpu.memory_space<vmem>> -> memref<1x128xi32, #tpu.memory_space<vmem>>
    %dma_start3A_133 = tpu.memref_squeeze %dma_start3A_132 : memref<1x128xi32, #tpu.memory_space<vmem>> -> memref<128xi32, #tpu.memory_space<vmem>>
    %dma_start3A_134 = arith.constant 0 : i32
    %dma_start3A_135 = arith.constant 0 : i32
    %dma_start3A_136 = tpu.memref_slice %arg2[%dma_start3A_134, %dma_start3A_135] : memref<10000x128xf32, #tpu.memory_space<hbm>> -> memref<10000x128xf32, #tpu.memory_space<hbm>>
    tpu.enqueue_indirect_dma source(%dma_start3A_136 : memref<10000x128xf32, #tpu.memory_space<hbm>>) target(%dma_start3A_130 : memref<128x128xf32, #tpu.memory_space<vmem>>) offsets(%dma_start3A_133 : memref<128xi32, #tpu.memory_space<vmem>>) semaphore(%arg10 : memref<!tpu.dma_semaphore, #tpu.memory_space<semaphore_mem>>)
    %dma_start3A_137 = arith.constant 1 : i32
    %dma_start3A_138 = arith.constant 1 : i32
    %dma_start3A_139 = arith.constant 0 : i32
    %dma_start3A_140 = arith.constant 0 : i32
    %dma_start3A_141 = tpu.memref_slice %arg7[%dma_start3A_138, %dma_start3A_139, %dma_start3A_140] : memref<3x128x128xf32, #tpu.memory_space<vmem>> -> memref<1x128x128xf32, #tpu.memory_space<vmem>>
    %dma_start3A_142 = tpu.memref_squeeze %dma_start3A_141 : memref<1x128x128xf32, #tpu.memory_space<vmem>> -> memref<128x128xf32, #tpu.memory_space<vmem>>
    %dma_start3A_143 = arith.constant 0 : i32
    %dma_start3A_144 = tpu.memref_slice %arg5[%dma_start3A_137, %dma_start3A_143] : memref<3x128xi32, #tpu.memory_space<vmem>> -> memref<1x128xi32, #tpu.memory_space<vmem>>
    %dma_start3A_145 = tpu.memref_squeeze %dma_start3A_144 : memref<1x128xi32, #tpu.memory_space<vmem>> -> memref<128xi32, #tpu.memory_space<vmem>>
    %dma_start3A_146 = arith.constant 0 : i32
    %dma_start3A_147 = arith.constant 0 : i32
    %dma_start3A_148 = tpu.memref_slice %arg2[%dma_start3A_146, %dma_start3A_147] : memref<10000x128xf32, #tpu.memory_space<hbm>> -> memref<10000x128xf32, #tpu.memory_space<hbm>>
    tpu.enqueue_indirect_dma source(%dma_start3A_148 : memref<10000x128xf32, #tpu.memory_space<hbm>>) target(%dma_start3A_142 : memref<128x128xf32, #tpu.memory_space<vmem>>) offsets(%dma_start3A_145 : memref<128xi32, #tpu.memory_space<vmem>>) semaphore(%arg10 : memref<!tpu.dma_semaphore, #tpu.memory_space<semaphore_mem>>)
    %mul3A_149 = arith.constant 632 : i32
    %mul3A_150 = arith.muli %arg1, %mul3A_149 : i32
    %add3A_151 = arith.constant 0 : i32
    %add3A_152 = arith.addi %mul3A_150, %add3A_151 : i32
    %run_scoped3A = arith.constant 2 : i32
    "tpu.region"() ({
      %run_scoped3A_184 = tpu.sem_alloc : memref<!tpu.dma_semaphore, #tpu.memory_space<semaphore_mem>>
      %dma_start3A_185 = arith.constant 0 : i32
      %dma_start3A_186 = arith.constant 0 : i32
      %dma_start3A_187 = tpu.memref_slice %arg7[%run_scoped3A, %dma_start3A_185, %dma_start3A_186] : memref<3x128x128xf32, #tpu.memory_space<vmem>> -> memref<1x128x128xf32, #tpu.memory_space<vmem>>
      %dma_start3A_188 = tpu.memref_squeeze %dma_start3A_187 : memref<1x128x128xf32, #tpu.memory_space<vmem>> -> memref<128x128xf32, #tpu.memory_space<vmem>>
      %dma_start3A_189 = arith.constant 0 : i32
      %dma_start3A_190 = tpu.memref_slice %arg8[%add3A_152, %dma_start3A_189] : memref<10112x128xf32, #tpu.memory_space<vmem_shared>> -> memref<128x128xf32, #tpu.memory_space<vmem_shared>>
      %dma_start3A_191 = arith.constant 0 : i32
      %dma_start3A_192 = tpu.memref_slice %arg8[%add3A_152, %dma_start3A_191] : memref<10112x128xf32, #tpu.memory_space<vmem_shared>> -> memref<128x128xf32, #tpu.memory_space<vmem_shared>>
      %dma_start3A_193 = arith.constant 0 : i32
      %dma_start3A_194 = arith.constant 0 : i32
      %dma_start3A_195 = tpu.memref_slice %arg7[%run_scoped3A, %dma_start3A_193, %dma_start3A_194] : memref<3x128x128xf32, #tpu.memory_space<vmem>> -> memref<1x128x128xf32, #tpu.memory_space<vmem>>
      %dma_start3A_196 = tpu.memref_squeeze %dma_start3A_195 : memref<1x128x128xf32, #tpu.memory_space<vmem>> -> memref<128x128xf32, #tpu.memory_space<vmem>>
      tpu.enqueue_dma source(%dma_start3A_196 : memref<128x128xf32, #tpu.memory_space<vmem>>) target(%dma_start3A_192 : memref<128x128xf32, #tpu.memory_space<vmem_shared>>) target_semaphore(%run_scoped3A_184 : memref<!tpu.dma_semaphore, #tpu.memory_space<semaphore_mem>>)
      %dma_wait3A_197 = arith.constant 0 : i32
      %dma_wait3A_198 = arith.constant 0 : i32
      %dma_wait3A_199 = tpu.memref_slice %arg7[%run_scoped3A, %dma_wait3A_197, %dma_wait3A_198] : memref<3x128x128xf32, #tpu.memory_space<vmem>> -> memref<1x128x128xf32, #tpu.memory_space<vmem>>
      %dma_wait3A_200 = tpu.memref_squeeze %dma_wait3A_199 : memref<1x128x128xf32, #tpu.memory_space<vmem>> -> memref<128x128xf32, #tpu.memory_space<vmem>>
      %dma_wait3A_201 = arith.constant 0 : i32
      %dma_wait3A_202 = tpu.memref_slice %arg8[%add3A_152, %dma_wait3A_201] : memref<10112x128xf32, #tpu.memory_space<vmem_shared>> -> memref<128x128xf32, #tpu.memory_space<vmem_shared>>
      %dma_wait3A_203 = arith.constant 0 : i32
      %dma_wait3A_204 = tpu.memref_slice %arg8[%add3A_152, %dma_wait3A_203] : memref<10112x128xf32, #tpu.memory_space<vmem_shared>> -> memref<128x128xf32, #tpu.memory_space<vmem_shared>>
      %dma_wait3A_205 = arith.constant 0 : i32
      %dma_wait3A_206 = arith.constant 0 : i32
      %dma_wait3A_207 = tpu.memref_slice %arg7[%run_scoped3A, %dma_wait3A_205, %dma_wait3A_206] : memref<3x128x128xf32, #tpu.memory_space<vmem>> -> memref<1x128x128xf32, #tpu.memory_space<vmem>>
      %dma_wait3A_208 = tpu.memref_squeeze %dma_wait3A_207 : memref<1x128x128xf32, #tpu.memory_space<vmem>> -> memref<128x128xf32, #tpu.memory_space<vmem>>
      tpu.wait_dma2 semaphore(%run_scoped3A_184 : memref<!tpu.dma_semaphore, #tpu.memory_space<semaphore_mem>>) src(%dma_wait3A_208 : memref<128x128xf32, #tpu.memory_space<vmem>>) dst(%dma_wait3A_204 : memref<128x128xf32, #tpu.memory_space<vmem_shared>>)
      tpu.yield
    }) : () -> ()
    %add3A_153 = arith.constant 128 : i32
    %add3A_154 = arith.addi %mul3A_150, %add3A_153 : i32
    %run_scoped3A_155 = arith.constant 2 : i32
    "tpu.region"() ({
      %run_scoped3A_184 = tpu.sem_alloc : memref<!tpu.dma_semaphore, #tpu.memory_space<semaphore_mem>>
      %dma_start3A_185 = arith.constant 0 : i32
      %dma_start3A_186 = arith.constant 0 : i32
      %dma_start3A_187 = tpu.memref_slice %arg7[%run_scoped3A_155, %dma_start3A_185, %dma_start3A_186] : memref<3x128x128xf32, #tpu.memory_space<vmem>> -> memref<1x128x128xf32, #tpu.memory_space<vmem>>
      %dma_start3A_188 = tpu.memref_squeeze %dma_start3A_187 : memref<1x128x128xf32, #tpu.memory_space<vmem>> -> memref<128x128xf32, #tpu.memory_space<vmem>>
      %dma_start3A_189 = arith.constant 0 : i32
      %dma_start3A_190 = tpu.memref_slice %arg8[%add3A_154, %dma_start3A_189] : memref<10112x128xf32, #tpu.memory_space<vmem_shared>> -> memref<128x128xf32, #tpu.memory_space<vmem_shared>>
      %dma_start3A_191 = arith.constant 0 : i32
      %dma_start3A_192 = tpu.memref_slice %arg8[%add3A_154, %dma_start3A_191] : memref<10112x128xf32, #tpu.memory_space<vmem_shared>> -> memref<128x128xf32, #tpu.memory_space<vmem_shared>>
      %dma_start3A_193 = arith.constant 0 : i32
      %dma_start3A_194 = arith.constant 0 : i32
      %dma_start3A_195 = tpu.memref_slice %arg7[%run_scoped3A_155, %dma_start3A_193, %dma_start3A_194] : memref<3x128x128xf32, #tpu.memory_space<vmem>> -> memref<1x128x128xf32, #tpu.memory_space<vmem>>
      %dma_start3A_196 = tpu.memref_squeeze %dma_start3A_195 : memref<1x128x128xf32, #tpu.memory_space<vmem>> -> memref<128x128xf32, #tpu.memory_space<vmem>>
      tpu.enqueue_dma source(%dma_start3A_196 : memref<128x128xf32, #tpu.memory_space<vmem>>) target(%dma_start3A_192 : memref<128x128xf32, #tpu.memory_space<vmem_shared>>) target_semaphore(%run_scoped3A_184 : memref<!tpu.dma_semaphore, #tpu.memory_space<semaphore_mem>>)
      %dma_wait3A_197 = arith.constant 0 : i32
      %dma_wait3A_198 = arith.constant 0 : i32
      %dma_wait3A_199 = tpu.memref_slice %arg7[%run_scoped3A_155, %dma_wait3A_197, %dma_wait3A_198] : memref<3x128x128xf32, #tpu.memory_space<vmem>> -> memref<1x128x128xf32, #tpu.memory_space<vmem>>
      %dma_wait3A_200 = tpu.memref_squeeze %dma_wait3A_199 : memref<1x128x128xf32, #tpu.memory_space<vmem>> -> memref<128x128xf32, #tpu.memory_space<vmem>>
      %dma_wait3A_201 = arith.constant 0 : i32
      %dma_wait3A_202 = tpu.memref_slice %arg8[%add3A_154, %dma_wait3A_201] : memref<10112x128xf32, #tpu.memory_space<vmem_shared>> -> memref<128x128xf32, #tpu.memory_space<vmem_shared>>
      %dma_wait3A_203 = arith.constant 0 : i32
      %dma_wait3A_204 = tpu.memref_slice %arg8[%add3A_154, %dma_wait3A_203] : memref<10112x128xf32, #tpu.memory_space<vmem_shared>> -> memref<128x128xf32, #tpu.memory_space<vmem_shared>>
      %dma_wait3A_205 = arith.constant 0 : i32
      %dma_wait3A_206 = arith.constant 0 : i32
      %dma_wait3A_207 = tpu.memref_slice %arg7[%run_scoped3A_155, %dma_wait3A_205, %dma_wait3A_206] : memref<3x128x128xf32, #tpu.memory_space<vmem>> -> memref<1x128x128xf32, #tpu.memory_space<vmem>>
      %dma_wait3A_208 = tpu.memref_squeeze %dma_wait3A_207 : memref<1x128x128xf32, #tpu.memory_space<vmem>> -> memref<128x128xf32, #tpu.memory_space<vmem>>
      tpu.wait_dma2 semaphore(%run_scoped3A_184 : memref<!tpu.dma_semaphore, #tpu.memory_space<semaphore_mem>>) src(%dma_wait3A_208 : memref<128x128xf32, #tpu.memory_space<vmem>>) dst(%dma_wait3A_204 : memref<128x128xf32, #tpu.memory_space<vmem_shared>>)
      tpu.yield
    }) : () -> ()
    %add3A_156 = arith.constant 256 : i32
    %add3A_157 = arith.addi %mul3A_150, %add3A_156 : i32
    %run_scoped3A_158 = arith.constant 2 : i32
    "tpu.region"() ({
      %run_scoped3A_184 = tpu.sem_alloc : memref<!tpu.dma_semaphore, #tpu.memory_space<semaphore_mem>>
      %dma_start3A_185 = arith.constant 0 : i32
      %dma_start3A_186 = arith.constant 0 : i32
      %dma_start3A_187 = tpu.memref_slice %arg7[%run_scoped3A_158, %dma_start3A_185, %dma_start3A_186] : memref<3x128x128xf32, #tpu.memory_space<vmem>> -> memref<1x128x128xf32, #tpu.memory_space<vmem>>
      %dma_start3A_188 = tpu.memref_squeeze %dma_start3A_187 : memref<1x128x128xf32, #tpu.memory_space<vmem>> -> memref<128x128xf32, #tpu.memory_space<vmem>>
      %dma_start3A_189 = arith.constant 0 : i32
      %dma_start3A_190 = tpu.memref_slice %arg8[%add3A_157, %dma_start3A_189] : memref<10112x128xf32, #tpu.memory_space<vmem_shared>> -> memref<128x128xf32, #tpu.memory_space<vmem_shared>>
      %dma_start3A_191 = arith.constant 0 : i32
      %dma_start3A_192 = tpu.memref_slice %arg8[%add3A_157, %dma_start3A_191] : memref<10112x128xf32, #tpu.memory_space<vmem_shared>> -> memref<128x128xf32, #tpu.memory_space<vmem_shared>>
      %dma_start3A_193 = arith.constant 0 : i32
      %dma_start3A_194 = arith.constant 0 : i32
      %dma_start3A_195 = tpu.memref_slice %arg7[%run_scoped3A_158, %dma_start3A_193, %dma_start3A_194] : memref<3x128x128xf32, #tpu.memory_space<vmem>> -> memref<1x128x128xf32, #tpu.memory_space<vmem>>
      %dma_start3A_196 = tpu.memref_squeeze %dma_start3A_195 : memref<1x128x128xf32, #tpu.memory_space<vmem>> -> memref<128x128xf32, #tpu.memory_space<vmem>>
      tpu.enqueue_dma source(%dma_start3A_196 : memref<128x128xf32, #tpu.memory_space<vmem>>) target(%dma_start3A_192 : memref<128x128xf32, #tpu.memory_space<vmem_shared>>) target_semaphore(%run_scoped3A_184 : memref<!tpu.dma_semaphore, #tpu.memory_space<semaphore_mem>>)
      %dma_wait3A_197 = arith.constant 0 : i32
      %dma_wait3A_198 = arith.constant 0 : i32
      %dma_wait3A_199 = tpu.memref_slice %arg7[%run_scoped3A_158, %dma_wait3A_197, %dma_wait3A_198] : memref<3x128x128xf32, #tpu.memory_space<vmem>> -> memref<1x128x128xf32, #tpu.memory_space<vmem>>
      %dma_wait3A_200 = tpu.memref_squeeze %dma_wait3A_199 : memref<1x128x128xf32, #tpu.memory_space<vmem>> -> memref<128x128xf32, #tpu.memory_space<vmem>>
      %dma_wait3A_201 = arith.constant 0 : i32
      %dma_wait3A_202 = tpu.memref_slice %arg8[%add3A_157, %dma_wait3A_201] : memref<10112x128xf32, #tpu.memory_space<vmem_shared>> -> memref<128x128xf32, #tpu.memory_space<vmem_shared>>
      %dma_wait3A_203 = arith.constant 0 : i32
      %dma_wait3A_204 = tpu.memref_slice %arg8[%add3A_157, %dma_wait3A_203] : memref<10112x128xf32, #tpu.memory_space<vmem_shared>> -> memref<128x128xf32, #tpu.memory_space<vmem_shared>>
      %dma_wait3A_205 = arith.constant 0 : i32
      %dma_wait3A_206 = arith.constant 0 : i32
      %dma_wait3A_207 = tpu.memref_slice %arg7[%run_scoped3A_158, %dma_wait3A_205, %dma_wait3A_206] : memref<3x128x128xf32, #tpu.memory_space<vmem>> -> memref<1x128x128xf32, #tpu.memory_space<vmem>>
      %dma_wait3A_208 = tpu.memref_squeeze %dma_wait3A_207 : memref<1x128x128xf32, #tpu.memory_space<vmem>> -> memref<128x128xf32, #tpu.memory_space<vmem>>
      tpu.wait_dma2 semaphore(%run_scoped3A_184 : memref<!tpu.dma_semaphore, #tpu.memory_space<semaphore_mem>>) src(%dma_wait3A_208 : memref<128x128xf32, #tpu.memory_space<vmem>>) dst(%dma_wait3A_204 : memref<128x128xf32, #tpu.memory_space<vmem_shared>>)
      tpu.yield
    }) : () -> ()
    %add3A_159 = arith.constant 384 : i32
    %add3A_160 = arith.addi %mul3A_150, %add3A_159 : i32
    %run_scoped3A_161 = arith.constant 2 : i32
    "tpu.region"() ({
      %run_scoped3A_184 = tpu.sem_alloc : memref<!tpu.dma_semaphore, #tpu.memory_space<semaphore_mem>>
      %dma_start3A_185 = arith.constant 0 : i32
      %dma_start3A_186 = arith.constant 0 : i32
      %dma_start3A_187 = tpu.memref_slice %arg7[%run_scoped3A_161, %dma_start3A_185, %dma_start3A_186] : memref<3x128x128xf32, #tpu.memory_space<vmem>> -> memref<1x128x128xf32, #tpu.memory_space<vmem>>
      %dma_start3A_188 = tpu.memref_squeeze %dma_start3A_187 : memref<1x128x128xf32, #tpu.memory_space<vmem>> -> memref<128x128xf32, #tpu.memory_space<vmem>>
      %dma_start3A_189 = arith.constant 0 : i32
      %dma_start3A_190 = tpu.memref_slice %arg8[%add3A_160, %dma_start3A_189] : memref<10112x128xf32, #tpu.memory_space<vmem_shared>> -> memref<128x128xf32, #tpu.memory_space<vmem_shared>>
      %dma_start3A_191 = arith.constant 0 : i32
      %dma_start3A_192 = tpu.memref_slice %arg8[%add3A_160, %dma_start3A_191] : memref<10112x128xf32, #tpu.memory_space<vmem_shared>> -> memref<128x128xf32, #tpu.memory_space<vmem_shared>>
      %dma_start3A_193 = arith.constant 0 : i32
      %dma_start3A_194 = arith.constant 0 : i32
      %dma_start3A_195 = tpu.memref_slice %arg7[%run_scoped3A_161, %dma_start3A_193, %dma_start3A_194] : memref<3x128x128xf32, #tpu.memory_space<vmem>> -> memref<1x128x128xf32, #tpu.memory_space<vmem>>
      %dma_start3A_196 = tpu.memref_squeeze %dma_start3A_195 : memref<1x128x128xf32, #tpu.memory_space<vmem>> -> memref<128x128xf32, #tpu.memory_space<vmem>>
      tpu.enqueue_dma source(%dma_start3A_196 : memref<128x128xf32, #tpu.memory_space<vmem>>) target(%dma_start3A_192 : memref<128x128xf32, #tpu.memory_space<vmem_shared>>) target_semaphore(%run_scoped3A_184 : memref<!tpu.dma_semaphore, #tpu.memory_space<semaphore_mem>>)
      %dma_wait3A_197 = arith.constant 0 : i32
      %dma_wait3A_198 = arith.constant 0 : i32
      %dma_wait3A_199 = tpu.memref_slice %arg7[%run_scoped3A_161, %dma_wait3A_197, %dma_wait3A_198] : memref<3x128x128xf32, #tpu.memory_space<vmem>> -> memref<1x128x128xf32, #tpu.memory_space<vmem>>
      %dma_wait3A_200 = tpu.memref_squeeze %dma_wait3A_199 : memref<1x128x128xf32, #tpu.memory_space<vmem>> -> memref<128x128xf32, #tpu.memory_space<vmem>>
      %dma_wait3A_201 = arith.constant 0 : i32
      %dma_wait3A_202 = tpu.memref_slice %arg8[%add3A_160, %dma_wait3A_201] : memref<10112x128xf32, #tpu.memory_space<vmem_shared>> -> memref<128x128xf32, #tpu.memory_space<vmem_shared>>
      %dma_wait3A_203 = arith.constant 0 : i32
      %dma_wait3A_204 = tpu.memref_slice %arg8[%add3A_160, %dma_wait3A_203] : memref<10112x128xf32, #tpu.memory_space<vmem_shared>> -> memref<128x128xf32, #tpu.memory_space<vmem_shared>>
      %dma_wait3A_205 = arith.constant 0 : i32
      %dma_wait3A_206 = arith.constant 0 : i32
      %dma_wait3A_207 = tpu.memref_slice %arg7[%run_scoped3A_161, %dma_wait3A_205, %dma_wait3A_206] : memref<3x128x128xf32, #tpu.memory_space<vmem>> -> memref<1x128x128xf32, #tpu.memory_space<vmem>>
      %dma_wait3A_208 = tpu.memref_squeeze %dma_wait3A_207 : memref<1x128x128xf32, #tpu.memory_space<vmem>> -> memref<128x128xf32, #tpu.memory_space<vmem>>
      tpu.wait_dma2 semaphore(%run_scoped3A_184 : memref<!tpu.dma_semaphore, #tpu.memory_space<semaphore_mem>>) src(%dma_wait3A_208 : memref<128x128xf32, #tpu.memory_space<vmem>>) dst(%dma_wait3A_204 : memref<128x128xf32, #tpu.memory_space<vmem_shared>>)
      tpu.yield
    }) : () -> ()
    %add3A_162 = arith.constant 512 : i32
    %add3A_163 = arith.addi %mul3A_150, %add3A_162 : i32
    %run_scoped3A_164 = arith.constant 2 : i32
    "tpu.region"() ({
      %run_scoped3A_184 = tpu.sem_alloc : memref<!tpu.dma_semaphore, #tpu.memory_space<semaphore_mem>>
      %dma_start3A_185 = arith.constant 0 : i32
      %dma_start3A_186 = arith.constant 0 : i32
      %dma_start3A_187 = tpu.memref_slice %arg7[%run_scoped3A_164, %dma_start3A_185, %dma_start3A_186] : memref<3x128x128xf32, #tpu.memory_space<vmem>> -> memref<1x120x128xf32, #tpu.memory_space<vmem>>
      %dma_start3A_188 = tpu.memref_squeeze %dma_start3A_187 : memref<1x120x128xf32, #tpu.memory_space<vmem>> -> memref<120x128xf32, #tpu.memory_space<vmem>>
      %dma_start3A_189 = arith.constant 0 : i32
      %dma_start3A_190 = tpu.memref_slice %arg8[%add3A_163, %dma_start3A_189] : memref<10112x128xf32, #tpu.memory_space<vmem_shared>> -> memref<120x128xf32, #tpu.memory_space<vmem_shared>>
      %dma_start3A_191 = arith.constant 0 : i32
      %dma_start3A_192 = tpu.memref_slice %arg8[%add3A_163, %dma_start3A_191] : memref<10112x128xf32, #tpu.memory_space<vmem_shared>> -> memref<120x128xf32, #tpu.memory_space<vmem_shared>>
      %dma_start3A_193 = arith.constant 0 : i32
      %dma_start3A_194 = arith.constant 0 : i32
      %dma_start3A_195 = tpu.memref_slice %arg7[%run_scoped3A_164, %dma_start3A_193, %dma_start3A_194] : memref<3x128x128xf32, #tpu.memory_space<vmem>> -> memref<1x120x128xf32, #tpu.memory_space<vmem>>
      %dma_start3A_196 = tpu.memref_squeeze %dma_start3A_195 : memref<1x120x128xf32, #tpu.memory_space<vmem>> -> memref<120x128xf32, #tpu.memory_space<vmem>>
      tpu.enqueue_dma source(%dma_start3A_196 : memref<120x128xf32, #tpu.memory_space<vmem>>) target(%dma_start3A_192 : memref<120x128xf32, #tpu.memory_space<vmem_shared>>) target_semaphore(%run_scoped3A_184 : memref<!tpu.dma_semaphore, #tpu.memory_space<semaphore_mem>>)
      %dma_wait3A_197 = arith.constant 0 : i32
      %dma_wait3A_198 = arith.constant 0 : i32
      %dma_wait3A_199 = tpu.memref_slice %arg7[%run_scoped3A_164, %dma_wait3A_197, %dma_wait3A_198] : memref<3x128x128xf32, #tpu.memory_space<vmem>> -> memref<1x120x128xf32, #tpu.memory_space<vmem>>
      %dma_wait3A_200 = tpu.memref_squeeze %dma_wait3A_199 : memref<1x120x128xf32, #tpu.memory_space<vmem>> -> memref<120x128xf32, #tpu.memory_space<vmem>>
      %dma_wait3A_201 = arith.constant 0 : i32
      %dma_wait3A_202 = tpu.memref_slice %arg8[%add3A_163, %dma_wait3A_201] : memref<10112x128xf32, #tpu.memory_space<vmem_shared>> -> memref<120x128xf32, #tpu.memory_space<vmem_shared>>
      %dma_wait3A_203 = arith.constant 0 : i32
      %dma_wait3A_204 = tpu.memref_slice %arg8[%add3A_163, %dma_wait3A_203] : memref<10112x128xf32, #tpu.memory_space<vmem_shared>> -> memref<120x128xf32, #tpu.memory_space<vmem_shared>>
      %dma_wait3A_205 = arith.constant 0 : i32
      %dma_wait3A_206 = arith.constant 0 : i32
      %dma_wait3A_207 = tpu.memref_slice %arg7[%run_scoped3A_164, %dma_wait3A_205, %dma_wait3A_206] : memref<3x128x128xf32, #tpu.memory_space<vmem>> -> memref<1x120x128xf32, #tpu.memory_space<vmem>>
      %dma_wait3A_208 = tpu.memref_squeeze %dma_wait3A_207 : memref<1x120x128xf32, #tpu.memory_space<vmem>> -> memref<120x128xf32, #tpu.memory_space<vmem>>
      tpu.wait_dma2 semaphore(%run_scoped3A_184 : memref<!tpu.dma_semaphore, #tpu.memory_space<semaphore_mem>>) src(%dma_wait3A_208 : memref<120x128xf32, #tpu.memory_space<vmem>>) dst(%dma_wait3A_204 : memref<120x128xf32, #tpu.memory_space<vmem_shared>>)
      tpu.yield
    }) : () -> ()
    %barrier3A = arith.constant 0 : index
    tpu.barrier barrier_id(%barrier3A)
    %scan3A_165 = arith.constant 0 : i32
    %scan3A_166 = arith.constant 0 : i32
    %scan3A_167 = arith.constant 79 : i32
    %scan3A_168 = arith.addi %scan3A_166, %scan3A_167 : i32
    %scan3A_169 = arith.constant 1 : i32
    scf.for %scan3A_184 = %scan3A_166 to %scan3A_168 step %scan3A_169  : i32 {
      %lt3A_185 = arith.cmpi slt, %scan3A_184, %add3A_7 : i32
      %convert_element_type3A_186 = arith.extui %lt3A_185 : i1 to i32
      %cond3A = arith.constant 0 : i32
      %cond3A_187 = arith.cmpi ne, %convert_element_type3A_186, %cond3A : i32
      scf.if %cond3A_187 {
        %jit3A = arith.constant 3 : i32
        %eq3A = arith.constant 0 : i32
        %eq3A_200 = arith.cmpi eq, %jit3A, %eq3A : i32
        %jit3A_201 = arith.constant 1 : i32
        %select_n3A = arith.select %eq3A_200, %jit3A_201, %jit3A : i32
        %rem3A = arith.remsi %scan3A_184, %select_n3A : i32
        %ne3A = arith.constant 0 : i32
        %ne3A_202 = arith.cmpi ne, %rem3A, %ne3A : i32
        %lt3A_203 = arith.constant 0 : i32
        %lt3A_204 = arith.cmpi slt, %rem3A, %lt3A_203 : i32
        %lt3A_205 = arith.constant 0 : i32
        %lt3A_206 = arith.cmpi slt, %select_n3A, %lt3A_205 : i32
        %ne3A_207 = arith.xori %lt3A_204, %lt3A_206 : i1
        %and3A = arith.andi %ne3A_207, %ne3A_202 : i1
        %add3A_208 = arith.addi %rem3A, %select_n3A : i32
        %select_n3A_209 = arith.select %and3A, %add3A_208, %rem3A : i32
        %dma_wait3A_210 = arith.constant 0 : i32
        %dma_wait3A_211 = arith.constant 0 : i32
        %dma_wait3A_212 = arith.constant 0 : i32
        %dma_wait3A_213 = tpu.memref_slice %arg7[%select_n3A_209, %dma_wait3A_211, %dma_wait3A_212] : memref<3x128x128xf32, #tpu.memory_space<vmem>> -> memref<1x128x128xf32, #tpu.memory_space<vmem>>
        %dma_wait3A_214 = tpu.memref_squeeze %dma_wait3A_213 : memref<1x128x128xf32, #tpu.memory_space<vmem>> -> memref<128x128xf32, #tpu.memory_space<vmem>>
        %dma_wait3A_215 = arith.constant 0 : i32
        %dma_wait3A_216 = tpu.memref_slice %arg5[%dma_wait3A_210, %dma_wait3A_215] : memref<3x128xi32, #tpu.memory_space<vmem>> -> memref<1x128xi32, #tpu.memory_space<vmem>>
        %dma_wait3A_217 = tpu.memref_squeeze %dma_wait3A_216 : memref<1x128xi32, #tpu.memory_space<vmem>> -> memref<128xi32, #tpu.memory_space<vmem>>
        %dma_wait3A_218 = arith.constant 0 : i32
        %dma_wait3A_219 = arith.constant 0 : i32
        %dma_wait3A_220 = tpu.memref_slice %arg2[%dma_wait3A_218, %dma_wait3A_219] : memref<10000x128xf32, #tpu.memory_space<hbm>> -> memref<10000x128xf32, #tpu.memory_space<hbm>>
        tpu.wait_indirect_dma semaphore(%arg10 : memref<!tpu.dma_semaphore, #tpu.memory_space<semaphore_mem>>) src(%dma_wait3A_220 : memref<10000x128xf32, #tpu.memory_space<hbm>>) dst(%dma_wait3A_214 : memref<128x128xf32, #tpu.memory_space<vmem>>)
        %gt3A = arith.constant 0 : i32
        %gt3A_221 = arith.cmpi sgt, %scan3A_184, %gt3A : i32
        %convert_element_type3A_222 = arith.extui %gt3A_221 : i1 to i32
        %cond3A_223 = arith.constant 0 : i32
        %cond3A_224 = arith.cmpi ne, %convert_element_type3A_222, %cond3A_223 : i32
        scf.if %cond3A_224 {
          %dma_wait3A_267 = arith.constant 0 : i32
          %dma_wait3A_268 = arith.constant 0 : i32
          %dma_wait3A_269 = arith.constant 0 : i32
          %dma_wait3A_270 = arith.constant 0 : i32
          %dma_wait3A_271 = tpu.memref_slice %arg7[%dma_wait3A_267, %dma_wait3A_269, %dma_wait3A_270] : memref<3x128x128xf32, #tpu.memory_space<vmem>> -> memref<1x128x128xf32, #tpu.memory_space<vmem>>
          %dma_wait3A_272 = tpu.memref_squeeze %dma_wait3A_271 : memref<1x128x128xf32, #tpu.memory_space<vmem>> -> memref<128x128xf32, #tpu.memory_space<vmem>>
          %dma_wait3A_273 = arith.constant 0 : i32
          %dma_wait3A_274 = tpu.memref_slice %arg6[%dma_wait3A_268, %dma_wait3A_273] : memref<4x128xi32, #tpu.memory_space<vmem>> -> memref<1x128xi32, #tpu.memory_space<vmem>>
          %dma_wait3A_275 = tpu.memref_squeeze %dma_wait3A_274 : memref<1x128xi32, #tpu.memory_space<vmem>> -> memref<128xi32, #tpu.memory_space<vmem>>
          %dma_wait3A_276 = arith.constant 0 : i32
          %dma_wait3A_277 = arith.constant 0 : i32
          %dma_wait3A_278 = tpu.memref_slice %arg8[%dma_wait3A_276, %dma_wait3A_277] : memref<10112x128xf32, #tpu.memory_space<vmem_shared>> -> memref<10112x128xf32, #tpu.memory_space<vmem_shared>>
          tpu.wait_indirect_dma semaphore(%arg11 : memref<!tpu.dma_semaphore, #tpu.memory_space<semaphore_mem>>) src(%dma_wait3A_272 : memref<128x128xf32, #tpu.memory_space<vmem>>) dst(%dma_wait3A_278 : memref<10112x128xf32, #tpu.memory_space<vmem_shared>>)
        } else {
        }
        %jit3A_225 = arith.constant 3 : i32
        %eq3A_226 = arith.constant 0 : i32
        %eq3A_227 = arith.cmpi eq, %jit3A_225, %eq3A_226 : i32
        %jit3A_228 = arith.constant 1 : i32
        %select_n3A_229 = arith.select %eq3A_227, %jit3A_228, %jit3A_225 : i32
        %rem3A_230 = arith.remsi %scan3A_184, %select_n3A_229 : i32
        %ne3A_231 = arith.constant 0 : i32
        %ne3A_232 = arith.cmpi ne, %rem3A_230, %ne3A_231 : i32
        %lt3A_233 = arith.constant 0 : i32
        %lt3A_234 = arith.cmpi slt, %rem3A_230, %lt3A_233 : i32
        %lt3A_235 = arith.constant 0 : i32
        %lt3A_236 = arith.cmpi slt, %select_n3A_229, %lt3A_235 : i32
        %ne3A_237 = arith.xori %lt3A_234, %lt3A_236 : i1
        %and3A_238 = arith.andi %ne3A_237, %ne3A_232 : i1
        %add3A_239 = arith.addi %rem3A_230, %select_n3A_229 : i32
        %select_n3A_240 = arith.select %and3A_238, %add3A_239, %rem3A_230 : i32
        %jit3A_241 = arith.constant 4 : i32
        %eq3A_242 = arith.constant 0 : i32
        %eq3A_243 = arith.cmpi eq, %jit3A_241, %eq3A_242 : i32
        %jit3A_244 = arith.constant 1 : i32
        %select_n3A_245 = arith.select %eq3A_243, %jit3A_244, %jit3A_241 : i32
        %rem3A_246 = arith.remsi %scan3A_184, %select_n3A_245 : i32
        %ne3A_247 = arith.constant 0 : i32
        %ne3A_248 = arith.cmpi ne, %rem3A_246, %ne3A_247 : i32
        %lt3A_249 = arith.constant 0 : i32
        %lt3A_250 = arith.cmpi slt, %rem3A_246, %lt3A_249 : i32
        %lt3A_251 = arith.constant 0 : i32
        %lt3A_252 = arith.cmpi slt, %select_n3A_245, %lt3A_251 : i32
        %ne3A_253 = arith.xori %lt3A_250, %lt3A_252 : i1
        %and3A_254 = arith.andi %ne3A_253, %ne3A_248 : i1
        %add3A_255 = arith.addi %rem3A_246, %select_n3A_245 : i32
        %select_n3A_256 = arith.select %and3A_254, %add3A_255, %rem3A_246 : i32
        %dma_start3A_257 = arith.constant 0 : i32
        %dma_start3A_258 = arith.constant 0 : i32
        %dma_start3A_259 = tpu.memref_slice %arg7[%select_n3A_240, %dma_start3A_257, %dma_start3A_258] : memref<3x128x128xf32, #tpu.memory_space<vmem>> -> memref<1x128x128xf32, #tpu.memory_space<vmem>>
        %dma_start3A_260 = tpu.memref_squeeze %dma_start3A_259 : memref<1x128x128xf32, #tpu.memory_space<vmem>> -> memref<128x128xf32, #tpu.memory_space<vmem>>
        %dma_start3A_261 = arith.constant 0 : i32
        %dma_start3A_262 = tpu.memref_slice %arg6[%select_n3A_256, %dma_start3A_261] : memref<4x128xi32, #tpu.memory_space<vmem>> -> memref<1x128xi32, #tpu.memory_space<vmem>>
        %dma_start3A_263 = tpu.memref_squeeze %dma_start3A_262 : memref<1x128xi32, #tpu.memory_space<vmem>> -> memref<128xi32, #tpu.memory_space<vmem>>
        %dma_start3A_264 = arith.constant 0 : i32
        %dma_start3A_265 = arith.constant 0 : i32
        %dma_start3A_266 = tpu.memref_slice %arg8[%dma_start3A_264, %dma_start3A_265] : memref<10112x128xf32, #tpu.memory_space<vmem_shared>> -> memref<10112x128xf32, #tpu.memory_space<vmem_shared>>
        tpu.enqueue_indirect_dma source(%dma_start3A_260 : memref<128x128xf32, #tpu.memory_space<vmem>>) target(%dma_start3A_266 : memref<10112x128xf32, #tpu.memory_space<vmem_shared>>) offsets(%dma_start3A_263 : memref<128xi32, #tpu.memory_space<vmem>>) semaphore(%arg11 : memref<!tpu.dma_semaphore, #tpu.memory_space<semaphore_mem>>) {add = true}
      } else {
      }
      %add3A_188 = arith.constant 3 : i32
      %add3A_189 = arith.addi %scan3A_184, %add3A_188 : i32
      %lt3A_190 = arith.cmpi slt, %add3A_189, %add3A_7 : i32
      %convert_element_type3A_191 = arith.extui %lt3A_190 : i1 to i32
      %cond3A_192 = arith.constant 0 : i32
      %cond3A_193 = arith.cmpi ne, %convert_element_type3A_191, %cond3A_192 : i32
      scf.if %cond3A_193 {
        %add3A_200 = arith.constant 3 : i32
        %add3A_201 = arith.addi %scan3A_184, %add3A_200 : i32
        %add3A_202 = arith.addi %add3A_4, %add3A_201 : i32
        %mul3A_203 = arith.constant 128 : i32
        %mul3A_204 = arith.muli %add3A_202, %mul3A_203 : i32
        %jit3A = arith.constant 3 : i32
        %eq3A = arith.constant 0 : i32
        %eq3A_205 = arith.cmpi eq, %jit3A, %eq3A : i32
        %jit3A_206 = arith.constant 1 : i32
        %select_n3A = arith.select %eq3A_205, %jit3A_206, %jit3A : i32
        %rem3A = arith.remsi %add3A_201, %select_n3A : i32
        %ne3A = arith.constant 0 : i32
        %ne3A_207 = arith.cmpi ne, %rem3A, %ne3A : i32
        %lt3A_208 = arith.constant 0 : i32
        %lt3A_209 = arith.cmpi slt, %rem3A, %lt3A_208 : i32
        %lt3A_210 = arith.constant 0 : i32
        %lt3A_211 = arith.cmpi slt, %select_n3A, %lt3A_210 : i32
        %ne3A_212 = arith.xori %lt3A_209, %lt3A_211 : i1
        %and3A = arith.andi %ne3A_212, %ne3A_207 : i1
        %add3A_213 = arith.addi %rem3A, %select_n3A : i32
        %select_n3A_214 = arith.select %and3A, %add3A_213, %rem3A : i32
        %dma_start3A_215 = arith.constant 0 : i32
        %dma_start3A_216 = arith.constant 0 : i32
        %dma_start3A_217 = tpu.memref_slice %arg5[%select_n3A_214, %dma_start3A_216] : memref<3x128xi32, #tpu.memory_space<vmem>> -> memref<1x128xi32, #tpu.memory_space<vmem>>
        %dma_start3A_218 = tpu.memref_squeeze %dma_start3A_217 : memref<1x128xi32, #tpu.memory_space<vmem>> -> memref<128xi32, #tpu.memory_space<vmem>>
        %dma_start3A_219 = tpu.memref_slice %arg3[%dma_start3A_215, %mul3A_204] : memref<2x320000xi32, #tpu.memory_space<hbm>> -> memref<1x128xi32, #tpu.memory_space<hbm>>
        %dma_start3A_220 = tpu.memref_squeeze %dma_start3A_219 : memref<1x128xi32, #tpu.memory_space<hbm>> -> memref<128xi32, #tpu.memory_space<hbm>>
        %dma_start3A_221 = arith.constant 0 : i32
        %dma_start3A_222 = tpu.memref_slice %arg5[%select_n3A_214, %dma_start3A_221] : memref<3x128xi32, #tpu.memory_space<vmem>> -> memref<1x128xi32, #tpu.memory_space<vmem>>
        %dma_start3A_223 = tpu.memref_squeeze %dma_start3A_222 : memref<1x128xi32, #tpu.memory_space<vmem>> -> memref<128xi32, #tpu.memory_space<vmem>>
        %dma_start3A_224 = tpu.memref_slice %arg3[%dma_start3A_215, %mul3A_204] : memref<2x320000xi32, #tpu.memory_space<hbm>> -> memref<1x128xi32, #tpu.memory_space<hbm>>
        %dma_start3A_225 = tpu.memref_squeeze %dma_start3A_224 : memref<1x128xi32, #tpu.memory_space<hbm>> -> memref<128xi32, #tpu.memory_space<hbm>>
        tpu.enqueue_dma source(%dma_start3A_225 : memref<128xi32, #tpu.memory_space<hbm>>) target(%dma_start3A_223 : memref<128xi32, #tpu.memory_space<vmem>>) target_semaphore(%arg9 : memref<!tpu.dma_semaphore, #tpu.memory_space<semaphore_mem>>)
        %jit3A_226 = arith.constant 4 : i32
        %eq3A_227 = arith.constant 0 : i32
        %eq3A_228 = arith.cmpi eq, %jit3A_226, %eq3A_227 : i32
        %jit3A_229 = arith.constant 1 : i32
        %select_n3A_230 = arith.select %eq3A_228, %jit3A_229, %jit3A_226 : i32
        %rem3A_231 = arith.remsi %add3A_201, %select_n3A_230 : i32
        %ne3A_232 = arith.constant 0 : i32
        %ne3A_233 = arith.cmpi ne, %rem3A_231, %ne3A_232 : i32
        %lt3A_234 = arith.constant 0 : i32
        %lt3A_235 = arith.cmpi slt, %rem3A_231, %lt3A_234 : i32
        %lt3A_236 = arith.constant 0 : i32
        %lt3A_237 = arith.cmpi slt, %select_n3A_230, %lt3A_236 : i32
        %ne3A_238 = arith.xori %lt3A_235, %lt3A_237 : i1
        %and3A_239 = arith.andi %ne3A_238, %ne3A_233 : i1
        %add3A_240 = arith.addi %rem3A_231, %select_n3A_230 : i32
        %select_n3A_241 = arith.select %and3A_239, %add3A_240, %rem3A_231 : i32
        %dma_start3A_242 = arith.constant 1 : i32
        %dma_start3A_243 = arith.constant 0 : i32
        %dma_start3A_244 = tpu.memref_slice %arg6[%select_n3A_241, %dma_start3A_243] : memref<4x128xi32, #tpu.memory_space<vmem>> -> memref<1x128xi32, #tpu.memory_space<vmem>>
        %dma_start3A_245 = tpu.memref_squeeze %dma_start3A_244 : memref<1x128xi32, #tpu.memory_space<vmem>> -> memref<128xi32, #tpu.memory_space<vmem>>
        %dma_start3A_246 = tpu.memref_slice %arg3[%dma_start3A_242, %mul3A_204] : memref<2x320000xi32, #tpu.memory_space<hbm>> -> memref<1x128xi32, #tpu.memory_space<hbm>>
        %dma_start3A_247 = tpu.memref_squeeze %dma_start3A_246 : memref<1x128xi32, #tpu.memory_space<hbm>> -> memref<128xi32, #tpu.memory_space<hbm>>
        %dma_start3A_248 = arith.constant 0 : i32
        %dma_start3A_249 = tpu.memref_slice %arg6[%select_n3A_241, %dma_start3A_248] : memref<4x128xi32, #tpu.memory_space<vmem>> -> memref<1x128xi32, #tpu.memory_space<vmem>>
        %dma_start3A_250 = tpu.memref_squeeze %dma_start3A_249 : memref<1x128xi32, #tpu.memory_space<vmem>> -> memref<128xi32, #tpu.memory_space<vmem>>
        %dma_start3A_251 = tpu.memref_slice %arg3[%dma_start3A_242, %mul3A_204] : memref<2x320000xi32, #tpu.memory_space<hbm>> -> memref<1x128xi32, #tpu.memory_space<hbm>>
        %dma_start3A_252 = tpu.memref_squeeze %dma_start3A_251 : memref<1x128xi32, #tpu.memory_space<hbm>> -> memref<128xi32, #tpu.memory_space<hbm>>
        tpu.enqueue_dma source(%dma_start3A_252 : memref<128xi32, #tpu.memory_space<hbm>>) target(%dma_start3A_250 : memref<128xi32, #tpu.memory_space<vmem>>) target_semaphore(%arg9 : memref<!tpu.dma_semaphore, #tpu.memory_space<semaphore_mem>>)
      } else {
      }
      %add3A_194 = arith.constant 2 : i32
      %add3A_195 = arith.addi %scan3A_184, %add3A_194 : i32
      %lt3A_196 = arith.cmpi slt, %add3A_195, %add3A_7 : i32
      %convert_element_type3A_197 = arith.extui %lt3A_196 : i1 to i32
      %cond3A_198 = arith.constant 0 : i32
      %cond3A_199 = arith.cmpi ne, %convert_element_type3A_197, %cond3A_198 : i32
      scf.if %cond3A_199 {
        %dma_wait3A_200 = arith.constant 0 : i32
        %dma_wait3A_201 = arith.constant 0 : i32
        %dma_wait3A_202 = arith.constant 0 : i32
        %dma_wait3A_203 = tpu.memref_slice %arg7[%dma_wait3A_200, %dma_wait3A_201, %dma_wait3A_202] : memref<3x128x128xf32, #tpu.memory_space<vmem>> -> memref<1x2x128xf32, #tpu.memory_space<vmem>>
        %dma_wait3A_204 = tpu.memref_squeeze %dma_wait3A_203 : memref<1x2x128xf32, #tpu.memory_space<vmem>> -> memref<2x128xf32, #tpu.memory_space<vmem>>
        %dma_wait3A_205 = arith.constant 0 : i32
        %dma_wait3A_206 = arith.constant 0 : i32
        %dma_wait3A_207 = tpu.memref_slice %arg2[%dma_wait3A_205, %dma_wait3A_206] : memref<10000x128xf32, #tpu.memory_space<hbm>> -> memref<2x128xf32, #tpu.memory_space<hbm>>
        %dma_wait3A_208 = arith.constant 0 : i32
        %dma_wait3A_209 = arith.constant 0 : i32
        %dma_wait3A_210 = tpu.memref_slice %arg7[%dma_wait3A_200, %dma_wait3A_208, %dma_wait3A_209] : memref<3x128x128xf32, #tpu.memory_space<vmem>> -> memref<1x2x128xf32, #tpu.memory_space<vmem>>
        %dma_wait3A_211 = tpu.memref_squeeze %dma_wait3A_210 : memref<1x2x128xf32, #tpu.memory_space<vmem>> -> memref<2x128xf32, #tpu.memory_space<vmem>>
        %dma_wait3A_212 = arith.constant 0 : i32
        %dma_wait3A_213 = arith.constant 0 : i32
        %dma_wait3A_214 = tpu.memref_slice %arg2[%dma_wait3A_212, %dma_wait3A_213] : memref<10000x128xf32, #tpu.memory_space<hbm>> -> memref<2x128xf32, #tpu.memory_space<hbm>>
        tpu.wait_dma2 semaphore(%arg9 : memref<!tpu.dma_semaphore, #tpu.memory_space<semaphore_mem>>) src(%dma_wait3A_214 : memref<2x128xf32, #tpu.memory_space<hbm>>) dst(%dma_wait3A_211 : memref<2x128xf32, #tpu.memory_space<vmem>>)
        %add3A_215 = arith.constant 2 : i32
        %add3A_216 = arith.addi %scan3A_184, %add3A_215 : i32
        %jit3A = arith.constant 3 : i32
        %eq3A = arith.constant 0 : i32
        %eq3A_217 = arith.cmpi eq, %jit3A, %eq3A : i32
        %jit3A_218 = arith.constant 1 : i32
        %select_n3A = arith.select %eq3A_217, %jit3A_218, %jit3A : i32
        %rem3A = arith.remsi %add3A_216, %select_n3A : i32
        %ne3A = arith.constant 0 : i32
        %ne3A_219 = arith.cmpi ne, %rem3A, %ne3A : i32
        %lt3A_220 = arith.constant 0 : i32
        %lt3A_221 = arith.cmpi slt, %rem3A, %lt3A_220 : i32
        %lt3A_222 = arith.constant 0 : i32
        %lt3A_223 = arith.cmpi slt, %select_n3A, %lt3A_222 : i32
        %ne3A_224 = arith.xori %lt3A_221, %lt3A_223 : i1
        %and3A = arith.andi %ne3A_224, %ne3A_219 : i1
        %add3A_225 = arith.addi %rem3A, %select_n3A : i32
        %select_n3A_226 = arith.select %and3A, %add3A_225, %rem3A : i32
        %jit3A_227 = arith.constant 3 : i32
        %eq3A_228 = arith.constant 0 : i32
        %eq3A_229 = arith.cmpi eq, %jit3A_227, %eq3A_228 : i32
        %jit3A_230 = arith.constant 1 : i32
        %select_n3A_231 = arith.select %eq3A_229, %jit3A_230, %jit3A_227 : i32
        %rem3A_232 = arith.remsi %add3A_216, %select_n3A_231 : i32
        %ne3A_233 = arith.constant 0 : i32
        %ne3A_234 = arith.cmpi ne, %rem3A_232, %ne3A_233 : i32
        %lt3A_235 = arith.constant 0 : i32
        %lt3A_236 = arith.cmpi slt, %rem3A_232, %lt3A_235 : i32
        %lt3A_237 = arith.constant 0 : i32
        %lt3A_238 = arith.cmpi slt, %select_n3A_231, %lt3A_237 : i32
        %ne3A_239 = arith.xori %lt3A_236, %lt3A_238 : i1
        %and3A_240 = arith.andi %ne3A_239, %ne3A_234 : i1
        %add3A_241 = arith.addi %rem3A_232, %select_n3A_231 : i32
        %select_n3A_242 = arith.select %and3A_240, %add3A_241, %rem3A_232 : i32
        %dma_start3A_243 = arith.constant 0 : i32
        %dma_start3A_244 = arith.constant 0 : i32
        %dma_start3A_245 = tpu.memref_slice %arg7[%select_n3A_242, %dma_start3A_243, %dma_start3A_244] : memref<3x128x128xf32, #tpu.memory_space<vmem>> -> memref<1x128x128xf32, #tpu.memory_space<vmem>>
        %dma_start3A_246 = tpu.memref_squeeze %dma_start3A_245 : memref<1x128x128xf32, #tpu.memory_space<vmem>> -> memref<128x128xf32, #tpu.memory_space<vmem>>
        %dma_start3A_247 = arith.constant 0 : i32
        %dma_start3A_248 = tpu.memref_slice %arg5[%select_n3A_226, %dma_start3A_247] : memref<3x128xi32, #tpu.memory_space<vmem>> -> memref<1x128xi32, #tpu.memory_space<vmem>>
        %dma_start3A_249 = tpu.memref_squeeze %dma_start3A_248 : memref<1x128xi32, #tpu.memory_space<vmem>> -> memref<128xi32, #tpu.memory_space<vmem>>
        %dma_start3A_250 = arith.constant 0 : i32
        %dma_start3A_251 = arith.constant 0 : i32
        %dma_start3A_252 = tpu.memref_slice %arg2[%dma_start3A_250, %dma_start3A_251] : memref<10000x128xf32, #tpu.memory_space<hbm>> -> memref<10000x128xf32, #tpu.memory_space<hbm>>
        tpu.enqueue_indirect_dma source(%dma_start3A_252 : memref<10000x128xf32, #tpu.memory_space<hbm>>) target(%dma_start3A_246 : memref<128x128xf32, #tpu.memory_space<vmem>>) offsets(%dma_start3A_249 : memref<128xi32, #tpu.memory_space<vmem>>) semaphore(%arg10 : memref<!tpu.dma_semaphore, #tpu.memory_space<semaphore_mem>>)
      } else {
      }
    }
    %scan3A_170 = arith.constant 79 : i32
    %dma_wait3A_171 = arith.constant 0 : i32
    %dma_wait3A_172 = arith.constant 0 : i32
    %dma_wait3A_173 = arith.constant 0 : i32
    %dma_wait3A_174 = arith.constant 0 : i32
    %dma_wait3A_175 = tpu.memref_slice %arg7[%dma_wait3A_171, %dma_wait3A_173, %dma_wait3A_174] : memref<3x128x128xf32, #tpu.memory_space<vmem>> -> memref<1x128x128xf32, #tpu.memory_space<vmem>>
    %dma_wait3A_176 = tpu.memref_squeeze %dma_wait3A_175 : memref<1x128x128xf32, #tpu.memory_space<vmem>> -> memref<128x128xf32, #tpu.memory_space<vmem>>
    %dma_wait3A_177 = arith.constant 0 : i32
    %dma_wait3A_178 = tpu.memref_slice %arg6[%dma_wait3A_172, %dma_wait3A_177] : memref<4x128xi32, #tpu.memory_space<vmem>> -> memref<1x128xi32, #tpu.memory_space<vmem>>
    %dma_wait3A_179 = tpu.memref_squeeze %dma_wait3A_178 : memref<1x128xi32, #tpu.memory_space<vmem>> -> memref<128xi32, #tpu.memory_space<vmem>>
    %dma_wait3A_180 = arith.constant 0 : i32
    %dma_wait3A_181 = arith.constant 0 : i32
    %dma_wait3A_182 = tpu.memref_slice %arg8[%dma_wait3A_180, %dma_wait3A_181] : memref<10112x128xf32, #tpu.memory_space<vmem_shared>> -> memref<10112x128xf32, #tpu.memory_space<vmem_shared>>
    tpu.wait_indirect_dma semaphore(%arg11 : memref<!tpu.dma_semaphore, #tpu.memory_space<semaphore_mem>>) src(%dma_wait3A_176 : memref<128x128xf32, #tpu.memory_space<vmem>>) dst(%dma_wait3A_182 : memref<10112x128xf32, #tpu.memory_space<vmem_shared>>)
    %barrier3A_183 = arith.constant 0 : index
    tpu.barrier barrier_id(%barrier3A_183)
    "tpu.region"() ({
      %run_scoped3A_184 = tpu.sem_alloc : memref<!tpu.dma_semaphore, #tpu.memory_space<semaphore_mem>>
      %dma_start3A_185 = arith.constant 0 : i32
      %dma_start3A_186 = tpu.memref_slice %arg4[%arg0, %mul3A_150, %dma_start3A_185] : memref<2x10112x128xf32, #tpu.memory_space<hbm>> -> memref<1x632x128xf32, #tpu.memory_space<hbm>>
      %dma_start3A_187 = tpu.memref_squeeze %dma_start3A_186 : memref<1x632x128xf32, #tpu.memory_space<hbm>> -> memref<632x128xf32, #tpu.memory_space<hbm>>
      %dma_start3A_188 = arith.constant 0 : i32
      %dma_start3A_189 = tpu.memref_slice %arg8[%mul3A_150, %dma_start3A_188] : memref<10112x128xf32, #tpu.memory_space<vmem_shared>> -> memref<632x128xf32, #tpu.memory_space<vmem_shared>>
      tpu.enqueue_dma source(%dma_start3A_189 : memref<632x128xf32, #tpu.memory_space<vmem_shared>>) target(%dma_start3A_187 : memref<632x128xf32, #tpu.memory_space<hbm>>) target_semaphore(%run_scoped3A_184 : memref<!tpu.dma_semaphore, #tpu.memory_space<semaphore_mem>>)
      %dma_wait3A_190 = arith.constant 0 : i32
      %dma_wait3A_191 = tpu.memref_slice %arg4[%arg0, %mul3A_150, %dma_wait3A_190] : memref<2x10112x128xf32, #tpu.memory_space<hbm>> -> memref<1x632x128xf32, #tpu.memory_space<hbm>>
      %dma_wait3A_192 = tpu.memref_squeeze %dma_wait3A_191 : memref<1x632x128xf32, #tpu.memory_space<hbm>> -> memref<632x128xf32, #tpu.memory_space<hbm>>
      %dma_wait3A_193 = arith.constant 0 : i32
      %dma_wait3A_194 = tpu.memref_slice %arg8[%mul3A_150, %dma_wait3A_193] : memref<10112x128xf32, #tpu.memory_space<vmem_shared>> -> memref<632x128xf32, #tpu.memory_space<vmem_shared>>
      tpu.wait_dma2 semaphore(%run_scoped3A_184 : memref<!tpu.dma_semaphore, #tpu.memory_space<semaphore_mem>>) src(%dma_wait3A_194 : memref<632x128xf32, #tpu.memory_space<vmem_shared>>) dst(%dma_wait3A_192 : memref<632x128xf32, #tpu.memory_space<hbm>>)
      tpu.yield
    }) : () -> ()
    return
  }
}

#map = affine_map<(d0, d1) -> (0, 0)>
#map1 = affine_map<(d0, d1) -> (0, 0, 0)>
module attributes {stable_mosaic.version = 14 : i64} {
  func.func @seg_sum(%arg0: i32, %arg1: i32, %arg2: memref<10000x128xf32, #tpu.memory_space<hbm>>, %arg3: memref<2x320000xi32, #tpu.memory_space<hbm>>, %arg4: memref<2x10112x128xf32, #tpu.memory_space<hbm>>, %arg5: memref<3x128xi32, #tpu.memory_space<vmem>>, %arg6: memref<4x128xi32, #tpu.memory_space<vmem>>, %arg7: memref<3x128x128xf32, #tpu.memory_space<vmem>>, %arg8: memref<10112x128xf32, #tpu.memory_space<vmem_shared>>, %arg9: memref<!tpu.dma_semaphore, #tpu.memory_space<semaphore_mem>>, %arg10: memref<!tpu.dma_semaphore, #tpu.memory_space<semaphore_mem>>, %arg11: memref<!tpu.dma_semaphore, #tpu.memory_space<semaphore_mem>>) attributes {dimension_semantics = [#tpu.dimension_semantics<core_parallel>, #tpu.dimension_semantics<subcore_parallel>], iteration_bounds = array<i64: 2, 16>, scalar_prefetch = 0 : i64, scratch_operands = 7 : i64, tpu.core_type = #tpu.core_type<sc_vector_subcore>, window_params = [{transform_indices = #map}, {transform_indices = #map}, {transform_indices = #map1}]} {
    %mul3A = arith.constant 2 : i32
    %mul3A_0 = arith.muli %arg1, %mul3A : i32
    %add3A = arith.addi %mul3A_0, %arg0 : i32
    %mul3A_1 = arith.constant 78 : i32
    %mul3A_2 = arith.muli %mul3A_1, %add3A : i32
    %min3A = arith.constant 4 : i32
    %min3A_3 = arith.minsi %add3A, %min3A : i32
    %add3A_4 = arith.addi %mul3A_2, %min3A_3 : i32
    %lt3A = arith.constant 4 : i32
    %lt3A_5 = arith.cmpi slt, %add3A, %lt3A : i32
    %convert_element_type3A = arith.extui %lt3A_5 : i1 to i32
    %add3A_6 = arith.constant 78 : i32
    %add3A_7 = arith.addi %add3A_6, %convert_element_type3A : i32
    %add3A_8 = arith.constant 0 : i32
    %add3A_9 = arith.addi %add3A_4, %add3A_8 : i32
    %mul3A_10 = arith.constant 128 : i32
    %mul3A_11 = arith.muli %add3A_9, %mul3A_10 : i32
    %dma_start3A = arith.constant 0 : i32
    %dma_start3A_12 = arith.constant 0 : i32
    %dma_start3A_13 = arith.constant 0 : i32
    %dma_start3A_14 = tpu.memref_slice %arg5[%dma_start3A_12, %dma_start3A_13] : memref<3x128xi32, #tpu.memory_space<vmem>> -> memref<1x128xi32, #tpu.memory_space<vmem>>
    %dma_start3A_15 = tpu.memref_squeeze %dma_start3A_14 : memref<1x128xi32, #tpu.memory_space<vmem>> -> memref<128xi32, #tpu.memory_space<vmem>>
    %dma_start3A_16 = tpu.memref_slice %arg3[%dma_start3A, %mul3A_11] : memref<2x320000xi32, #tpu.memory_space<hbm>> -> memref<1x128xi32, #tpu.memory_space<hbm>>
    %dma_start3A_17 = tpu.memref_squeeze %dma_start3A_16 : memref<1x128xi32, #tpu.memory_space<hbm>> -> memref<128xi32, #tpu.memory_space<hbm>>
    %dma_start3A_18 = arith.constant 0 : i32
    %dma_start3A_19 = tpu.memref_slice %arg5[%dma_start3A_12, %dma_start3A_18] : memref<3x128xi32, #tpu.memory_space<vmem>> -> memref<1x128xi32, #tpu.memory_space<vmem>>
    %dma_start3A_20 = tpu.memref_squeeze %dma_start3A_19 : memref<1x128xi32, #tpu.memory_space<vmem>> -> memref<128xi32, #tpu.memory_space<vmem>>
    %dma_start3A_21 = tpu.memref_slice %arg3[%dma_start3A, %mul3A_11] : memref<2x320000xi32, #tpu.memory_space<hbm>> -> memref<1x128xi32, #tpu.memory_space<hbm>>
    %dma_start3A_22 = tpu.memref_squeeze %dma_start3A_21 : memref<1x128xi32, #tpu.memory_space<hbm>> -> memref<128xi32, #tpu.memory_space<hbm>>
    tpu.enqueue_dma source(%dma_start3A_22 : memref<128xi32, #tpu.memory_space<hbm>>) target(%dma_start3A_20 : memref<128xi32, #tpu.memory_space<vmem>>) target_semaphore(%arg9 : memref<!tpu.dma_semaphore, #tpu.memory_space<semaphore_mem>>)
    %dma_start3A_23 = arith.constant 1 : i32
    %dma_start3A_24 = arith.constant 0 : i32
    %dma_start3A_25 = arith.constant 0 : i32
    %dma_start3A_26 = tpu.memref_slice %arg6[%dma_start3A_24, %dma_start3A_25] : memref<4x128xi32, #tpu.memory_space<vmem>> -> memref<1x128xi32, #tpu.memory_space<vmem>>
    %dma_start3A_27 = tpu.memref_squeeze %dma_start3A_26 : memref<1x128xi32, #tpu.memory_space<vmem>> -> memref<128xi32, #tpu.memory_space<vmem>>
    %dma_start3A_28 = tpu.memref_slice %arg3[%dma_start3A_23, %mul3A_11] : memref<2x320000xi32, #tpu.memory_space<hbm>> -> memref<1x128xi32, #tpu.memory_space<hbm>>
    %dma_start3A_29 = tpu.memref_squeeze %dma_start3A_28 : memref<1x128xi32, #tpu.memory_space<hbm>> -> memref<128xi32, #tpu.memory_space<hbm>>
    %dma_start3A_30 = arith.constant 0 : i32
    %dma_start3A_31 = tpu.memref_slice %arg6[%dma_start3A_24, %dma_start3A_30] : memref<4x128xi32, #tpu.memory_space<vmem>> -> memref<1x128xi32, #tpu.memory_space<vmem>>
    %dma_start3A_32 = tpu.memref_squeeze %dma_start3A_31 : memref<1x128xi32, #tpu.memory_space<vmem>> -> memref<128xi32, #tpu.memory_space<vmem>>
    %dma_start3A_33 = tpu.memref_slice %arg3[%dma_start3A_23, %mul3A_11] : memref<2x320000xi32, #tpu.memory_space<hbm>> -> memref<1x128xi32, #tpu.memory_space<hbm>>
    %dma_start3A_34 = tpu.memref_squeeze %dma_start3A_33 : memref<1x128xi32, #tpu.memory_space<hbm>> -> memref<128xi32, #tpu.memory_space<hbm>>
    tpu.enqueue_dma source(%dma_start3A_34 : memref<128xi32, #tpu.memory_space<hbm>>) target(%dma_start3A_32 : memref<128xi32, #tpu.memory_space<vmem>>) target_semaphore(%arg9 : memref<!tpu.dma_semaphore, #tpu.memory_space<semaphore_mem>>)
    %add3A_35 = arith.constant 1 : i32
    %add3A_36 = arith.addi %add3A_4, %add3A_35 : i32
    %mul3A_37 = arith.constant 128 : i32
    %mul3A_38 = arith.muli %add3A_36, %mul3A_37 : i32
    %dma_start3A_39 = arith.constant 0 : i32
    %dma_start3A_40 = arith.constant 1 : i32
    %dma_start3A_41 = arith.constant 0 : i32
    %dma_start3A_42 = tpu.memref_slice %arg5[%dma_start3A_40, %dma_start3A_41] : memref<3x128xi32, #tpu.memory_space<vmem>> -> memref<1x128xi32, #tpu.memory_space<vmem>>
    %dma_start3A_43 = tpu.memref_squeeze %dma_start3A_42 : memref<1x128xi32, #tpu.memory_space<vmem>> -> memref<128xi32, #tpu.memory_space<vmem>>
    %dma_start3A_44 = tpu.memref_slice %arg3[%dma_start3A_39, %mul3A_38] : memref<2x320000xi32, #tpu.memory_space<hbm>> -> memref<1x128xi32, #tpu.memory_space<hbm>>
    %dma_start3A_45 = tpu.memref_squeeze %dma_start3A_44 : memref<1x128xi32, #tpu.memory_space<hbm>> -> memref<128xi32, #tpu.memory_space<hbm>>
    %dma_start3A_46 = arith.constant 0 : i32
    %dma_start3A_47 = tpu.memref_slice %arg5[%dma_start3A_40, %dma_start3A_46] : memref<3x128xi32, #tpu.memory_space<vmem>> -> memref<1x128xi32, #tpu.memory_space<vmem>>
    %dma_start3A_48 = tpu.memref_squeeze %dma_start3A_47 : memref<1x128xi32, #tpu.memory_space<vmem>> -> memref<128xi32, #tpu.memory_space<vmem>>
    %dma_start3A_49 = tpu.memref_slice %arg3[%dma_start3A_39, %mul3A_38] : memref<2x320000xi32, #tpu.memory_space<hbm>> -> memref<1x128xi32, #tpu.memory_space<hbm>>
    %dma_start3A_50 = tpu.memref_squeeze %dma_start3A_49 : memref<1x128xi32, #tpu.memory_space<hbm>> -> memref<128xi32, #tpu.memory_space<hbm>>
    tpu.enqueue_dma source(%dma_start3A_50 : memref<128xi32, #tpu.memory_space<hbm>>) target(%dma_start3A_48 : memref<128xi32, #tpu.memory_space<vmem>>) target_semaphore(%arg9 : memref<!tpu.dma_semaphore, #tpu.memory_space<semaphore_mem>>)
    %dma_start3A_51 = arith.constant 1 : i32
    %dma_start3A_52 = arith.constant 1 : i32
    %dma_start3A_53 = arith.constant 0 : i32
    %dma_start3A_54 = tpu.memref_slice %arg6[%dma_start3A_52, %dma_start3A_53] : memref<4x128xi32, #tpu.memory_space<vmem>> -> memref<1x128xi32, #tpu.memory_space<vmem>>
    %dma_start3A_55 = tpu.memref_squeeze %dma_start3A_54 : memref<1x128xi32, #tpu.memory_space<vmem>> -> memref<128xi32, #tpu.memory_space<vmem>>
    %dma_start3A_56 = tpu.memref_slice %arg3[%dma_start3A_51, %mul3A_38] : memref<2x320000xi32, #tpu.memory_space<hbm>> -> memref<1x128xi32, #tpu.memory_space<hbm>>
    %dma_start3A_57 = tpu.memref_squeeze %dma_start3A_56 : memref<1x128xi32, #tpu.memory_space<hbm>> -> memref<128xi32, #tpu.memory_space<hbm>>
    %dma_start3A_58 = arith.constant 0 : i32
    %dma_start3A_59 = tpu.memref_slice %arg6[%dma_start3A_52, %dma_start3A_58] : memref<4x128xi32, #tpu.memory_space<vmem>> -> memref<1x128xi32, #tpu.memory_space<vmem>>
    %dma_start3A_60 = tpu.memref_squeeze %dma_start3A_59 : memref<1x128xi32, #tpu.memory_space<vmem>> -> memref<128xi32, #tpu.memory_space<vmem>>
    %dma_start3A_61 = tpu.memref_slice %arg3[%dma_start3A_51, %mul3A_38] : memref<2x320000xi32, #tpu.memory_space<hbm>> -> memref<1x128xi32, #tpu.memory_space<hbm>>
    %dma_start3A_62 = tpu.memref_squeeze %dma_start3A_61 : memref<1x128xi32, #tpu.memory_space<hbm>> -> memref<128xi32, #tpu.memory_space<hbm>>
    tpu.enqueue_dma source(%dma_start3A_62 : memref<128xi32, #tpu.memory_space<hbm>>) target(%dma_start3A_60 : memref<128xi32, #tpu.memory_space<vmem>>) target_semaphore(%arg9 : memref<!tpu.dma_semaphore, #tpu.memory_space<semaphore_mem>>)
    %add3A_63 = arith.constant 2 : i32
    %add3A_64 = arith.addi %add3A_4, %add3A_63 : i32
    %mul3A_65 = arith.constant 128 : i32
    %mul3A_66 = arith.muli %add3A_64, %mul3A_65 : i32
    %dma_start3A_67 = arith.constant 0 : i32
    %dma_start3A_68 = arith.constant 2 : i32
    %dma_start3A_69 = arith.constant 0 : i32
    %dma_start3A_70 = tpu.memref_slice %arg5[%dma_start3A_68, %dma_start3A_69] : memref<3x128xi32, #tpu.memory_space<vmem>> -> memref<1x128xi32, #tpu.memory_space<vmem>>
    %dma_start3A_71 = tpu.memref_squeeze %dma_start3A_70 : memref<1x128xi32, #tpu.memory_space<vmem>> -> memref<128xi32, #tpu.memory_space<vmem>>
    %dma_start3A_72 = tpu.memref_slice %arg3[%dma_start3A_67, %mul3A_66] : memref<2x320000xi32, #tpu.memory_space<hbm>> -> memref<1x128xi32, #tpu.memory_space<hbm>>
    %dma_start3A_73 = tpu.memref_squeeze %dma_start3A_72 : memref<1x128xi32, #tpu.memory_space<hbm>> -> memref<128xi32, #tpu.memory_space<hbm>>
    %dma_start3A_74 = arith.constant 0 : i32
    %dma_start3A_75 = tpu.memref_slice %arg5[%dma_start3A_68, %dma_start3A_74] : memref<3x128xi32, #tpu.memory_space<vmem>> -> memref<1x128xi32, #tpu.memory_space<vmem>>
    %dma_start3A_76 = tpu.memref_squeeze %dma_start3A_75 : memref<1x128xi32, #tpu.memory_space<vmem>> -> memref<128xi32, #tpu.memory_space<vmem>>
    %dma_start3A_77 = tpu.memref_slice %arg3[%dma_start3A_67, %mul3A_66] : memref<2x320000xi32, #tpu.memory_space<hbm>> -> memref<1x128xi32, #tpu.memory_space<hbm>>
    %dma_start3A_78 = tpu.memref_squeeze %dma_start3A_77 : memref<1x128xi32, #tpu.memory_space<hbm>> -> memref<128xi32, #tpu.memory_space<hbm>>
    tpu.enqueue_dma source(%dma_start3A_78 : memref<128xi32, #tpu.memory_space<hbm>>) target(%dma_start3A_76 : memref<128xi32, #tpu.memory_space<vmem>>) target_semaphore(%arg9 : memref<!tpu.dma_semaphore, #tpu.memory_space<semaphore_mem>>)
    %dma_start3A_79 = arith.constant 1 : i32
    %dma_start3A_80 = arith.constant 2 : i32
    %dma_start3A_81 = arith.constant 0 : i32
    %dma_start3A_82 = tpu.memref_slice %arg6[%dma_start3A_80, %dma_start3A_81] : memref<4x128xi32, #tpu.memory_space<vmem>> -> memref<1x128xi32, #tpu.memory_space<vmem>>
    %dma_start3A_83 = tpu.memref_squeeze %dma_start3A_82 : memref<1x128xi32, #tpu.memory_space<vmem>> -> memref<128xi32, #tpu.memory_space<vmem>>
    %dma_start3A_84 = tpu.memref_slice %arg3[%dma_start3A_79, %mul3A_66] : memref<2x320000xi32, #tpu.memory_space<hbm>> -> memref<1x128xi32, #tpu.memory_space<hbm>>
    %dma_start3A_85 = tpu.memref_squeeze %dma_start3A_84 : memref<1x128xi32, #tpu.memory_space<hbm>> -> memref<128xi32, #tpu.memory_space<hbm>>
    %dma_start3A_86 = arith.constant 0 : i32
    %dma_start3A_87 = tpu.memref_slice %arg6[%dma_start3A_80, %dma_start3A_86] : memref<4x128xi32, #tpu.memory_space<vmem>> -> memref<1x128xi32, #tpu.memory_space<vmem>>
    %dma_start3A_88 = tpu.memref_squeeze %dma_start3A_87 : memref<1x128xi32, #tpu.memory_space<vmem>> -> memref<128xi32, #tpu.memory_space<vmem>>
    %dma_start3A_89 = tpu.memref_slice %arg3[%dma_start3A_79, %mul3A_66] : memref<2x320000xi32, #tpu.memory_space<hbm>> -> memref<1x128xi32, #tpu.memory_space<hbm>>
    %dma_start3A_90 = tpu.memref_squeeze %dma_start3A_89 : memref<1x128xi32, #tpu.memory_space<hbm>> -> memref<128xi32, #tpu.memory_space<hbm>>
    tpu.enqueue_dma source(%dma_start3A_90 : memref<128xi32, #tpu.memory_space<hbm>>) target(%dma_start3A_88 : memref<128xi32, #tpu.memory_space<vmem>>) target_semaphore(%arg9 : memref<!tpu.dma_semaphore, #tpu.memory_space<semaphore_mem>>)
    %scan3A = arith.constant 0 : i32
    %scan3A_91 = arith.constant 0 : i32
    %scan3A_92 = arith.constant 128 : i32
    %scan3A_93 = arith.addi %scan3A_91, %scan3A_92 : i32
    %scan3A_94 = arith.constant 1 : i32
    scf.for %scan3A_184 = %scan3A_91 to %scan3A_93 step %scan3A_94  : i32 {
      %broadcast_in_dim3A = arith.constant 0.000000e+00 : f32
      %broadcast_in_dim3A_185 = vector.broadcast %broadcast_in_dim3A : f32 to vector<16xf32>
      %swap3A = arith.constant 2 : i32
      %swap3A_186 = arith.index_cast %swap3A : i32 to index
      %swap3A_187 = arith.index_cast %scan3A_184 : i32 to index
      %swap3A_188 = arith.constant 0 : index
      %swap3A_189 = tpu.vector_load %arg7[%swap3A_186, %swap3A_187, %swap3A_188] {strides = array<i32>} : memref<3x128x128xf32, #tpu.memory_space<vmem>>, vector<1x1x16xf32>,
      %swap3A_190 = vector.shape_cast %swap3A_189 : vector<1x1x16xf32> to vector<16xf32>
      %swap3A_191 = vector.shape_cast %broadcast_in_dim3A_185 : vector<16xf32> to vector<1x1x16xf32>
      tpu.vector_store %arg7[%swap3A_186, %swap3A_187, %swap3A_188], %swap3A_191 {strides = array<i32>} : memref<3x128x128xf32, #tpu.memory_space<vmem>>, vector<1x1x16xf32>,
      %broadcast_in_dim3A_192 = arith.constant 0.000000e+00 : f32
      %broadcast_in_dim3A_193 = vector.broadcast %broadcast_in_dim3A_192 : f32 to vector<16xf32>
      %swap3A_194 = arith.constant 2 : i32
      %swap3A_195 = arith.index_cast %swap3A_194 : i32 to index
      %swap3A_196 = arith.index_cast %scan3A_184 : i32 to index
      %swap3A_197 = arith.constant 16 : index
      %swap3A_198 = tpu.vector_load %arg7[%swap3A_195, %swap3A_196, %swap3A_197] {strides = array<i32>} : memref<3x128x128xf32, #tpu.memory_space<vmem>>, vector<1x1x16xf32>,
      %swap3A_199 = vector.shape_cast %swap3A_198 : vector<1x1x16xf32> to vector<16xf32>
      %swap3A_200 = vector.shape_cast %broadcast_in_dim3A_193 : vector<16xf32> to vector<1x1x16xf32>
      tpu.vector_store %arg7[%swap3A_195, %swap3A_196, %swap3A_197], %swap3A_200 {strides = array<i32>} : memref<3x128x128xf32, #tpu.memory_space<vmem>>, vector<1x1x16xf32>,
      %broadcast_in_dim3A_201 = arith.constant 0.000000e+00 : f32
      %broadcast_in_dim3A_202 = vector.broadcast %broadcast_in_dim3A_201 : f32 to vector<16xf32>
      %swap3A_203 = arith.constant 2 : i32
      %swap3A_204 = arith.index_cast %swap3A_203 : i32 to index
      %swap3A_205 = arith.index_cast %scan3A_184 : i32 to index
      %swap3A_206 = arith.constant 32 : index
      %swap3A_207 = tpu.vector_load %arg7[%swap3A_204, %swap3A_205, %swap3A_206] {strides = array<i32>} : memref<3x128x128xf32, #tpu.memory_space<vmem>>, vector<1x1x16xf32>,
      %swap3A_208 = vector.shape_cast %swap3A_207 : vector<1x1x16xf32> to vector<16xf32>
      %swap3A_209 = vector.shape_cast %broadcast_in_dim3A_202 : vector<16xf32> to vector<1x1x16xf32>
      tpu.vector_store %arg7[%swap3A_204, %swap3A_205, %swap3A_206], %swap3A_209 {strides = array<i32>} : memref<3x128x128xf32, #tpu.memory_space<vmem>>, vector<1x1x16xf32>,
      %broadcast_in_dim3A_210 = arith.constant 0.000000e+00 : f32
      %broadcast_in_dim3A_211 = vector.broadcast %broadcast_in_dim3A_210 : f32 to vector<16xf32>
      %swap3A_212 = arith.constant 2 : i32
      %swap3A_213 = arith.index_cast %swap3A_212 : i32 to index
      %swap3A_214 = arith.index_cast %scan3A_184 : i32 to index
      %swap3A_215 = arith.constant 48 : index
      %swap3A_216 = tpu.vector_load %arg7[%swap3A_213, %swap3A_214, %swap3A_215] {strides = array<i32>} : memref<3x128x128xf32, #tpu.memory_space<vmem>>, vector<1x1x16xf32>,
      %swap3A_217 = vector.shape_cast %swap3A_216 : vector<1x1x16xf32> to vector<16xf32>
      %swap3A_218 = vector.shape_cast %broadcast_in_dim3A_211 : vector<16xf32> to vector<1x1x16xf32>
      tpu.vector_store %arg7[%swap3A_213, %swap3A_214, %swap3A_215], %swap3A_218 {strides = array<i32>} : memref<3x128x128xf32, #tpu.memory_space<vmem>>, vector<1x1x16xf32>,
      %broadcast_in_dim3A_219 = arith.constant 0.000000e+00 : f32
      %broadcast_in_dim3A_220 = vector.broadcast %broadcast_in_dim3A_219 : f32 to vector<16xf32>
      %swap3A_221 = arith.constant 2 : i32
      %swap3A_222 = arith.index_cast %swap3A_221 : i32 to index
      %swap3A_223 = arith.index_cast %scan3A_184 : i32 to index
      %swap3A_224 = arith.constant 64 : index
      %swap3A_225 = tpu.vector_load %arg7[%swap3A_222, %swap3A_223, %swap3A_224] {strides = array<i32>} : memref<3x128x128xf32, #tpu.memory_space<vmem>>, vector<1x1x16xf32>,
      %swap3A_226 = vector.shape_cast %swap3A_225 : vector<1x1x16xf32> to vector<16xf32>
      %swap3A_227 = vector.shape_cast %broadcast_in_dim3A_220 : vector<16xf32> to vector<1x1x16xf32>
      tpu.vector_store %arg7[%swap3A_222, %swap3A_223, %swap3A_224], %swap3A_227 {strides = array<i32>} : memref<3x128x128xf32, #tpu.memory_space<vmem>>, vector<1x1x16xf32>,
      %broadcast_in_dim3A_228 = arith.constant 0.000000e+00 : f32
      %broadcast_in_dim3A_229 = vector.broadcast %broadcast_in_dim3A_228 : f32 to vector<16xf32>
      %swap3A_230 = arith.constant 2 : i32
      %swap3A_231 = arith.index_cast %swap3A_230 : i32 to index
      %swap3A_232 = arith.index_cast %scan3A_184 : i32 to index
      %swap3A_233 = arith.constant 80 : index
      %swap3A_234 = tpu.vector_load %arg7[%swap3A_231, %swap3A_232, %swap3A_233] {strides = array<i32>} : memref<3x128x128xf32, #tpu.memory_space<vmem>>, vector<1x1x16xf32>,
      %swap3A_235 = vector.shape_cast %swap3A_234 : vector<1x1x16xf32> to vector<16xf32>
      %swap3A_236 = vector.shape_cast %broadcast_in_dim3A_229 : vector<16xf32> to vector<1x1x16xf32>
      tpu.vector_store %arg7[%swap3A_231, %swap3A_232, %swap3A_233], %swap3A_236 {strides = array<i32>} : memref<3x128x128xf32, #tpu.memory_space<vmem>>, vector<1x1x16xf32>,
      %broadcast_in_dim3A_237 = arith.constant 0.000000e+00 : f32
      %broadcast_in_dim3A_238 = vector.broadcast %broadcast_in_dim3A_237 : f32 to vector<16xf32>
      %swap3A_239 = arith.constant 2 : i32
      %swap3A_240 = arith.index_cast %swap3A_239 : i32 to index
      %swap3A_241 = arith.index_cast %scan3A_184 : i32 to index
      %swap3A_242 = arith.constant 96 : index
      %swap3A_243 = tpu.vector_load %arg7[%swap3A_240, %swap3A_241, %swap3A_242] {strides = array<i32>} : memref<3x128x128xf32, #tpu.memory_space<vmem>>, vector<1x1x16xf32>,
      %swap3A_244 = vector.shape_cast %swap3A_243 : vector<1x1x16xf32> to vector<16xf32>
      %swap3A_245 = vector.shape_cast %broadcast_in_dim3A_238 : vector<16xf32> to vector<1x1x16xf32>
      tpu.vector_store %arg7[%swap3A_240, %swap3A_241, %swap3A_242], %swap3A_245 {strides = array<i32>} : memref<3x128x128xf32, #tpu.memory_space<vmem>>, vector<1x1x16xf32>,
      %broadcast_in_dim3A_246 = arith.constant 0.000000e+00 : f32
      %broadcast_in_dim3A_247 = vector.broadcast %broadcast_in_dim3A_246 : f32 to vector<16xf32>
      %swap3A_248 = arith.constant 2 : i32
      %swap3A_249 = arith.index_cast %swap3A_248 : i32 to index
      %swap3A_250 = arith.index_cast %scan3A_184 : i32 to index
      %swap3A_251 = arith.constant 112 : index
      %swap3A_252 = tpu.vector_load %arg7[%swap3A_249, %swap3A_250, %swap3A_251] {strides = array<i32>} : memref<3x128x128xf32, #tpu.memory_space<vmem>>, vector<1x1x16xf32>,
      %swap3A_253 = vector.shape_cast %swap3A_252 : vector<1x1x16xf32> to vector<16xf32>
      %swap3A_254 = vector.shape_cast %broadcast_in_dim3A_247 : vector<16xf32> to vector<1x1x16xf32>
      tpu.vector_store %arg7[%swap3A_249, %swap3A_250, %swap3A_251], %swap3A_254 {strides = array<i32>} : memref<3x128x128xf32, #tpu.memory_space<vmem>>, vector<1x1x16xf32>,
    }
    %scan3A_95 = arith.constant 128 : i32
    %dma_wait3A = arith.constant 0 : i32
    %dma_wait3A_96 = arith.constant 0 : i32
    %dma_wait3A_97 = arith.constant 0 : i32
    %dma_wait3A_98 = tpu.memref_slice %arg7[%dma_wait3A, %dma_wait3A_96, %dma_wait3A_97] : memref<3x128x128xf32, #tpu.memory_space<vmem>> -> memref<1x2x128xf32, #tpu.memory_space<vmem>>
    %dma_wait3A_99 = tpu.memref_squeeze %dma_wait3A_98 : memref<1x2x128xf32, #tpu.memory_space<vmem>> -> memref<2x128xf32, #tpu.memory_space<vmem>>
    %dma_wait3A_100 = arith.constant 0 : i32
    %dma_wait3A_101 = arith.constant 0 : i32
    %dma_wait3A_102 = tpu.memref_slice %arg2[%dma_wait3A_100, %dma_wait3A_101] : memref<10000x128xf32, #tpu.memory_space<hbm>> -> memref<2x128xf32, #tpu.memory_space<hbm>>
    %dma_wait3A_103 = arith.constant 0 : i32
    %dma_wait3A_104 = arith.constant 0 : i32
    %dma_wait3A_105 = tpu.memref_slice %arg7[%dma_wait3A, %dma_wait3A_103, %dma_wait3A_104] : memref<3x128x128xf32, #tpu.memory_space<vmem>> -> memref<1x2x128xf32, #tpu.memory_space<vmem>>
    %dma_wait3A_106 = tpu.memref_squeeze %dma_wait3A_105 : memref<1x2x128xf32, #tpu.memory_space<vmem>> -> memref<2x128xf32, #tpu.memory_space<vmem>>
    %dma_wait3A_107 = arith.constant 0 : i32
    %dma_wait3A_108 = arith.constant 0 : i32
    %dma_wait3A_109 = tpu.memref_slice %arg2[%dma_wait3A_107, %dma_wait3A_108] : memref<10000x128xf32, #tpu.memory_space<hbm>> -> memref<2x128xf32, #tpu.memory_space<hbm>>
    tpu.wait_dma2 semaphore(%arg9 : memref<!tpu.dma_semaphore, #tpu.memory_space<semaphore_mem>>) src(%dma_wait3A_109 : memref<2x128xf32, #tpu.memory_space<hbm>>) dst(%dma_wait3A_106 : memref<2x128xf32, #tpu.memory_space<vmem>>)
    %dma_wait3A_110 = arith.constant 0 : i32
    %dma_wait3A_111 = arith.constant 0 : i32
    %dma_wait3A_112 = arith.constant 0 : i32
    %dma_wait3A_113 = tpu.memref_slice %arg7[%dma_wait3A_110, %dma_wait3A_111, %dma_wait3A_112] : memref<3x128x128xf32, #tpu.memory_space<vmem>> -> memref<1x2x128xf32, #tpu.memory_space<vmem>>
    %dma_wait3A_114 = tpu.memref_squeeze %dma_wait3A_113 : memref<1x2x128xf32, #tpu.memory_space<vmem>> -> memref<2x128xf32, #tpu.memory_space<vmem>>
    %dma_wait3A_115 = arith.constant 0 : i32
    %dma_wait3A_116 = arith.constant 0 : i32
    %dma_wait3A_117 = tpu.memref_slice %arg2[%dma_wait3A_115, %dma_wait3A_116] : memref<10000x128xf32, #tpu.memory_space<hbm>> -> memref<2x128xf32, #tpu.memory_space<hbm>>
    %dma_wait3A_118 = arith.constant 0 : i32
    %dma_wait3A_119 = arith.constant 0 : i32
    %dma_wait3A_120 = tpu.memref_slice %arg7[%dma_wait3A_110, %dma_wait3A_118, %dma_wait3A_119] : memref<3x128x128xf32, #tpu.memory_space<vmem>> -> memref<1x2x128xf32, #tpu.memory_space<vmem>>
    %dma_wait3A_121 = tpu.memref_squeeze %dma_wait3A_120 : memref<1x2x128xf32, #tpu.memory_space<vmem>> -> memref<2x128xf32, #tpu.memory_space<vmem>>
    %dma_wait3A_122 = arith.constant 0 : i32
    %dma_wait3A_123 = arith.constant 0 : i32
    %dma_wait3A_124 = tpu.memref_slice %arg2[%dma_wait3A_122, %dma_wait3A_123] : memref<10000x128xf32, #tpu.memory_space<hbm>> -> memref<2x128xf32, #tpu.memory_space<hbm>>
    tpu.wait_dma2 semaphore(%arg9 : memref<!tpu.dma_semaphore, #tpu.memory_space<semaphore_mem>>) src(%dma_wait3A_124 : memref<2x128xf32, #tpu.memory_space<hbm>>) dst(%dma_wait3A_121 : memref<2x128xf32, #tpu.memory_space<vmem>>)
    %dma_start3A_125 = arith.constant 0 : i32
    %dma_start3A_126 = arith.constant 0 : i32
    %dma_start3A_127 = arith.constant 0 : i32
    %dma_start3A_128 = arith.constant 0 : i32
    %dma_start3A_129 = tpu.memref_slice %arg7[%dma_start3A_126, %dma_start3A_127, %dma_start3A_128] : memref<3x128x128xf32, #tpu.memory_space<vmem>> -> memref<1x128x128xf32, #tpu.memory_space<vmem>>
    %dma_start3A_130 = tpu.memref_squeeze %dma_start3A_129 : memref<1x128x128xf32, #tpu.memory_space<vmem>> -> memref<128x128xf32, #tpu.memory_space<vmem>>
    %dma_start3A_131 = arith.constant 0 : i32
    %dma_start3A_132 = tpu.memref_slice %arg5[%dma_start3A_125, %dma_start3A_131] : memref<3x128xi32, #tpu.memory_space<vmem>> -> memref<1x128xi32, #tpu.memory_space<vmem>>
    %dma_start3A_133 = tpu.memref_squeeze %dma_start3A_132 : memref<1x128xi32, #tpu.memory_space<vmem>> -> memref<128xi32, #tpu.memory_space<vmem>>
    %dma_start3A_134 = arith.constant 0 : i32
    %dma_start3A_135 = arith.constant 0 : i32
    %dma_start3A_136 = tpu.memref_slice %arg2[%dma_start3A_134, %dma_start3A_135] : memref<10000x128xf32, #tpu.memory_space<hbm>> -> memref<10000x128xf32, #tpu.memory_space<hbm>>
    tpu.enqueue_indirect_dma source(%dma_start3A_136 : memref<10000x128xf32, #tpu.memory_space<hbm>>) target(%dma_start3A_130 : memref<128x128xf32, #tpu.memory_space<vmem>>) offsets(%dma_start3A_133 : memref<128xi32, #tpu.memory_space<vmem>>) semaphore(%arg10 : memref<!tpu.dma_semaphore, #tpu.memory_space<semaphore_mem>>)
    %dma_start3A_137 = arith.constant 1 : i32
    %dma_start3A_138 = arith.constant 1 : i32
    %dma_start3A_139 = arith.constant 0 : i32
    %dma_start3A_140 = arith.constant 0 : i32
    %dma_start3A_141 = tpu.memref_slice %arg7[%dma_start3A_138, %dma_start3A_139, %dma_start3A_140] : memref<3x128x128xf32, #tpu.memory_space<vmem>> -> memref<1x128x128xf32, #tpu.memory_space<vmem>>
    %dma_start3A_142 = tpu.memref_squeeze %dma_start3A_141 : memref<1x128x128xf32, #tpu.memory_space<vmem>> -> memref<128x128xf32, #tpu.memory_space<vmem>>
    %dma_start3A_143 = arith.constant 0 : i32
    %dma_start3A_144 = tpu.memref_slice %arg5[%dma_start3A_137, %dma_start3A_143] : memref<3x128xi32, #tpu.memory_space<vmem>> -> memref<1x128xi32, #tpu.memory_space<vmem>>
    %dma_start3A_145 = tpu.memref_squeeze %dma_start3A_144 : memref<1x128xi32, #tpu.memory_space<vmem>> -> memref<128xi32, #tpu.memory_space<vmem>>
    %dma_start3A_146 = arith.constant 0 : i32
    %dma_start3A_147 = arith.constant 0 : i32
    %dma_start3A_148 = tpu.memref_slice %arg2[%dma_start3A_146, %dma_start3A_147] : memref<10000x128xf32, #tpu.memory_space<hbm>> -> memref<10000x128xf32, #tpu.memory_space<hbm>>
    tpu.enqueue_indirect_dma source(%dma_start3A_148 : memref<10000x128xf32, #tpu.memory_space<hbm>>) target(%dma_start3A_142 : memref<128x128xf32, #tpu.memory_space<vmem>>) offsets(%dma_start3A_145 : memref<128xi32, #tpu.memory_space<vmem>>) semaphore(%arg10 : memref<!tpu.dma_semaphore, #tpu.memory_space<semaphore_mem>>)
    %mul3A_149 = arith.constant 632 : i32
    %mul3A_150 = arith.muli %arg1, %mul3A_149 : i32
    %add3A_151 = arith.constant 0 : i32
    %add3A_152 = arith.addi %mul3A_150, %add3A_151 : i32
    %run_scoped3A = arith.constant 2 : i32
    "tpu.region"() ({
      %run_scoped3A_184 = tpu.sem_alloc : memref<!tpu.dma_semaphore, #tpu.memory_space<semaphore_mem>>
      %dma_start3A_185 = arith.constant 0 : i32
      %dma_start3A_186 = arith.constant 0 : i32
      %dma_start3A_187 = tpu.memref_slice %arg7[%run_scoped3A, %dma_start3A_185, %dma_start3A_186] : memref<3x128x128xf32, #tpu.memory_space<vmem>> -> memref<1x128x128xf32, #tpu.memory_space<vmem>>
      %dma_start3A_188 = tpu.memref_squeeze %dma_start3A_187 : memref<1x128x128xf32, #tpu.memory_space<vmem>> -> memref<128x128xf32, #tpu.memory_space<vmem>>
      %dma_start3A_189 = arith.constant 0 : i32
      %dma_start3A_190 = tpu.memref_slice %arg8[%add3A_152, %dma_start3A_189] : memref<10112x128xf32, #tpu.memory_space<vmem_shared>> -> memref<128x128xf32, #tpu.memory_space<vmem_shared>>
      %dma_start3A_191 = arith.constant 0 : i32
      %dma_start3A_192 = tpu.memref_slice %arg8[%add3A_152, %dma_start3A_191] : memref<10112x128xf32, #tpu.memory_space<vmem_shared>> -> memref<128x128xf32, #tpu.memory_space<vmem_shared>>
      %dma_start3A_193 = arith.constant 0 : i32
      %dma_start3A_194 = arith.constant 0 : i32
      %dma_start3A_195 = tpu.memref_slice %arg7[%run_scoped3A, %dma_start3A_193, %dma_start3A_194] : memref<3x128x128xf32, #tpu.memory_space<vmem>> -> memref<1x128x128xf32, #tpu.memory_space<vmem>>
      %dma_start3A_196 = tpu.memref_squeeze %dma_start3A_195 : memref<1x128x128xf32, #tpu.memory_space<vmem>> -> memref<128x128xf32, #tpu.memory_space<vmem>>
      tpu.enqueue_dma source(%dma_start3A_196 : memref<128x128xf32, #tpu.memory_space<vmem>>) target(%dma_start3A_192 : memref<128x128xf32, #tpu.memory_space<vmem_shared>>) target_semaphore(%run_scoped3A_184 : memref<!tpu.dma_semaphore, #tpu.memory_space<semaphore_mem>>)
      %dma_wait3A_197 = arith.constant 0 : i32
      %dma_wait3A_198 = arith.constant 0 : i32
      %dma_wait3A_199 = tpu.memref_slice %arg7[%run_scoped3A, %dma_wait3A_197, %dma_wait3A_198] : memref<3x128x128xf32, #tpu.memory_space<vmem>> -> memref<1x128x128xf32, #tpu.memory_space<vmem>>
      %dma_wait3A_200 = tpu.memref_squeeze %dma_wait3A_199 : memref<1x128x128xf32, #tpu.memory_space<vmem>> -> memref<128x128xf32, #tpu.memory_space<vmem>>
      %dma_wait3A_201 = arith.constant 0 : i32
      %dma_wait3A_202 = tpu.memref_slice %arg8[%add3A_152, %dma_wait3A_201] : memref<10112x128xf32, #tpu.memory_space<vmem_shared>> -> memref<128x128xf32, #tpu.memory_space<vmem_shared>>
      %dma_wait3A_203 = arith.constant 0 : i32
      %dma_wait3A_204 = tpu.memref_slice %arg8[%add3A_152, %dma_wait3A_203] : memref<10112x128xf32, #tpu.memory_space<vmem_shared>> -> memref<128x128xf32, #tpu.memory_space<vmem_shared>>
      %dma_wait3A_205 = arith.constant 0 : i32
      %dma_wait3A_206 = arith.constant 0 : i32
      %dma_wait3A_207 = tpu.memref_slice %arg7[%run_scoped3A, %dma_wait3A_205, %dma_wait3A_206] : memref<3x128x128xf32, #tpu.memory_space<vmem>> -> memref<1x128x128xf32, #tpu.memory_space<vmem>>
      %dma_wait3A_208 = tpu.memref_squeeze %dma_wait3A_207 : memref<1x128x128xf32, #tpu.memory_space<vmem>> -> memref<128x128xf32, #tpu.memory_space<vmem>>
      tpu.wait_dma2 semaphore(%run_scoped3A_184 : memref<!tpu.dma_semaphore, #tpu.memory_space<semaphore_mem>>) src(%dma_wait3A_208 : memref<128x128xf32, #tpu.memory_space<vmem>>) dst(%dma_wait3A_204 : memref<128x128xf32, #tpu.memory_space<vmem_shared>>)
      tpu.yield
    }) : () -> ()
    %add3A_153 = arith.constant 128 : i32
    %add3A_154 = arith.addi %mul3A_150, %add3A_153 : i32
    %run_scoped3A_155 = arith.constant 2 : i32
    "tpu.region"() ({
      %run_scoped3A_184 = tpu.sem_alloc : memref<!tpu.dma_semaphore, #tpu.memory_space<semaphore_mem>>
      %dma_start3A_185 = arith.constant 0 : i32
      %dma_start3A_186 = arith.constant 0 : i32
      %dma_start3A_187 = tpu.memref_slice %arg7[%run_scoped3A_155, %dma_start3A_185, %dma_start3A_186] : memref<3x128x128xf32, #tpu.memory_space<vmem>> -> memref<1x128x128xf32, #tpu.memory_space<vmem>>
      %dma_start3A_188 = tpu.memref_squeeze %dma_start3A_187 : memref<1x128x128xf32, #tpu.memory_space<vmem>> -> memref<128x128xf32, #tpu.memory_space<vmem>>
      %dma_start3A_189 = arith.constant 0 : i32
      %dma_start3A_190 = tpu.memref_slice %arg8[%add3A_154, %dma_start3A_189] : memref<10112x128xf32, #tpu.memory_space<vmem_shared>> -> memref<128x128xf32, #tpu.memory_space<vmem_shared>>
      %dma_start3A_191 = arith.constant 0 : i32
      %dma_start3A_192 = tpu.memref_slice %arg8[%add3A_154, %dma_start3A_191] : memref<10112x128xf32, #tpu.memory_space<vmem_shared>> -> memref<128x128xf32, #tpu.memory_space<vmem_shared>>
      %dma_start3A_193 = arith.constant 0 : i32
      %dma_start3A_194 = arith.constant 0 : i32
      %dma_start3A_195 = tpu.memref_slice %arg7[%run_scoped3A_155, %dma_start3A_193, %dma_start3A_194] : memref<3x128x128xf32, #tpu.memory_space<vmem>> -> memref<1x128x128xf32, #tpu.memory_space<vmem>>
      %dma_start3A_196 = tpu.memref_squeeze %dma_start3A_195 : memref<1x128x128xf32, #tpu.memory_space<vmem>> -> memref<128x128xf32, #tpu.memory_space<vmem>>
      tpu.enqueue_dma source(%dma_start3A_196 : memref<128x128xf32, #tpu.memory_space<vmem>>) target(%dma_start3A_192 : memref<128x128xf32, #tpu.memory_space<vmem_shared>>) target_semaphore(%run_scoped3A_184 : memref<!tpu.dma_semaphore, #tpu.memory_space<semaphore_mem>>)
      %dma_wait3A_197 = arith.constant 0 : i32
      %dma_wait3A_198 = arith.constant 0 : i32
      %dma_wait3A_199 = tpu.memref_slice %arg7[%run_scoped3A_155, %dma_wait3A_197, %dma_wait3A_198] : memref<3x128x128xf32, #tpu.memory_space<vmem>> -> memref<1x128x128xf32, #tpu.memory_space<vmem>>
      %dma_wait3A_200 = tpu.memref_squeeze %dma_wait3A_199 : memref<1x128x128xf32, #tpu.memory_space<vmem>> -> memref<128x128xf32, #tpu.memory_space<vmem>>
      %dma_wait3A_201 = arith.constant 0 : i32
      %dma_wait3A_202 = tpu.memref_slice %arg8[%add3A_154, %dma_wait3A_201] : memref<10112x128xf32, #tpu.memory_space<vmem_shared>> -> memref<128x128xf32, #tpu.memory_space<vmem_shared>>
      %dma_wait3A_203 = arith.constant 0 : i32
      %dma_wait3A_204 = tpu.memref_slice %arg8[%add3A_154, %dma_wait3A_203] : memref<10112x128xf32, #tpu.memory_space<vmem_shared>> -> memref<128x128xf32, #tpu.memory_space<vmem_shared>>
      %dma_wait3A_205 = arith.constant 0 : i32
      %dma_wait3A_206 = arith.constant 0 : i32
      %dma_wait3A_207 = tpu.memref_slice %arg7[%run_scoped3A_155, %dma_wait3A_205, %dma_wait3A_206] : memref<3x128x128xf32, #tpu.memory_space<vmem>> -> memref<1x128x128xf32, #tpu.memory_space<vmem>>
      %dma_wait3A_208 = tpu.memref_squeeze %dma_wait3A_207 : memref<1x128x128xf32, #tpu.memory_space<vmem>> -> memref<128x128xf32, #tpu.memory_space<vmem>>
      tpu.wait_dma2 semaphore(%run_scoped3A_184 : memref<!tpu.dma_semaphore, #tpu.memory_space<semaphore_mem>>) src(%dma_wait3A_208 : memref<128x128xf32, #tpu.memory_space<vmem>>) dst(%dma_wait3A_204 : memref<128x128xf32, #tpu.memory_space<vmem_shared>>)
      tpu.yield
    }) : () -> ()
    %add3A_156 = arith.constant 256 : i32
    %add3A_157 = arith.addi %mul3A_150, %add3A_156 : i32
    %run_scoped3A_158 = arith.constant 2 : i32
    "tpu.region"() ({
      %run_scoped3A_184 = tpu.sem_alloc : memref<!tpu.dma_semaphore, #tpu.memory_space<semaphore_mem>>
      %dma_start3A_185 = arith.constant 0 : i32
      %dma_start3A_186 = arith.constant 0 : i32
      %dma_start3A_187 = tpu.memref_slice %arg7[%run_scoped3A_158, %dma_start3A_185, %dma_start3A_186] : memref<3x128x128xf32, #tpu.memory_space<vmem>> -> memref<1x128x128xf32, #tpu.memory_space<vmem>>
      %dma_start3A_188 = tpu.memref_squeeze %dma_start3A_187 : memref<1x128x128xf32, #tpu.memory_space<vmem>> -> memref<128x128xf32, #tpu.memory_space<vmem>>
      %dma_start3A_189 = arith.constant 0 : i32
      %dma_start3A_190 = tpu.memref_slice %arg8[%add3A_157, %dma_start3A_189] : memref<10112x128xf32, #tpu.memory_space<vmem_shared>> -> memref<128x128xf32, #tpu.memory_space<vmem_shared>>
      %dma_start3A_191 = arith.constant 0 : i32
      %dma_start3A_192 = tpu.memref_slice %arg8[%add3A_157, %dma_start3A_191] : memref<10112x128xf32, #tpu.memory_space<vmem_shared>> -> memref<128x128xf32, #tpu.memory_space<vmem_shared>>
      %dma_start3A_193 = arith.constant 0 : i32
      %dma_start3A_194 = arith.constant 0 : i32
      %dma_start3A_195 = tpu.memref_slice %arg7[%run_scoped3A_158, %dma_start3A_193, %dma_start3A_194] : memref<3x128x128xf32, #tpu.memory_space<vmem>> -> memref<1x128x128xf32, #tpu.memory_space<vmem>>
      %dma_start3A_196 = tpu.memref_squeeze %dma_start3A_195 : memref<1x128x128xf32, #tpu.memory_space<vmem>> -> memref<128x128xf32, #tpu.memory_space<vmem>>
      tpu.enqueue_dma source(%dma_start3A_196 : memref<128x128xf32, #tpu.memory_space<vmem>>) target(%dma_start3A_192 : memref<128x128xf32, #tpu.memory_space<vmem_shared>>) target_semaphore(%run_scoped3A_184 : memref<!tpu.dma_semaphore, #tpu.memory_space<semaphore_mem>>)
      %dma_wait3A_197 = arith.constant 0 : i32
      %dma_wait3A_198 = arith.constant 0 : i32
      %dma_wait3A_199 = tpu.memref_slice %arg7[%run_scoped3A_158, %dma_wait3A_197, %dma_wait3A_198] : memref<3x128x128xf32, #tpu.memory_space<vmem>> -> memref<1x128x128xf32, #tpu.memory_space<vmem>>
      %dma_wait3A_200 = tpu.memref_squeeze %dma_wait3A_199 : memref<1x128x128xf32, #tpu.memory_space<vmem>> -> memref<128x128xf32, #tpu.memory_space<vmem>>
      %dma_wait3A_201 = arith.constant 0 : i32
      %dma_wait3A_202 = tpu.memref_slice %arg8[%add3A_157, %dma_wait3A_201] : memref<10112x128xf32, #tpu.memory_space<vmem_shared>> -> memref<128x128xf32, #tpu.memory_space<vmem_shared>>
      %dma_wait3A_203 = arith.constant 0 : i32
      %dma_wait3A_204 = tpu.memref_slice %arg8[%add3A_157, %dma_wait3A_203] : memref<10112x128xf32, #tpu.memory_space<vmem_shared>> -> memref<128x128xf32, #tpu.memory_space<vmem_shared>>
      %dma_wait3A_205 = arith.constant 0 : i32
      %dma_wait3A_206 = arith.constant 0 : i32
      %dma_wait3A_207 = tpu.memref_slice %arg7[%run_scoped3A_158, %dma_wait3A_205, %dma_wait3A_206] : memref<3x128x128xf32, #tpu.memory_space<vmem>> -> memref<1x128x128xf32, #tpu.memory_space<vmem>>
      %dma_wait3A_208 = tpu.memref_squeeze %dma_wait3A_207 : memref<1x128x128xf32, #tpu.memory_space<vmem>> -> memref<128x128xf32, #tpu.memory_space<vmem>>
      tpu.wait_dma2 semaphore(%run_scoped3A_184 : memref<!tpu.dma_semaphore, #tpu.memory_space<semaphore_mem>>) src(%dma_wait3A_208 : memref<128x128xf32, #tpu.memory_space<vmem>>) dst(%dma_wait3A_204 : memref<128x128xf32, #tpu.memory_space<vmem_shared>>)
      tpu.yield
    }) : () -> ()
    %add3A_159 = arith.constant 384 : i32
    %add3A_160 = arith.addi %mul3A_150, %add3A_159 : i32
    %run_scoped3A_161 = arith.constant 2 : i32
    "tpu.region"() ({
      %run_scoped3A_184 = tpu.sem_alloc : memref<!tpu.dma_semaphore, #tpu.memory_space<semaphore_mem>>
      %dma_start3A_185 = arith.constant 0 : i32
      %dma_start3A_186 = arith.constant 0 : i32
      %dma_start3A_187 = tpu.memref_slice %arg7[%run_scoped3A_161, %dma_start3A_185, %dma_start3A_186] : memref<3x128x128xf32, #tpu.memory_space<vmem>> -> memref<1x128x128xf32, #tpu.memory_space<vmem>>
      %dma_start3A_188 = tpu.memref_squeeze %dma_start3A_187 : memref<1x128x128xf32, #tpu.memory_space<vmem>> -> memref<128x128xf32, #tpu.memory_space<vmem>>
      %dma_start3A_189 = arith.constant 0 : i32
      %dma_start3A_190 = tpu.memref_slice %arg8[%add3A_160, %dma_start3A_189] : memref<10112x128xf32, #tpu.memory_space<vmem_shared>> -> memref<128x128xf32, #tpu.memory_space<vmem_shared>>
      %dma_start3A_191 = arith.constant 0 : i32
      %dma_start3A_192 = tpu.memref_slice %arg8[%add3A_160, %dma_start3A_191] : memref<10112x128xf32, #tpu.memory_space<vmem_shared>> -> memref<128x128xf32, #tpu.memory_space<vmem_shared>>
      %dma_start3A_193 = arith.constant 0 : i32
      %dma_start3A_194 = arith.constant 0 : i32
      %dma_start3A_195 = tpu.memref_slice %arg7[%run_scoped3A_161, %dma_start3A_193, %dma_start3A_194] : memref<3x128x128xf32, #tpu.memory_space<vmem>> -> memref<1x128x128xf32, #tpu.memory_space<vmem>>
      %dma_start3A_196 = tpu.memref_squeeze %dma_start3A_195 : memref<1x128x128xf32, #tpu.memory_space<vmem>> -> memref<128x128xf32, #tpu.memory_space<vmem>>
      tpu.enqueue_dma source(%dma_start3A_196 : memref<128x128xf32, #tpu.memory_space<vmem>>) target(%dma_start3A_192 : memref<128x128xf32, #tpu.memory_space<vmem_shared>>) target_semaphore(%run_scoped3A_184 : memref<!tpu.dma_semaphore, #tpu.memory_space<semaphore_mem>>)
      %dma_wait3A_197 = arith.constant 0 : i32
      %dma_wait3A_198 = arith.constant 0 : i32
      %dma_wait3A_199 = tpu.memref_slice %arg7[%run_scoped3A_161, %dma_wait3A_197, %dma_wait3A_198] : memref<3x128x128xf32, #tpu.memory_space<vmem>> -> memref<1x128x128xf32, #tpu.memory_space<vmem>>
      %dma_wait3A_200 = tpu.memref_squeeze %dma_wait3A_199 : memref<1x128x128xf32, #tpu.memory_space<vmem>> -> memref<128x128xf32, #tpu.memory_space<vmem>>
      %dma_wait3A_201 = arith.constant 0 : i32
      %dma_wait3A_202 = tpu.memref_slice %arg8[%add3A_160, %dma_wait3A_201] : memref<10112x128xf32, #tpu.memory_space<vmem_shared>> -> memref<128x128xf32, #tpu.memory_space<vmem_shared>>
      %dma_wait3A_203 = arith.constant 0 : i32
      %dma_wait3A_204 = tpu.memref_slice %arg8[%add3A_160, %dma_wait3A_203] : memref<10112x128xf32, #tpu.memory_space<vmem_shared>> -> memref<128x128xf32, #tpu.memory_space<vmem_shared>>
      %dma_wait3A_205 = arith.constant 0 : i32
      %dma_wait3A_206 = arith.constant 0 : i32
      %dma_wait3A_207 = tpu.memref_slice %arg7[%run_scoped3A_161, %dma_wait3A_205, %dma_wait3A_206] : memref<3x128x128xf32, #tpu.memory_space<vmem>> -> memref<1x128x128xf32, #tpu.memory_space<vmem>>
      %dma_wait3A_208 = tpu.memref_squeeze %dma_wait3A_207 : memref<1x128x128xf32, #tpu.memory_space<vmem>> -> memref<128x128xf32, #tpu.memory_space<vmem>>
      tpu.wait_dma2 semaphore(%run_scoped3A_184 : memref<!tpu.dma_semaphore, #tpu.memory_space<semaphore_mem>>) src(%dma_wait3A_208 : memref<128x128xf32, #tpu.memory_space<vmem>>) dst(%dma_wait3A_204 : memref<128x128xf32, #tpu.memory_space<vmem_shared>>)
      tpu.yield
    }) : () -> ()
    %add3A_162 = arith.constant 512 : i32
    %add3A_163 = arith.addi %mul3A_150, %add3A_162 : i32
    %run_scoped3A_164 = arith.constant 2 : i32
    "tpu.region"() ({
      %run_scoped3A_184 = tpu.sem_alloc : memref<!tpu.dma_semaphore, #tpu.memory_space<semaphore_mem>>
      %dma_start3A_185 = arith.constant 0 : i32
      %dma_start3A_186 = arith.constant 0 : i32
      %dma_start3A_187 = tpu.memref_slice %arg7[%run_scoped3A_164, %dma_start3A_185, %dma_start3A_186] : memref<3x128x128xf32, #tpu.memory_space<vmem>> -> memref<1x120x128xf32, #tpu.memory_space<vmem>>
      %dma_start3A_188 = tpu.memref_squeeze %dma_start3A_187 : memref<1x120x128xf32, #tpu.memory_space<vmem>> -> memref<120x128xf32, #tpu.memory_space<vmem>>
      %dma_start3A_189 = arith.constant 0 : i32
      %dma_start3A_190 = tpu.memref_slice %arg8[%add3A_163, %dma_start3A_189] : memref<10112x128xf32, #tpu.memory_space<vmem_shared>> -> memref<120x128xf32, #tpu.memory_space<vmem_shared>>
      %dma_start3A_191 = arith.constant 0 : i32
      %dma_start3A_192 = tpu.memref_slice %arg8[%add3A_163, %dma_start3A_191] : memref<10112x128xf32, #tpu.memory_space<vmem_shared>> -> memref<120x128xf32, #tpu.memory_space<vmem_shared>>
      %dma_start3A_193 = arith.constant 0 : i32
      %dma_start3A_194 = arith.constant 0 : i32
      %dma_start3A_195 = tpu.memref_slice %arg7[%run_scoped3A_164, %dma_start3A_193, %dma_start3A_194] : memref<3x128x128xf32, #tpu.memory_space<vmem>> -> memref<1x120x128xf32, #tpu.memory_space<vmem>>
      %dma_start3A_196 = tpu.memref_squeeze %dma_start3A_195 : memref<1x120x128xf32, #tpu.memory_space<vmem>> -> memref<120x128xf32, #tpu.memory_space<vmem>>
      tpu.enqueue_dma source(%dma_start3A_196 : memref<120x128xf32, #tpu.memory_space<vmem>>) target(%dma_start3A_192 : memref<120x128xf32, #tpu.memory_space<vmem_shared>>) target_semaphore(%run_scoped3A_184 : memref<!tpu.dma_semaphore, #tpu.memory_space<semaphore_mem>>)
      %dma_wait3A_197 = arith.constant 0 : i32
      %dma_wait3A_198 = arith.constant 0 : i32
      %dma_wait3A_199 = tpu.memref_slice %arg7[%run_scoped3A_164, %dma_wait3A_197, %dma_wait3A_198] : memref<3x128x128xf32, #tpu.memory_space<vmem>> -> memref<1x120x128xf32, #tpu.memory_space<vmem>>
      %dma_wait3A_200 = tpu.memref_squeeze %dma_wait3A_199 : memref<1x120x128xf32, #tpu.memory_space<vmem>> -> memref<120x128xf32, #tpu.memory_space<vmem>>
      %dma_wait3A_201 = arith.constant 0 : i32
      %dma_wait3A_202 = tpu.memref_slice %arg8[%add3A_163, %dma_wait3A_201] : memref<10112x128xf32, #tpu.memory_space<vmem_shared>> -> memref<120x128xf32, #tpu.memory_space<vmem_shared>>
      %dma_wait3A_203 = arith.constant 0 : i32
      %dma_wait3A_204 = tpu.memref_slice %arg8[%add3A_163, %dma_wait3A_203] : memref<10112x128xf32, #tpu.memory_space<vmem_shared>> -> memref<120x128xf32, #tpu.memory_space<vmem_shared>>
      %dma_wait3A_205 = arith.constant 0 : i32
      %dma_wait3A_206 = arith.constant 0 : i32
      %dma_wait3A_207 = tpu.memref_slice %arg7[%run_scoped3A_164, %dma_wait3A_205, %dma_wait3A_206] : memref<3x128x128xf32, #tpu.memory_space<vmem>> -> memref<1x120x128xf32, #tpu.memory_space<vmem>>
      %dma_wait3A_208 = tpu.memref_squeeze %dma_wait3A_207 : memref<1x120x128xf32, #tpu.memory_space<vmem>> -> memref<120x128xf32, #tpu.memory_space<vmem>>
      tpu.wait_dma2 semaphore(%run_scoped3A_184 : memref<!tpu.dma_semaphore, #tpu.memory_space<semaphore_mem>>) src(%dma_wait3A_208 : memref<120x128xf32, #tpu.memory_space<vmem>>) dst(%dma_wait3A_204 : memref<120x128xf32, #tpu.memory_space<vmem_shared>>)
      tpu.yield
    }) : () -> ()
    %barrier3A = arith.constant 0 : index
    tpu.barrier barrier_id(%barrier3A)
    %scan3A_165 = arith.constant 0 : i32
    %scan3A_166 = arith.constant 0 : i32
    %scan3A_167 = arith.constant 79 : i32
    %scan3A_168 = arith.addi %scan3A_166, %scan3A_167 : i32
    %scan3A_169 = arith.constant 1 : i32
    scf.for %scan3A_184 = %scan3A_166 to %scan3A_168 step %scan3A_169  : i32 {
      %lt3A_185 = arith.cmpi slt, %scan3A_184, %add3A_7 : i32
      %convert_element_type3A_186 = arith.extui %lt3A_185 : i1 to i32
      %cond3A = arith.constant 0 : i32
      %cond3A_187 = arith.cmpi ne, %convert_element_type3A_186, %cond3A : i32
      scf.if %cond3A_187 {
        %jit3A = arith.constant 3 : i32
        %eq3A = arith.constant 0 : i32
        %eq3A_200 = arith.cmpi eq, %jit3A, %eq3A : i32
        %jit3A_201 = arith.constant 1 : i32
        %select_n3A = arith.select %eq3A_200, %jit3A_201, %jit3A : i32
        %rem3A = arith.remsi %scan3A_184, %select_n3A : i32
        %ne3A = arith.constant 0 : i32
        %ne3A_202 = arith.cmpi ne, %rem3A, %ne3A : i32
        %lt3A_203 = arith.constant 0 : i32
        %lt3A_204 = arith.cmpi slt, %rem3A, %lt3A_203 : i32
        %lt3A_205 = arith.constant 0 : i32
        %lt3A_206 = arith.cmpi slt, %select_n3A, %lt3A_205 : i32
        %ne3A_207 = arith.xori %lt3A_204, %lt3A_206 : i1
        %and3A = arith.andi %ne3A_207, %ne3A_202 : i1
        %add3A_208 = arith.addi %rem3A, %select_n3A : i32
        %select_n3A_209 = arith.select %and3A, %add3A_208, %rem3A : i32
        %dma_wait3A_210 = arith.constant 0 : i32
        %dma_wait3A_211 = arith.constant 0 : i32
        %dma_wait3A_212 = arith.constant 0 : i32
        %dma_wait3A_213 = tpu.memref_slice %arg7[%select_n3A_209, %dma_wait3A_211, %dma_wait3A_212] : memref<3x128x128xf32, #tpu.memory_space<vmem>> -> memref<1x128x128xf32, #tpu.memory_space<vmem>>
        %dma_wait3A_214 = tpu.memref_squeeze %dma_wait3A_213 : memref<1x128x128xf32, #tpu.memory_space<vmem>> -> memref<128x128xf32, #tpu.memory_space<vmem>>
        %dma_wait3A_215 = arith.constant 0 : i32
        %dma_wait3A_216 = tpu.memref_slice %arg5[%dma_wait3A_210, %dma_wait3A_215] : memref<3x128xi32, #tpu.memory_space<vmem>> -> memref<1x128xi32, #tpu.memory_space<vmem>>
        %dma_wait3A_217 = tpu.memref_squeeze %dma_wait3A_216 : memref<1x128xi32, #tpu.memory_space<vmem>> -> memref<128xi32, #tpu.memory_space<vmem>>
        %dma_wait3A_218 = arith.constant 0 : i32
        %dma_wait3A_219 = arith.constant 0 : i32
        %dma_wait3A_220 = tpu.memref_slice %arg2[%dma_wait3A_218, %dma_wait3A_219] : memref<10000x128xf32, #tpu.memory_space<hbm>> -> memref<10000x128xf32, #tpu.memory_space<hbm>>
        tpu.wait_indirect_dma semaphore(%arg10 : memref<!tpu.dma_semaphore, #tpu.memory_space<semaphore_mem>>) src(%dma_wait3A_220 : memref<10000x128xf32, #tpu.memory_space<hbm>>) dst(%dma_wait3A_214 : memref<128x128xf32, #tpu.memory_space<vmem>>)
        %gt3A = arith.constant 0 : i32
        %gt3A_221 = arith.cmpi sgt, %scan3A_184, %gt3A : i32
        %convert_element_type3A_222 = arith.extui %gt3A_221 : i1 to i32
        %cond3A_223 = arith.constant 0 : i32
        %cond3A_224 = arith.cmpi ne, %convert_element_type3A_222, %cond3A_223 : i32
        scf.if %cond3A_224 {
          %dma_wait3A_267 = arith.constant 0 : i32
          %dma_wait3A_268 = arith.constant 0 : i32
          %dma_wait3A_269 = arith.constant 0 : i32
          %dma_wait3A_270 = arith.constant 0 : i32
          %dma_wait3A_271 = tpu.memref_slice %arg7[%dma_wait3A_267, %dma_wait3A_269, %dma_wait3A_270] : memref<3x128x128xf32, #tpu.memory_space<vmem>> -> memref<1x128x128xf32, #tpu.memory_space<vmem>>
          %dma_wait3A_272 = tpu.memref_squeeze %dma_wait3A_271 : memref<1x128x128xf32, #tpu.memory_space<vmem>> -> memref<128x128xf32, #tpu.memory_space<vmem>>
          %dma_wait3A_273 = arith.constant 0 : i32
          %dma_wait3A_274 = tpu.memref_slice %arg6[%dma_wait3A_268, %dma_wait3A_273] : memref<4x128xi32, #tpu.memory_space<vmem>> -> memref<1x128xi32, #tpu.memory_space<vmem>>
          %dma_wait3A_275 = tpu.memref_squeeze %dma_wait3A_274 : memref<1x128xi32, #tpu.memory_space<vmem>> -> memref<128xi32, #tpu.memory_space<vmem>>
          %dma_wait3A_276 = arith.constant 0 : i32
          %dma_wait3A_277 = arith.constant 0 : i32
          %dma_wait3A_278 = tpu.memref_slice %arg8[%dma_wait3A_276, %dma_wait3A_277] : memref<10112x128xf32, #tpu.memory_space<vmem_shared>> -> memref<10112x128xf32, #tpu.memory_space<vmem_shared>>
          tpu.wait_indirect_dma semaphore(%arg11 : memref<!tpu.dma_semaphore, #tpu.memory_space<semaphore_mem>>) src(%dma_wait3A_272 : memref<128x128xf32, #tpu.memory_space<vmem>>) dst(%dma_wait3A_278 : memref<10112x128xf32, #tpu.memory_space<vmem_shared>>)
        } else {
        }
        %jit3A_225 = arith.constant 3 : i32
        %eq3A_226 = arith.constant 0 : i32
        %eq3A_227 = arith.cmpi eq, %jit3A_225, %eq3A_226 : i32
        %jit3A_228 = arith.constant 1 : i32
        %select_n3A_229 = arith.select %eq3A_227, %jit3A_228, %jit3A_225 : i32
        %rem3A_230 = arith.remsi %scan3A_184, %select_n3A_229 : i32
        %ne3A_231 = arith.constant 0 : i32
        %ne3A_232 = arith.cmpi ne, %rem3A_230, %ne3A_231 : i32
        %lt3A_233 = arith.constant 0 : i32
        %lt3A_234 = arith.cmpi slt, %rem3A_230, %lt3A_233 : i32
        %lt3A_235 = arith.constant 0 : i32
        %lt3A_236 = arith.cmpi slt, %select_n3A_229, %lt3A_235 : i32
        %ne3A_237 = arith.xori %lt3A_234, %lt3A_236 : i1
        %and3A_238 = arith.andi %ne3A_237, %ne3A_232 : i1
        %add3A_239 = arith.addi %rem3A_230, %select_n3A_229 : i32
        %select_n3A_240 = arith.select %and3A_238, %add3A_239, %rem3A_230 : i32
        %jit3A_241 = arith.constant 4 : i32
        %eq3A_242 = arith.constant 0 : i32
        %eq3A_243 = arith.cmpi eq, %jit3A_241, %eq3A_242 : i32
        %jit3A_244 = arith.constant 1 : i32
        %select_n3A_245 = arith.select %eq3A_243, %jit3A_244, %jit3A_241 : i32
        %rem3A_246 = arith.remsi %scan3A_184, %select_n3A_245 : i32
        %ne3A_247 = arith.constant 0 : i32
        %ne3A_248 = arith.cmpi ne, %rem3A_246, %ne3A_247 : i32
        %lt3A_249 = arith.constant 0 : i32
        %lt3A_250 = arith.cmpi slt, %rem3A_246, %lt3A_249 : i32
        %lt3A_251 = arith.constant 0 : i32
        %lt3A_252 = arith.cmpi slt, %select_n3A_245, %lt3A_251 : i32
        %ne3A_253 = arith.xori %lt3A_250, %lt3A_252 : i1
        %and3A_254 = arith.andi %ne3A_253, %ne3A_248 : i1
        %add3A_255 = arith.addi %rem3A_246, %select_n3A_245 : i32
        %select_n3A_256 = arith.select %and3A_254, %add3A_255, %rem3A_246 : i32
        %dma_start3A_257 = arith.constant 0 : i32
        %dma_start3A_258 = arith.constant 0 : i32
        %dma_start3A_259 = tpu.memref_slice %arg7[%select_n3A_240, %dma_start3A_257, %dma_start3A_258] : memref<3x128x128xf32, #tpu.memory_space<vmem>> -> memref<1x128x128xf32, #tpu.memory_space<vmem>>
        %dma_start3A_260 = tpu.memref_squeeze %dma_start3A_259 : memref<1x128x128xf32, #tpu.memory_space<vmem>> -> memref<128x128xf32, #tpu.memory_space<vmem>>
        %dma_start3A_261 = arith.constant 0 : i32
        %dma_start3A_262 = tpu.memref_slice %arg6[%select_n3A_256, %dma_start3A_261] : memref<4x128xi32, #tpu.memory_space<vmem>> -> memref<1x128xi32, #tpu.memory_space<vmem>>
        %dma_start3A_263 = tpu.memref_squeeze %dma_start3A_262 : memref<1x128xi32, #tpu.memory_space<vmem>> -> memref<128xi32, #tpu.memory_space<vmem>>
        %dma_start3A_264 = arith.constant 0 : i32
        %dma_start3A_265 = arith.constant 0 : i32
        %dma_start3A_266 = tpu.memref_slice %arg8[%dma_start3A_264, %dma_start3A_265] : memref<10112x128xf32, #tpu.memory_space<vmem_shared>> -> memref<10112x128xf32, #tpu.memory_space<vmem_shared>>
        tpu.enqueue_indirect_dma source(%dma_start3A_260 : memref<128x128xf32, #tpu.memory_space<vmem>>) target(%dma_start3A_266 : memref<10112x128xf32, #tpu.memory_space<vmem_shared>>) offsets(%dma_start3A_263 : memref<128xi32, #tpu.memory_space<vmem>>) semaphore(%arg11 : memref<!tpu.dma_semaphore, #tpu.memory_space<semaphore_mem>>) {add = true}
      } else {
      }
      %add3A_188 = arith.constant 3 : i32
      %add3A_189 = arith.addi %scan3A_184, %add3A_188 : i32
      %lt3A_190 = arith.cmpi slt, %add3A_189, %add3A_7 : i32
      %convert_element_type3A_191 = arith.extui %lt3A_190 : i1 to i32
      %cond3A_192 = arith.constant 0 : i32
      %cond3A_193 = arith.cmpi ne, %convert_element_type3A_191, %cond3A_192 : i32
      scf.if %cond3A_193 {
        %add3A_200 = arith.constant 3 : i32
        %add3A_201 = arith.addi %scan3A_184, %add3A_200 : i32
        %add3A_202 = arith.addi %add3A_4, %add3A_201 : i32
        %mul3A_203 = arith.constant 128 : i32
        %mul3A_204 = arith.muli %add3A_202, %mul3A_203 : i32
        %jit3A = arith.constant 3 : i32
        %eq3A = arith.constant 0 : i32
        %eq3A_205 = arith.cmpi eq, %jit3A, %eq3A : i32
        %jit3A_206 = arith.constant 1 : i32
        %select_n3A = arith.select %eq3A_205, %jit3A_206, %jit3A : i32
        %rem3A = arith.remsi %add3A_201, %select_n3A : i32
        %ne3A = arith.constant 0 : i32
        %ne3A_207 = arith.cmpi ne, %rem3A, %ne3A : i32
        %lt3A_208 = arith.constant 0 : i32
        %lt3A_209 = arith.cmpi slt, %rem3A, %lt3A_208 : i32
        %lt3A_210 = arith.constant 0 : i32
        %lt3A_211 = arith.cmpi slt, %select_n3A, %lt3A_210 : i32
        %ne3A_212 = arith.xori %lt3A_209, %lt3A_211 : i1
        %and3A = arith.andi %ne3A_212, %ne3A_207 : i1
        %add3A_213 = arith.addi %rem3A, %select_n3A : i32
        %select_n3A_214 = arith.select %and3A, %add3A_213, %rem3A : i32
        %dma_start3A_215 = arith.constant 0 : i32
        %dma_start3A_216 = arith.constant 0 : i32
        %dma_start3A_217 = tpu.memref_slice %arg5[%select_n3A_214, %dma_start3A_216] : memref<3x128xi32, #tpu.memory_space<vmem>> -> memref<1x128xi32, #tpu.memory_space<vmem>>
        %dma_start3A_218 = tpu.memref_squeeze %dma_start3A_217 : memref<1x128xi32, #tpu.memory_space<vmem>> -> memref<128xi32, #tpu.memory_space<vmem>>
        %dma_start3A_219 = tpu.memref_slice %arg3[%dma_start3A_215, %mul3A_204] : memref<2x320000xi32, #tpu.memory_space<hbm>> -> memref<1x128xi32, #tpu.memory_space<hbm>>
        %dma_start3A_220 = tpu.memref_squeeze %dma_start3A_219 : memref<1x128xi32, #tpu.memory_space<hbm>> -> memref<128xi32, #tpu.memory_space<hbm>>
        %dma_start3A_221 = arith.constant 0 : i32
        %dma_start3A_222 = tpu.memref_slice %arg5[%select_n3A_214, %dma_start3A_221] : memref<3x128xi32, #tpu.memory_space<vmem>> -> memref<1x128xi32, #tpu.memory_space<vmem>>
        %dma_start3A_223 = tpu.memref_squeeze %dma_start3A_222 : memref<1x128xi32, #tpu.memory_space<vmem>> -> memref<128xi32, #tpu.memory_space<vmem>>
        %dma_start3A_224 = tpu.memref_slice %arg3[%dma_start3A_215, %mul3A_204] : memref<2x320000xi32, #tpu.memory_space<hbm>> -> memref<1x128xi32, #tpu.memory_space<hbm>>
        %dma_start3A_225 = tpu.memref_squeeze %dma_start3A_224 : memref<1x128xi32, #tpu.memory_space<hbm>> -> memref<128xi32, #tpu.memory_space<hbm>>
        tpu.enqueue_dma source(%dma_start3A_225 : memref<128xi32, #tpu.memory_space<hbm>>) target(%dma_start3A_223 : memref<128xi32, #tpu.memory_space<vmem>>) target_semaphore(%arg9 : memref<!tpu.dma_semaphore, #tpu.memory_space<semaphore_mem>>)
        %jit3A_226 = arith.constant 4 : i32
        %eq3A_227 = arith.constant 0 : i32
        %eq3A_228 = arith.cmpi eq, %jit3A_226, %eq3A_227 : i32
        %jit3A_229 = arith.constant 1 : i32
        %select_n3A_230 = arith.select %eq3A_228, %jit3A_229, %jit3A_226 : i32
        %rem3A_231 = arith.remsi %add3A_201, %select_n3A_230 : i32
        %ne3A_232 = arith.constant 0 : i32
        %ne3A_233 = arith.cmpi ne, %rem3A_231, %ne3A_232 : i32
        %lt3A_234 = arith.constant 0 : i32
        %lt3A_235 = arith.cmpi slt, %rem3A_231, %lt3A_234 : i32
        %lt3A_236 = arith.constant 0 : i32
        %lt3A_237 = arith.cmpi slt, %select_n3A_230, %lt3A_236 : i32
        %ne3A_238 = arith.xori %lt3A_235, %lt3A_237 : i1
        %and3A_239 = arith.andi %ne3A_238, %ne3A_233 : i1
        %add3A_240 = arith.addi %rem3A_231, %select_n3A_230 : i32
        %select_n3A_241 = arith.select %and3A_239, %add3A_240, %rem3A_231 : i32
        %dma_start3A_242 = arith.constant 1 : i32
        %dma_start3A_243 = arith.constant 0 : i32
        %dma_start3A_244 = tpu.memref_slice %arg6[%select_n3A_241, %dma_start3A_243] : memref<4x128xi32, #tpu.memory_space<vmem>> -> memref<1x128xi32, #tpu.memory_space<vmem>>
        %dma_start3A_245 = tpu.memref_squeeze %dma_start3A_244 : memref<1x128xi32, #tpu.memory_space<vmem>> -> memref<128xi32, #tpu.memory_space<vmem>>
        %dma_start3A_246 = tpu.memref_slice %arg3[%dma_start3A_242, %mul3A_204] : memref<2x320000xi32, #tpu.memory_space<hbm>> -> memref<1x128xi32, #tpu.memory_space<hbm>>
        %dma_start3A_247 = tpu.memref_squeeze %dma_start3A_246 : memref<1x128xi32, #tpu.memory_space<hbm>> -> memref<128xi32, #tpu.memory_space<hbm>>
        %dma_start3A_248 = arith.constant 0 : i32
        %dma_start3A_249 = tpu.memref_slice %arg6[%select_n3A_241, %dma_start3A_248] : memref<4x128xi32, #tpu.memory_space<vmem>> -> memref<1x128xi32, #tpu.memory_space<vmem>>
        %dma_start3A_250 = tpu.memref_squeeze %dma_start3A_249 : memref<1x128xi32, #tpu.memory_space<vmem>> -> memref<128xi32, #tpu.memory_space<vmem>>
        %dma_start3A_251 = tpu.memref_slice %arg3[%dma_start3A_242, %mul3A_204] : memref<2x320000xi32, #tpu.memory_space<hbm>> -> memref<1x128xi32, #tpu.memory_space<hbm>>
        %dma_start3A_252 = tpu.memref_squeeze %dma_start3A_251 : memref<1x128xi32, #tpu.memory_space<hbm>> -> memref<128xi32, #tpu.memory_space<hbm>>
        tpu.enqueue_dma source(%dma_start3A_252 : memref<128xi32, #tpu.memory_space<hbm>>) target(%dma_start3A_250 : memref<128xi32, #tpu.memory_space<vmem>>) target_semaphore(%arg9 : memref<!tpu.dma_semaphore, #tpu.memory_space<semaphore_mem>>)
      } else {
      }
      %add3A_194 = arith.constant 2 : i32
      %add3A_195 = arith.addi %scan3A_184, %add3A_194 : i32
      %lt3A_196 = arith.cmpi slt, %add3A_195, %add3A_7 : i32
      %convert_element_type3A_197 = arith.extui %lt3A_196 : i1 to i32
      %cond3A_198 = arith.constant 0 : i32
      %cond3A_199 = arith.cmpi ne, %convert_element_type3A_197, %cond3A_198 : i32
      scf.if %cond3A_199 {
        %dma_wait3A_200 = arith.constant 0 : i32
        %dma_wait3A_201 = arith.constant 0 : i32
        %dma_wait3A_202 = arith.constant 0 : i32
        %dma_wait3A_203 = tpu.memref_slice %arg7[%dma_wait3A_200, %dma_wait3A_201, %dma_wait3A_202] : memref<3x128x128xf32, #tpu.memory_space<vmem>> -> memref<1x2x128xf32, #tpu.memory_space<vmem>>
        %dma_wait3A_204 = tpu.memref_squeeze %dma_wait3A_203 : memref<1x2x128xf32, #tpu.memory_space<vmem>> -> memref<2x128xf32, #tpu.memory_space<vmem>>
        %dma_wait3A_205 = arith.constant 0 : i32
        %dma_wait3A_206 = arith.constant 0 : i32
        %dma_wait3A_207 = tpu.memref_slice %arg2[%dma_wait3A_205, %dma_wait3A_206] : memref<10000x128xf32, #tpu.memory_space<hbm>> -> memref<2x128xf32, #tpu.memory_space<hbm>>
        %dma_wait3A_208 = arith.constant 0 : i32
        %dma_wait3A_209 = arith.constant 0 : i32
        %dma_wait3A_210 = tpu.memref_slice %arg7[%dma_wait3A_200, %dma_wait3A_208, %dma_wait3A_209] : memref<3x128x128xf32, #tpu.memory_space<vmem>> -> memref<1x2x128xf32, #tpu.memory_space<vmem>>
        %dma_wait3A_211 = tpu.memref_squeeze %dma_wait3A_210 : memref<1x2x128xf32, #tpu.memory_space<vmem>> -> memref<2x128xf32, #tpu.memory_space<vmem>>
        %dma_wait3A_212 = arith.constant 0 : i32
        %dma_wait3A_213 = arith.constant 0 : i32
        %dma_wait3A_214 = tpu.memref_slice %arg2[%dma_wait3A_212, %dma_wait3A_213] : memref<10000x128xf32, #tpu.memory_space<hbm>> -> memref<2x128xf32, #tpu.memory_space<hbm>>
        tpu.wait_dma2 semaphore(%arg9 : memref<!tpu.dma_semaphore, #tpu.memory_space<semaphore_mem>>) src(%dma_wait3A_214 : memref<2x128xf32, #tpu.memory_space<hbm>>) dst(%dma_wait3A_211 : memref<2x128xf32, #tpu.memory_space<vmem>>)
        %add3A_215 = arith.constant 2 : i32
        %add3A_216 = arith.addi %scan3A_184, %add3A_215 : i32
        %jit3A = arith.constant 3 : i32
        %eq3A = arith.constant 0 : i32
        %eq3A_217 = arith.cmpi eq, %jit3A, %eq3A : i32
        %jit3A_218 = arith.constant 1 : i32
        %select_n3A = arith.select %eq3A_217, %jit3A_218, %jit3A : i32
        %rem3A = arith.remsi %add3A_216, %select_n3A : i32
        %ne3A = arith.constant 0 : i32
        %ne3A_219 = arith.cmpi ne, %rem3A, %ne3A : i32
        %lt3A_220 = arith.constant 0 : i32
        %lt3A_221 = arith.cmpi slt, %rem3A, %lt3A_220 : i32
        %lt3A_222 = arith.constant 0 : i32
        %lt3A_223 = arith.cmpi slt, %select_n3A, %lt3A_222 : i32
        %ne3A_224 = arith.xori %lt3A_221, %lt3A_223 : i1
        %and3A = arith.andi %ne3A_224, %ne3A_219 : i1
        %add3A_225 = arith.addi %rem3A, %select_n3A : i32
        %select_n3A_226 = arith.select %and3A, %add3A_225, %rem3A : i32
        %jit3A_227 = arith.constant 3 : i32
        %eq3A_228 = arith.constant 0 : i32
        %eq3A_229 = arith.cmpi eq, %jit3A_227, %eq3A_228 : i32
        %jit3A_230 = arith.constant 1 : i32
        %select_n3A_231 = arith.select %eq3A_229, %jit3A_230, %jit3A_227 : i32
        %rem3A_232 = arith.remsi %add3A_216, %select_n3A_231 : i32
        %ne3A_233 = arith.constant 0 : i32
        %ne3A_234 = arith.cmpi ne, %rem3A_232, %ne3A_233 : i32
        %lt3A_235 = arith.constant 0 : i32
        %lt3A_236 = arith.cmpi slt, %rem3A_232, %lt3A_235 : i32
        %lt3A_237 = arith.constant 0 : i32
        %lt3A_238 = arith.cmpi slt, %select_n3A_231, %lt3A_237 : i32
        %ne3A_239 = arith.xori %lt3A_236, %lt3A_238 : i1
        %and3A_240 = arith.andi %ne3A_239, %ne3A_234 : i1
        %add3A_241 = arith.addi %rem3A_232, %select_n3A_231 : i32
        %select_n3A_242 = arith.select %and3A_240, %add3A_241, %rem3A_232 : i32
        %dma_start3A_243 = arith.constant 0 : i32
        %dma_start3A_244 = arith.constant 0 : i32
        %dma_start3A_245 = tpu.memref_slice %arg7[%select_n3A_242, %dma_start3A_243, %dma_start3A_244] : memref<3x128x128xf32, #tpu.memory_space<vmem>> -> memref<1x128x128xf32, #tpu.memory_space<vmem>>
        %dma_start3A_246 = tpu.memref_squeeze %dma_start3A_245 : memref<1x128x128xf32, #tpu.memory_space<vmem>> -> memref<128x128xf32, #tpu.memory_space<vmem>>
        %dma_start3A_247 = arith.constant 0 : i32
        %dma_start3A_248 = tpu.memref_slice %arg5[%select_n3A_226, %dma_start3A_247] : memref<3x128xi32, #tpu.memory_space<vmem>> -> memref<1x128xi32, #tpu.memory_space<vmem>>
        %dma_start3A_249 = tpu.memref_squeeze %dma_start3A_248 : memref<1x128xi32, #tpu.memory_space<vmem>> -> memref<128xi32, #tpu.memory_space<vmem>>
        %dma_start3A_250 = arith.constant 0 : i32
        %dma_start3A_251 = arith.constant 0 : i32
        %dma_start3A_252 = tpu.memref_slice %arg2[%dma_start3A_250, %dma_start3A_251] : memref<10000x128xf32, #tpu.memory_space<hbm>> -> memref<10000x128xf32, #tpu.memory_space<hbm>>
        tpu.enqueue_indirect_dma source(%dma_start3A_252 : memref<10000x128xf32, #tpu.memory_space<hbm>>) target(%dma_start3A_246 : memref<128x128xf32, #tpu.memory_space<vmem>>) offsets(%dma_start3A_249 : memref<128xi32, #tpu.memory_space<vmem>>) semaphore(%arg10 : memref<!tpu.dma_semaphore, #tpu.memory_space<semaphore_mem>>)
      } else {
      }
    }
    %scan3A_170 = arith.constant 79 : i32
    %dma_wait3A_171 = arith.constant 0 : i32
    %dma_wait3A_172 = arith.constant 0 : i32
    %dma_wait3A_173 = arith.constant 0 : i32
    %dma_wait3A_174 = arith.constant 0 : i32
    %dma_wait3A_175 = tpu.memref_slice %arg7[%dma_wait3A_171, %dma_wait3A_173, %dma_wait3A_174] : memref<3x128x128xf32, #tpu.memory_space<vmem>> -> memref<1x128x128xf32, #tpu.memory_space<vmem>>
    %dma_wait3A_176 = tpu.memref_squeeze %dma_wait3A_175 : memref<1x128x128xf32, #tpu.memory_space<vmem>> -> memref<128x128xf32, #tpu.memory_space<vmem>>
    %dma_wait3A_177 = arith.constant 0 : i32
    %dma_wait3A_178 = tpu.memref_slice %arg6[%dma_wait3A_172, %dma_wait3A_177] : memref<4x128xi32, #tpu.memory_space<vmem>> -> memref<1x128xi32, #tpu.memory_space<vmem>>
    %dma_wait3A_179 = tpu.memref_squeeze %dma_wait3A_178 : memref<1x128xi32, #tpu.memory_space<vmem>> -> memref<128xi32, #tpu.memory_space<vmem>>
    %dma_wait3A_180 = arith.constant 0 : i32
    %dma_wait3A_181 = arith.constant 0 : i32
    %dma_wait3A_182 = tpu.memref_slice %arg8[%dma_wait3A_180, %dma_wait3A_181] : memref<10112x128xf32, #tpu.memory_space<vmem_shared>> -> memref<10112x128xf32, #tpu.memory_space<vmem_shared>>
    tpu.wait_indirect_dma semaphore(%arg11 : memref<!tpu.dma_semaphore, #tpu.memory_space<semaphore_mem>>) src(%dma_wait3A_176 : memref<128x128xf32, #tpu.memory_space<vmem>>) dst(%dma_wait3A_182 : memref<10112x128xf32, #tpu.memory_space<vmem_shared>>)
    %barrier3A_183 = arith.constant 0 : index
    tpu.barrier barrier_id(%barrier3A_183)
    "tpu.region"() ({
      %run_scoped3A_184 = tpu.sem_alloc : memref<!tpu.dma_semaphore, #tpu.memory_space<semaphore_mem>>
      %dma_start3A_185 = arith.constant 0 : i32
      %dma_start3A_186 = tpu.memref_slice %arg4[%arg0, %mul3A_150, %dma_start3A_185] : memref<2x10112x128xf32, #tpu.memory_space<hbm>> -> memref<1x632x128xf32, #tpu.memory_space<hbm>>
      %dma_start3A_187 = tpu.memref_squeeze %dma_start3A_186 : memref<1x632x128xf32, #tpu.memory_space<hbm>> -> memref<632x128xf32, #tpu.memory_space<hbm>>
      %dma_start3A_188 = arith.constant 0 : i32
      %dma_start3A_189 = tpu.memref_slice %arg8[%mul3A_150, %dma_start3A_188] : memref<10112x128xf32, #tpu.memory_space<vmem_shared>> -> memref<632x128xf32, #tpu.memory_space<vmem_shared>>
      tpu.enqueue_dma source(%dma_start3A_189 : memref<632x128xf32, #tpu.memory_space<vmem_shared>>) target(%dma_start3A_187 : memref<632x128xf32, #tpu.memory_space<hbm>>) target_semaphore(%run_scoped3A_184 : memref<!tpu.dma_semaphore, #tpu.memory_space<semaphore_mem>>)
      %dma_wait3A_190 = arith.constant 0 : i32
      %dma_wait3A_191 = tpu.memref_slice %arg4[%arg0, %mul3A_150, %dma_wait3A_190] : memref<2x10112x128xf32, #tpu.memory_space<hbm>> -> memref<1x632x128xf32, #tpu.memory_space<hbm>>
      %dma_wait3A_192 = tpu.memref_squeeze %dma_wait3A_191 : memref<1x632x128xf32, #tpu.memory_space<hbm>> -> memref<632x128xf32, #tpu.memory_space<hbm>>
      %dma_wait3A_193 = arith.constant 0 : i32
      %dma_wait3A_194 = tpu.memref_slice %arg8[%mul3A_150, %dma_wait3A_193] : memref<10112x128xf32, #tpu.memory_space<vmem_shared>> -> memref<632x128xf32, #tpu.memory_space<vmem_shared>>
      tpu.wait_dma2 semaphore(%run_scoped3A_184 : memref<!tpu.dma_semaphore, #tpu.memory_space<semaphore_mem>>) src(%dma_wait3A_194 : memref<632x128xf32, #tpu.memory_space<vmem_shared>>) dst(%dma_wait3A_192 : memref<632x128xf32, #tpu.memory_space<hbm>>)
      tpu.yield
    }) : () -> ()
    return
  }
}

#map = affine_map<(d0, d1) -> (0, 0)>
#map1 = affine_map<(d0, d1) -> (0, 0, 0)>
module attributes {stable_mosaic.version = 14 : i64} {
  func.func @seg_sum(%arg0: i32, %arg1: i32, %arg2: memref<10000x128xf32, #tpu.memory_space<hbm>>, %arg3: memref<2x320000xi32, #tpu.memory_space<hbm>>, %arg4: memref<2x10112x128xf32, #tpu.memory_space<hbm>>, %arg5: memref<3x128xi32, #tpu.memory_space<vmem>>, %arg6: memref<4x128xi32, #tpu.memory_space<vmem>>, %arg7: memref<3x128x128xf32, #tpu.memory_space<vmem>>, %arg8: memref<10112x128xf32, #tpu.memory_space<vmem_shared>>, %arg9: memref<!tpu.dma_semaphore, #tpu.memory_space<semaphore_mem>>, %arg10: memref<!tpu.dma_semaphore, #tpu.memory_space<semaphore_mem>>, %arg11: memref<!tpu.dma_semaphore, #tpu.memory_space<semaphore_mem>>) attributes {dimension_semantics = [#tpu.dimension_semantics<core_parallel>, #tpu.dimension_semantics<subcore_parallel>], iteration_bounds = array<i64: 2, 16>, scalar_prefetch = 0 : i64, scratch_operands = 7 : i64, tpu.core_type = #tpu.core_type<sc_vector_subcore>, window_params = [{transform_indices = #map}, {transform_indices = #map}, {transform_indices = #map1}]} {
    %mul3A = arith.constant 2 : i32
    %mul3A_0 = arith.muli %arg1, %mul3A : i32
    %add3A = arith.addi %mul3A_0, %arg0 : i32
    %mul3A_1 = arith.constant 78 : i32
    %mul3A_2 = arith.muli %mul3A_1, %add3A : i32
    %min3A = arith.constant 4 : i32
    %min3A_3 = arith.minsi %add3A, %min3A : i32
    %add3A_4 = arith.addi %mul3A_2, %min3A_3 : i32
    %lt3A = arith.constant 4 : i32
    %lt3A_5 = arith.cmpi slt, %add3A, %lt3A : i32
    %convert_element_type3A = arith.extui %lt3A_5 : i1 to i32
    %add3A_6 = arith.constant 78 : i32
    %add3A_7 = arith.addi %add3A_6, %convert_element_type3A : i32
    %add3A_8 = arith.constant 0 : i32
    %add3A_9 = arith.addi %add3A_4, %add3A_8 : i32
    %mul3A_10 = arith.constant 128 : i32
    %mul3A_11 = arith.muli %add3A_9, %mul3A_10 : i32
    %dma_start3A = arith.constant 0 : i32
    %dma_start3A_12 = arith.constant 0 : i32
    %dma_start3A_13 = arith.constant 0 : i32
    %dma_start3A_14 = tpu.memref_slice %arg5[%dma_start3A_12, %dma_start3A_13] : memref<3x128xi32, #tpu.memory_space<vmem>> -> memref<1x128xi32, #tpu.memory_space<vmem>>
    %dma_start3A_15 = tpu.memref_squeeze %dma_start3A_14 : memref<1x128xi32, #tpu.memory_space<vmem>> -> memref<128xi32, #tpu.memory_space<vmem>>
    %dma_start3A_16 = tpu.memref_slice %arg3[%dma_start3A, %mul3A_11] : memref<2x320000xi32, #tpu.memory_space<hbm>> -> memref<1x128xi32, #tpu.memory_space<hbm>>
    %dma_start3A_17 = tpu.memref_squeeze %dma_start3A_16 : memref<1x128xi32, #tpu.memory_space<hbm>> -> memref<128xi32, #tpu.memory_space<hbm>>
    %dma_start3A_18 = arith.constant 0 : i32
    %dma_start3A_19 = tpu.memref_slice %arg5[%dma_start3A_12, %dma_start3A_18] : memref<3x128xi32, #tpu.memory_space<vmem>> -> memref<1x128xi32, #tpu.memory_space<vmem>>
    %dma_start3A_20 = tpu.memref_squeeze %dma_start3A_19 : memref<1x128xi32, #tpu.memory_space<vmem>> -> memref<128xi32, #tpu.memory_space<vmem>>
    %dma_start3A_21 = tpu.memref_slice %arg3[%dma_start3A, %mul3A_11] : memref<2x320000xi32, #tpu.memory_space<hbm>> -> memref<1x128xi32, #tpu.memory_space<hbm>>
    %dma_start3A_22 = tpu.memref_squeeze %dma_start3A_21 : memref<1x128xi32, #tpu.memory_space<hbm>> -> memref<128xi32, #tpu.memory_space<hbm>>
    tpu.enqueue_dma source(%dma_start3A_22 : memref<128xi32, #tpu.memory_space<hbm>>) target(%dma_start3A_20 : memref<128xi32, #tpu.memory_space<vmem>>) target_semaphore(%arg9 : memref<!tpu.dma_semaphore, #tpu.memory_space<semaphore_mem>>)
    %dma_start3A_23 = arith.constant 1 : i32
    %dma_start3A_24 = arith.constant 0 : i32
    %dma_start3A_25 = arith.constant 0 : i32
    %dma_start3A_26 = tpu.memref_slice %arg6[%dma_start3A_24, %dma_start3A_25] : memref<4x128xi32, #tpu.memory_space<vmem>> -> memref<1x128xi32, #tpu.memory_space<vmem>>
    %dma_start3A_27 = tpu.memref_squeeze %dma_start3A_26 : memref<1x128xi32, #tpu.memory_space<vmem>> -> memref<128xi32, #tpu.memory_space<vmem>>
    %dma_start3A_28 = tpu.memref_slice %arg3[%dma_start3A_23, %mul3A_11] : memref<2x320000xi32, #tpu.memory_space<hbm>> -> memref<1x128xi32, #tpu.memory_space<hbm>>
    %dma_start3A_29 = tpu.memref_squeeze %dma_start3A_28 : memref<1x128xi32, #tpu.memory_space<hbm>> -> memref<128xi32, #tpu.memory_space<hbm>>
    %dma_start3A_30 = arith.constant 0 : i32
    %dma_start3A_31 = tpu.memref_slice %arg6[%dma_start3A_24, %dma_start3A_30] : memref<4x128xi32, #tpu.memory_space<vmem>> -> memref<1x128xi32, #tpu.memory_space<vmem>>
    %dma_start3A_32 = tpu.memref_squeeze %dma_start3A_31 : memref<1x128xi32, #tpu.memory_space<vmem>> -> memref<128xi32, #tpu.memory_space<vmem>>
    %dma_start3A_33 = tpu.memref_slice %arg3[%dma_start3A_23, %mul3A_11] : memref<2x320000xi32, #tpu.memory_space<hbm>> -> memref<1x128xi32, #tpu.memory_space<hbm>>
    %dma_start3A_34 = tpu.memref_squeeze %dma_start3A_33 : memref<1x128xi32, #tpu.memory_space<hbm>> -> memref<128xi32, #tpu.memory_space<hbm>>
    tpu.enqueue_dma source(%dma_start3A_34 : memref<128xi32, #tpu.memory_space<hbm>>) target(%dma_start3A_32 : memref<128xi32, #tpu.memory_space<vmem>>) target_semaphore(%arg9 : memref<!tpu.dma_semaphore, #tpu.memory_space<semaphore_mem>>)
    %add3A_35 = arith.constant 1 : i32
    %add3A_36 = arith.addi %add3A_4, %add3A_35 : i32
    %mul3A_37 = arith.constant 128 : i32
    %mul3A_38 = arith.muli %add3A_36, %mul3A_37 : i32
    %dma_start3A_39 = arith.constant 0 : i32
    %dma_start3A_40 = arith.constant 1 : i32
    %dma_start3A_41 = arith.constant 0 : i32
    %dma_start3A_42 = tpu.memref_slice %arg5[%dma_start3A_40, %dma_start3A_41] : memref<3x128xi32, #tpu.memory_space<vmem>> -> memref<1x128xi32, #tpu.memory_space<vmem>>
    %dma_start3A_43 = tpu.memref_squeeze %dma_start3A_42 : memref<1x128xi32, #tpu.memory_space<vmem>> -> memref<128xi32, #tpu.memory_space<vmem>>
    %dma_start3A_44 = tpu.memref_slice %arg3[%dma_start3A_39, %mul3A_38] : memref<2x320000xi32, #tpu.memory_space<hbm>> -> memref<1x128xi32, #tpu.memory_space<hbm>>
    %dma_start3A_45 = tpu.memref_squeeze %dma_start3A_44 : memref<1x128xi32, #tpu.memory_space<hbm>> -> memref<128xi32, #tpu.memory_space<hbm>>
    %dma_start3A_46 = arith.constant 0 : i32
    %dma_start3A_47 = tpu.memref_slice %arg5[%dma_start3A_40, %dma_start3A_46] : memref<3x128xi32, #tpu.memory_space<vmem>> -> memref<1x128xi32, #tpu.memory_space<vmem>>
    %dma_start3A_48 = tpu.memref_squeeze %dma_start3A_47 : memref<1x128xi32, #tpu.memory_space<vmem>> -> memref<128xi32, #tpu.memory_space<vmem>>
    %dma_start3A_49 = tpu.memref_slice %arg3[%dma_start3A_39, %mul3A_38] : memref<2x320000xi32, #tpu.memory_space<hbm>> -> memref<1x128xi32, #tpu.memory_space<hbm>>
    %dma_start3A_50 = tpu.memref_squeeze %dma_start3A_49 : memref<1x128xi32, #tpu.memory_space<hbm>> -> memref<128xi32, #tpu.memory_space<hbm>>
    tpu.enqueue_dma source(%dma_start3A_50 : memref<128xi32, #tpu.memory_space<hbm>>) target(%dma_start3A_48 : memref<128xi32, #tpu.memory_space<vmem>>) target_semaphore(%arg9 : memref<!tpu.dma_semaphore, #tpu.memory_space<semaphore_mem>>)
    %dma_start3A_51 = arith.constant 1 : i32
    %dma_start3A_52 = arith.constant 1 : i32
    %dma_start3A_53 = arith.constant 0 : i32
    %dma_start3A_54 = tpu.memref_slice %arg6[%dma_start3A_52, %dma_start3A_53] : memref<4x128xi32, #tpu.memory_space<vmem>> -> memref<1x128xi32, #tpu.memory_space<vmem>>
    %dma_start3A_55 = tpu.memref_squeeze %dma_start3A_54 : memref<1x128xi32, #tpu.memory_space<vmem>> -> memref<128xi32, #tpu.memory_space<vmem>>
    %dma_start3A_56 = tpu.memref_slice %arg3[%dma_start3A_51, %mul3A_38] : memref<2x320000xi32, #tpu.memory_space<hbm>> -> memref<1x128xi32, #tpu.memory_space<hbm>>
    %dma_start3A_57 = tpu.memref_squeeze %dma_start3A_56 : memref<1x128xi32, #tpu.memory_space<hbm>> -> memref<128xi32, #tpu.memory_space<hbm>>
    %dma_start3A_58 = arith.constant 0 : i32
    %dma_start3A_59 = tpu.memref_slice %arg6[%dma_start3A_52, %dma_start3A_58] : memref<4x128xi32, #tpu.memory_space<vmem>> -> memref<1x128xi32, #tpu.memory_space<vmem>>
    %dma_start3A_60 = tpu.memref_squeeze %dma_start3A_59 : memref<1x128xi32, #tpu.memory_space<vmem>> -> memref<128xi32, #tpu.memory_space<vmem>>
    %dma_start3A_61 = tpu.memref_slice %arg3[%dma_start3A_51, %mul3A_38] : memref<2x320000xi32, #tpu.memory_space<hbm>> -> memref<1x128xi32, #tpu.memory_space<hbm>>
    %dma_start3A_62 = tpu.memref_squeeze %dma_start3A_61 : memref<1x128xi32, #tpu.memory_space<hbm>> -> memref<128xi32, #tpu.memory_space<hbm>>
    tpu.enqueue_dma source(%dma_start3A_62 : memref<128xi32, #tpu.memory_space<hbm>>) target(%dma_start3A_60 : memref<128xi32, #tpu.memory_space<vmem>>) target_semaphore(%arg9 : memref<!tpu.dma_semaphore, #tpu.memory_space<semaphore_mem>>)
    %add3A_63 = arith.constant 2 : i32
    %add3A_64 = arith.addi %add3A_4, %add3A_63 : i32
    %mul3A_65 = arith.constant 128 : i32
    %mul3A_66 = arith.muli %add3A_64, %mul3A_65 : i32
    %dma_start3A_67 = arith.constant 0 : i32
    %dma_start3A_68 = arith.constant 2 : i32
    %dma_start3A_69 = arith.constant 0 : i32
    %dma_start3A_70 = tpu.memref_slice %arg5[%dma_start3A_68, %dma_start3A_69] : memref<3x128xi32, #tpu.memory_space<vmem>> -> memref<1x128xi32, #tpu.memory_space<vmem>>
    %dma_start3A_71 = tpu.memref_squeeze %dma_start3A_70 : memref<1x128xi32, #tpu.memory_space<vmem>> -> memref<128xi32, #tpu.memory_space<vmem>>
    %dma_start3A_72 = tpu.memref_slice %arg3[%dma_start3A_67, %mul3A_66] : memref<2x320000xi32, #tpu.memory_space<hbm>> -> memref<1x128xi32, #tpu.memory_space<hbm>>
    %dma_start3A_73 = tpu.memref_squeeze %dma_start3A_72 : memref<1x128xi32, #tpu.memory_space<hbm>> -> memref<128xi32, #tpu.memory_space<hbm>>
    %dma_start3A_74 = arith.constant 0 : i32
    %dma_start3A_75 = tpu.memref_slice %arg5[%dma_start3A_68, %dma_start3A_74] : memref<3x128xi32, #tpu.memory_space<vmem>> -> memref<1x128xi32, #tpu.memory_space<vmem>>
    %dma_start3A_76 = tpu.memref_squeeze %dma_start3A_75 : memref<1x128xi32, #tpu.memory_space<vmem>> -> memref<128xi32, #tpu.memory_space<vmem>>
    %dma_start3A_77 = tpu.memref_slice %arg3[%dma_start3A_67, %mul3A_66] : memref<2x320000xi32, #tpu.memory_space<hbm>> -> memref<1x128xi32, #tpu.memory_space<hbm>>
    %dma_start3A_78 = tpu.memref_squeeze %dma_start3A_77 : memref<1x128xi32, #tpu.memory_space<hbm>> -> memref<128xi32, #tpu.memory_space<hbm>>
    tpu.enqueue_dma source(%dma_start3A_78 : memref<128xi32, #tpu.memory_space<hbm>>) target(%dma_start3A_76 : memref<128xi32, #tpu.memory_space<vmem>>) target_semaphore(%arg9 : memref<!tpu.dma_semaphore, #tpu.memory_space<semaphore_mem>>)
    %dma_start3A_79 = arith.constant 1 : i32
    %dma_start3A_80 = arith.constant 2 : i32
    %dma_start3A_81 = arith.constant 0 : i32
    %dma_start3A_82 = tpu.memref_slice %arg6[%dma_start3A_80, %dma_start3A_81] : memref<4x128xi32, #tpu.memory_space<vmem>> -> memref<1x128xi32, #tpu.memory_space<vmem>>
    %dma_start3A_83 = tpu.memref_squeeze %dma_start3A_82 : memref<1x128xi32, #tpu.memory_space<vmem>> -> memref<128xi32, #tpu.memory_space<vmem>>
    %dma_start3A_84 = tpu.memref_slice %arg3[%dma_start3A_79, %mul3A_66] : memref<2x320000xi32, #tpu.memory_space<hbm>> -> memref<1x128xi32, #tpu.memory_space<hbm>>
    %dma_start3A_85 = tpu.memref_squeeze %dma_start3A_84 : memref<1x128xi32, #tpu.memory_space<hbm>> -> memref<128xi32, #tpu.memory_space<hbm>>
    %dma_start3A_86 = arith.constant 0 : i32
    %dma_start3A_87 = tpu.memref_slice %arg6[%dma_start3A_80, %dma_start3A_86] : memref<4x128xi32, #tpu.memory_space<vmem>> -> memref<1x128xi32, #tpu.memory_space<vmem>>
    %dma_start3A_88 = tpu.memref_squeeze %dma_start3A_87 : memref<1x128xi32, #tpu.memory_space<vmem>> -> memref<128xi32, #tpu.memory_space<vmem>>
    %dma_start3A_89 = tpu.memref_slice %arg3[%dma_start3A_79, %mul3A_66] : memref<2x320000xi32, #tpu.memory_space<hbm>> -> memref<1x128xi32, #tpu.memory_space<hbm>>
    %dma_start3A_90 = tpu.memref_squeeze %dma_start3A_89 : memref<1x128xi32, #tpu.memory_space<hbm>> -> memref<128xi32, #tpu.memory_space<hbm>>
    tpu.enqueue_dma source(%dma_start3A_90 : memref<128xi32, #tpu.memory_space<hbm>>) target(%dma_start3A_88 : memref<128xi32, #tpu.memory_space<vmem>>) target_semaphore(%arg9 : memref<!tpu.dma_semaphore, #tpu.memory_space<semaphore_mem>>)
    %scan3A = arith.constant 0 : i32
    %scan3A_91 = arith.constant 0 : i32
    %scan3A_92 = arith.constant 128 : i32
    %scan3A_93 = arith.addi %scan3A_91, %scan3A_92 : i32
    %scan3A_94 = arith.constant 1 : i32
    scf.for %scan3A_184 = %scan3A_91 to %scan3A_93 step %scan3A_94  : i32 {
      %broadcast_in_dim3A = arith.constant 0.000000e+00 : f32
      %broadcast_in_dim3A_185 = vector.broadcast %broadcast_in_dim3A : f32 to vector<16xf32>
      %swap3A = arith.constant 2 : i32
      %swap3A_186 = arith.index_cast %swap3A : i32 to index
      %swap3A_187 = arith.index_cast %scan3A_184 : i32 to index
      %swap3A_188 = arith.constant 0 : index
      %swap3A_189 = tpu.vector_load %arg7[%swap3A_186, %swap3A_187, %swap3A_188] {strides = array<i32>} : memref<3x128x128xf32, #tpu.memory_space<vmem>>, vector<1x1x16xf32>,
      %swap3A_190 = vector.shape_cast %swap3A_189 : vector<1x1x16xf32> to vector<16xf32>
      %swap3A_191 = vector.shape_cast %broadcast_in_dim3A_185 : vector<16xf32> to vector<1x1x16xf32>
      tpu.vector_store %arg7[%swap3A_186, %swap3A_187, %swap3A_188], %swap3A_191 {strides = array<i32>} : memref<3x128x128xf32, #tpu.memory_space<vmem>>, vector<1x1x16xf32>,
      %broadcast_in_dim3A_192 = arith.constant 0.000000e+00 : f32
      %broadcast_in_dim3A_193 = vector.broadcast %broadcast_in_dim3A_192 : f32 to vector<16xf32>
      %swap3A_194 = arith.constant 2 : i32
      %swap3A_195 = arith.index_cast %swap3A_194 : i32 to index
      %swap3A_196 = arith.index_cast %scan3A_184 : i32 to index
      %swap3A_197 = arith.constant 16 : index
      %swap3A_198 = tpu.vector_load %arg7[%swap3A_195, %swap3A_196, %swap3A_197] {strides = array<i32>} : memref<3x128x128xf32, #tpu.memory_space<vmem>>, vector<1x1x16xf32>,
      %swap3A_199 = vector.shape_cast %swap3A_198 : vector<1x1x16xf32> to vector<16xf32>
      %swap3A_200 = vector.shape_cast %broadcast_in_dim3A_193 : vector<16xf32> to vector<1x1x16xf32>
      tpu.vector_store %arg7[%swap3A_195, %swap3A_196, %swap3A_197], %swap3A_200 {strides = array<i32>} : memref<3x128x128xf32, #tpu.memory_space<vmem>>, vector<1x1x16xf32>,
      %broadcast_in_dim3A_201 = arith.constant 0.000000e+00 : f32
      %broadcast_in_dim3A_202 = vector.broadcast %broadcast_in_dim3A_201 : f32 to vector<16xf32>
      %swap3A_203 = arith.constant 2 : i32
      %swap3A_204 = arith.index_cast %swap3A_203 : i32 to index
      %swap3A_205 = arith.index_cast %scan3A_184 : i32 to index
      %swap3A_206 = arith.constant 32 : index
      %swap3A_207 = tpu.vector_load %arg7[%swap3A_204, %swap3A_205, %swap3A_206] {strides = array<i32>} : memref<3x128x128xf32, #tpu.memory_space<vmem>>, vector<1x1x16xf32>,
      %swap3A_208 = vector.shape_cast %swap3A_207 : vector<1x1x16xf32> to vector<16xf32>
      %swap3A_209 = vector.shape_cast %broadcast_in_dim3A_202 : vector<16xf32> to vector<1x1x16xf32>
      tpu.vector_store %arg7[%swap3A_204, %swap3A_205, %swap3A_206], %swap3A_209 {strides = array<i32>} : memref<3x128x128xf32, #tpu.memory_space<vmem>>, vector<1x1x16xf32>,
      %broadcast_in_dim3A_210 = arith.constant 0.000000e+00 : f32
      %broadcast_in_dim3A_211 = vector.broadcast %broadcast_in_dim3A_210 : f32 to vector<16xf32>
      %swap3A_212 = arith.constant 2 : i32
      %swap3A_213 = arith.index_cast %swap3A_212 : i32 to index
      %swap3A_214 = arith.index_cast %scan3A_184 : i32 to index
      %swap3A_215 = arith.constant 48 : index
      %swap3A_216 = tpu.vector_load %arg7[%swap3A_213, %swap3A_214, %swap3A_215] {strides = array<i32>} : memref<3x128x128xf32, #tpu.memory_space<vmem>>, vector<1x1x16xf32>,
      %swap3A_217 = vector.shape_cast %swap3A_216 : vector<1x1x16xf32> to vector<16xf32>
      %swap3A_218 = vector.shape_cast %broadcast_in_dim3A_211 : vector<16xf32> to vector<1x1x16xf32>
      tpu.vector_store %arg7[%swap3A_213, %swap3A_214, %swap3A_215], %swap3A_218 {strides = array<i32>} : memref<3x128x128xf32, #tpu.memory_space<vmem>>, vector<1x1x16xf32>,
      %broadcast_in_dim3A_219 = arith.constant 0.000000e+00 : f32
      %broadcast_in_dim3A_220 = vector.broadcast %broadcast_in_dim3A_219 : f32 to vector<16xf32>
      %swap3A_221 = arith.constant 2 : i32
      %swap3A_222 = arith.index_cast %swap3A_221 : i32 to index
      %swap3A_223 = arith.index_cast %scan3A_184 : i32 to index
      %swap3A_224 = arith.constant 64 : index
      %swap3A_225 = tpu.vector_load %arg7[%swap3A_222, %swap3A_223, %swap3A_224] {strides = array<i32>} : memref<3x128x128xf32, #tpu.memory_space<vmem>>, vector<1x1x16xf32>,
      %swap3A_226 = vector.shape_cast %swap3A_225 : vector<1x1x16xf32> to vector<16xf32>
      %swap3A_227 = vector.shape_cast %broadcast_in_dim3A_220 : vector<16xf32> to vector<1x1x16xf32>
      tpu.vector_store %arg7[%swap3A_222, %swap3A_223, %swap3A_224], %swap3A_227 {strides = array<i32>} : memref<3x128x128xf32, #tpu.memory_space<vmem>>, vector<1x1x16xf32>,
      %broadcast_in_dim3A_228 = arith.constant 0.000000e+00 : f32
      %broadcast_in_dim3A_229 = vector.broadcast %broadcast_in_dim3A_228 : f32 to vector<16xf32>
      %swap3A_230 = arith.constant 2 : i32
      %swap3A_231 = arith.index_cast %swap3A_230 : i32 to index
      %swap3A_232 = arith.index_cast %scan3A_184 : i32 to index
      %swap3A_233 = arith.constant 80 : index
      %swap3A_234 = tpu.vector_load %arg7[%swap3A_231, %swap3A_232, %swap3A_233] {strides = array<i32>} : memref<3x128x128xf32, #tpu.memory_space<vmem>>, vector<1x1x16xf32>,
      %swap3A_235 = vector.shape_cast %swap3A_234 : vector<1x1x16xf32> to vector<16xf32>
      %swap3A_236 = vector.shape_cast %broadcast_in_dim3A_229 : vector<16xf32> to vector<1x1x16xf32>
      tpu.vector_store %arg7[%swap3A_231, %swap3A_232, %swap3A_233], %swap3A_236 {strides = array<i32>} : memref<3x128x128xf32, #tpu.memory_space<vmem>>, vector<1x1x16xf32>,
      %broadcast_in_dim3A_237 = arith.constant 0.000000e+00 : f32
      %broadcast_in_dim3A_238 = vector.broadcast %broadcast_in_dim3A_237 : f32 to vector<16xf32>
      %swap3A_239 = arith.constant 2 : i32
      %swap3A_240 = arith.index_cast %swap3A_239 : i32 to index
      %swap3A_241 = arith.index_cast %scan3A_184 : i32 to index
      %swap3A_242 = arith.constant 96 : index
      %swap3A_243 = tpu.vector_load %arg7[%swap3A_240, %swap3A_241, %swap3A_242] {strides = array<i32>} : memref<3x128x128xf32, #tpu.memory_space<vmem>>, vector<1x1x16xf32>,
      %swap3A_244 = vector.shape_cast %swap3A_243 : vector<1x1x16xf32> to vector<16xf32>
      %swap3A_245 = vector.shape_cast %broadcast_in_dim3A_238 : vector<16xf32> to vector<1x1x16xf32>
      tpu.vector_store %arg7[%swap3A_240, %swap3A_241, %swap3A_242], %swap3A_245 {strides = array<i32>} : memref<3x128x128xf32, #tpu.memory_space<vmem>>, vector<1x1x16xf32>,
      %broadcast_in_dim3A_246 = arith.constant 0.000000e+00 : f32
      %broadcast_in_dim3A_247 = vector.broadcast %broadcast_in_dim3A_246 : f32 to vector<16xf32>
      %swap3A_248 = arith.constant 2 : i32
      %swap3A_249 = arith.index_cast %swap3A_248 : i32 to index
      %swap3A_250 = arith.index_cast %scan3A_184 : i32 to index
      %swap3A_251 = arith.constant 112 : index
      %swap3A_252 = tpu.vector_load %arg7[%swap3A_249, %swap3A_250, %swap3A_251] {strides = array<i32>} : memref<3x128x128xf32, #tpu.memory_space<vmem>>, vector<1x1x16xf32>,
      %swap3A_253 = vector.shape_cast %swap3A_252 : vector<1x1x16xf32> to vector<16xf32>
      %swap3A_254 = vector.shape_cast %broadcast_in_dim3A_247 : vector<16xf32> to vector<1x1x16xf32>
      tpu.vector_store %arg7[%swap3A_249, %swap3A_250, %swap3A_251], %swap3A_254 {strides = array<i32>} : memref<3x128x128xf32, #tpu.memory_space<vmem>>, vector<1x1x16xf32>,
    }
    %scan3A_95 = arith.constant 128 : i32
    %dma_wait3A = arith.constant 0 : i32
    %dma_wait3A_96 = arith.constant 0 : i32
    %dma_wait3A_97 = arith.constant 0 : i32
    %dma_wait3A_98 = tpu.memref_slice %arg7[%dma_wait3A, %dma_wait3A_96, %dma_wait3A_97] : memref<3x128x128xf32, #tpu.memory_space<vmem>> -> memref<1x2x128xf32, #tpu.memory_space<vmem>>
    %dma_wait3A_99 = tpu.memref_squeeze %dma_wait3A_98 : memref<1x2x128xf32, #tpu.memory_space<vmem>> -> memref<2x128xf32, #tpu.memory_space<vmem>>
    %dma_wait3A_100 = arith.constant 0 : i32
    %dma_wait3A_101 = arith.constant 0 : i32
    %dma_wait3A_102 = tpu.memref_slice %arg2[%dma_wait3A_100, %dma_wait3A_101] : memref<10000x128xf32, #tpu.memory_space<hbm>> -> memref<2x128xf32, #tpu.memory_space<hbm>>
    %dma_wait3A_103 = arith.constant 0 : i32
    %dma_wait3A_104 = arith.constant 0 : i32
    %dma_wait3A_105 = tpu.memref_slice %arg7[%dma_wait3A, %dma_wait3A_103, %dma_wait3A_104] : memref<3x128x128xf32, #tpu.memory_space<vmem>> -> memref<1x2x128xf32, #tpu.memory_space<vmem>>
    %dma_wait3A_106 = tpu.memref_squeeze %dma_wait3A_105 : memref<1x2x128xf32, #tpu.memory_space<vmem>> -> memref<2x128xf32, #tpu.memory_space<vmem>>
    %dma_wait3A_107 = arith.constant 0 : i32
    %dma_wait3A_108 = arith.constant 0 : i32
    %dma_wait3A_109 = tpu.memref_slice %arg2[%dma_wait3A_107, %dma_wait3A_108] : memref<10000x128xf32, #tpu.memory_space<hbm>> -> memref<2x128xf32, #tpu.memory_space<hbm>>
    tpu.wait_dma2 semaphore(%arg9 : memref<!tpu.dma_semaphore, #tpu.memory_space<semaphore_mem>>) src(%dma_wait3A_109 : memref<2x128xf32, #tpu.memory_space<hbm>>) dst(%dma_wait3A_106 : memref<2x128xf32, #tpu.memory_space<vmem>>)
    %dma_wait3A_110 = arith.constant 0 : i32
    %dma_wait3A_111 = arith.constant 0 : i32
    %dma_wait3A_112 = arith.constant 0 : i32
    %dma_wait3A_113 = tpu.memref_slice %arg7[%dma_wait3A_110, %dma_wait3A_111, %dma_wait3A_112] : memref<3x128x128xf32, #tpu.memory_space<vmem>> -> memref<1x2x128xf32, #tpu.memory_space<vmem>>
    %dma_wait3A_114 = tpu.memref_squeeze %dma_wait3A_113 : memref<1x2x128xf32, #tpu.memory_space<vmem>> -> memref<2x128xf32, #tpu.memory_space<vmem>>
    %dma_wait3A_115 = arith.constant 0 : i32
    %dma_wait3A_116 = arith.constant 0 : i32
    %dma_wait3A_117 = tpu.memref_slice %arg2[%dma_wait3A_115, %dma_wait3A_116] : memref<10000x128xf32, #tpu.memory_space<hbm>> -> memref<2x128xf32, #tpu.memory_space<hbm>>
    %dma_wait3A_118 = arith.constant 0 : i32
    %dma_wait3A_119 = arith.constant 0 : i32
    %dma_wait3A_120 = tpu.memref_slice %arg7[%dma_wait3A_110, %dma_wait3A_118, %dma_wait3A_119] : memref<3x128x128xf32, #tpu.memory_space<vmem>> -> memref<1x2x128xf32, #tpu.memory_space<vmem>>
    %dma_wait3A_121 = tpu.memref_squeeze %dma_wait3A_120 : memref<1x2x128xf32, #tpu.memory_space<vmem>> -> memref<2x128xf32, #tpu.memory_space<vmem>>
    %dma_wait3A_122 = arith.constant 0 : i32
    %dma_wait3A_123 = arith.constant 0 : i32
    %dma_wait3A_124 = tpu.memref_slice %arg2[%dma_wait3A_122, %dma_wait3A_123] : memref<10000x128xf32, #tpu.memory_space<hbm>> -> memref<2x128xf32, #tpu.memory_space<hbm>>
    tpu.wait_dma2 semaphore(%arg9 : memref<!tpu.dma_semaphore, #tpu.memory_space<semaphore_mem>>) src(%dma_wait3A_124 : memref<2x128xf32, #tpu.memory_space<hbm>>) dst(%dma_wait3A_121 : memref<2x128xf32, #tpu.memory_space<vmem>>)
    %dma_start3A_125 = arith.constant 0 : i32
    %dma_start3A_126 = arith.constant 0 : i32
    %dma_start3A_127 = arith.constant 0 : i32
    %dma_start3A_128 = arith.constant 0 : i32
    %dma_start3A_129 = tpu.memref_slice %arg7[%dma_start3A_126, %dma_start3A_127, %dma_start3A_128] : memref<3x128x128xf32, #tpu.memory_space<vmem>> -> memref<1x128x128xf32, #tpu.memory_space<vmem>>
    %dma_start3A_130 = tpu.memref_squeeze %dma_start3A_129 : memref<1x128x128xf32, #tpu.memory_space<vmem>> -> memref<128x128xf32, #tpu.memory_space<vmem>>
    %dma_start3A_131 = arith.constant 0 : i32
    %dma_start3A_132 = tpu.memref_slice %arg5[%dma_start3A_125, %dma_start3A_131] : memref<3x128xi32, #tpu.memory_space<vmem>> -> memref<1x128xi32, #tpu.memory_space<vmem>>
    %dma_start3A_133 = tpu.memref_squeeze %dma_start3A_132 : memref<1x128xi32, #tpu.memory_space<vmem>> -> memref<128xi32, #tpu.memory_space<vmem>>
    %dma_start3A_134 = arith.constant 0 : i32
    %dma_start3A_135 = arith.constant 0 : i32
    %dma_start3A_136 = tpu.memref_slice %arg2[%dma_start3A_134, %dma_start3A_135] : memref<10000x128xf32, #tpu.memory_space<hbm>> -> memref<10000x128xf32, #tpu.memory_space<hbm>>
    tpu.enqueue_indirect_dma source(%dma_start3A_136 : memref<10000x128xf32, #tpu.memory_space<hbm>>) target(%dma_start3A_130 : memref<128x128xf32, #tpu.memory_space<vmem>>) offsets(%dma_start3A_133 : memref<128xi32, #tpu.memory_space<vmem>>) semaphore(%arg10 : memref<!tpu.dma_semaphore, #tpu.memory_space<semaphore_mem>>)
    %dma_start3A_137 = arith.constant 1 : i32
    %dma_start3A_138 = arith.constant 1 : i32
    %dma_start3A_139 = arith.constant 0 : i32
    %dma_start3A_140 = arith.constant 0 : i32
    %dma_start3A_141 = tpu.memref_slice %arg7[%dma_start3A_138, %dma_start3A_139, %dma_start3A_140] : memref<3x128x128xf32, #tpu.memory_space<vmem>> -> memref<1x128x128xf32, #tpu.memory_space<vmem>>
    %dma_start3A_142 = tpu.memref_squeeze %dma_start3A_141 : memref<1x128x128xf32, #tpu.memory_space<vmem>> -> memref<128x128xf32, #tpu.memory_space<vmem>>
    %dma_start3A_143 = arith.constant 0 : i32
    %dma_start3A_144 = tpu.memref_slice %arg5[%dma_start3A_137, %dma_start3A_143] : memref<3x128xi32, #tpu.memory_space<vmem>> -> memref<1x128xi32, #tpu.memory_space<vmem>>
    %dma_start3A_145 = tpu.memref_squeeze %dma_start3A_144 : memref<1x128xi32, #tpu.memory_space<vmem>> -> memref<128xi32, #tpu.memory_space<vmem>>
    %dma_start3A_146 = arith.constant 0 : i32
    %dma_start3A_147 = arith.constant 0 : i32
    %dma_start3A_148 = tpu.memref_slice %arg2[%dma_start3A_146, %dma_start3A_147] : memref<10000x128xf32, #tpu.memory_space<hbm>> -> memref<10000x128xf32, #tpu.memory_space<hbm>>
    tpu.enqueue_indirect_dma source(%dma_start3A_148 : memref<10000x128xf32, #tpu.memory_space<hbm>>) target(%dma_start3A_142 : memref<128x128xf32, #tpu.memory_space<vmem>>) offsets(%dma_start3A_145 : memref<128xi32, #tpu.memory_space<vmem>>) semaphore(%arg10 : memref<!tpu.dma_semaphore, #tpu.memory_space<semaphore_mem>>)
    %mul3A_149 = arith.constant 632 : i32
    %mul3A_150 = arith.muli %arg1, %mul3A_149 : i32
    %add3A_151 = arith.constant 0 : i32
    %add3A_152 = arith.addi %mul3A_150, %add3A_151 : i32
    %run_scoped3A = arith.constant 2 : i32
    "tpu.region"() ({
      %run_scoped3A_184 = tpu.sem_alloc : memref<!tpu.dma_semaphore, #tpu.memory_space<semaphore_mem>>
      %dma_start3A_185 = arith.constant 0 : i32
      %dma_start3A_186 = arith.constant 0 : i32
      %dma_start3A_187 = tpu.memref_slice %arg7[%run_scoped3A, %dma_start3A_185, %dma_start3A_186] : memref<3x128x128xf32, #tpu.memory_space<vmem>> -> memref<1x128x128xf32, #tpu.memory_space<vmem>>
      %dma_start3A_188 = tpu.memref_squeeze %dma_start3A_187 : memref<1x128x128xf32, #tpu.memory_space<vmem>> -> memref<128x128xf32, #tpu.memory_space<vmem>>
      %dma_start3A_189 = arith.constant 0 : i32
      %dma_start3A_190 = tpu.memref_slice %arg8[%add3A_152, %dma_start3A_189] : memref<10112x128xf32, #tpu.memory_space<vmem_shared>> -> memref<128x128xf32, #tpu.memory_space<vmem_shared>>
      %dma_start3A_191 = arith.constant 0 : i32
      %dma_start3A_192 = tpu.memref_slice %arg8[%add3A_152, %dma_start3A_191] : memref<10112x128xf32, #tpu.memory_space<vmem_shared>> -> memref<128x128xf32, #tpu.memory_space<vmem_shared>>
      %dma_start3A_193 = arith.constant 0 : i32
      %dma_start3A_194 = arith.constant 0 : i32
      %dma_start3A_195 = tpu.memref_slice %arg7[%run_scoped3A, %dma_start3A_193, %dma_start3A_194] : memref<3x128x128xf32, #tpu.memory_space<vmem>> -> memref<1x128x128xf32, #tpu.memory_space<vmem>>
      %dma_start3A_196 = tpu.memref_squeeze %dma_start3A_195 : memref<1x128x128xf32, #tpu.memory_space<vmem>> -> memref<128x128xf32, #tpu.memory_space<vmem>>
      tpu.enqueue_dma source(%dma_start3A_196 : memref<128x128xf32, #tpu.memory_space<vmem>>) target(%dma_start3A_192 : memref<128x128xf32, #tpu.memory_space<vmem_shared>>) target_semaphore(%run_scoped3A_184 : memref<!tpu.dma_semaphore, #tpu.memory_space<semaphore_mem>>)
      %dma_wait3A_197 = arith.constant 0 : i32
      %dma_wait3A_198 = arith.constant 0 : i32
      %dma_wait3A_199 = tpu.memref_slice %arg7[%run_scoped3A, %dma_wait3A_197, %dma_wait3A_198] : memref<3x128x128xf32, #tpu.memory_space<vmem>> -> memref<1x128x128xf32, #tpu.memory_space<vmem>>
      %dma_wait3A_200 = tpu.memref_squeeze %dma_wait3A_199 : memref<1x128x128xf32, #tpu.memory_space<vmem>> -> memref<128x128xf32, #tpu.memory_space<vmem>>
      %dma_wait3A_201 = arith.constant 0 : i32
      %dma_wait3A_202 = tpu.memref_slice %arg8[%add3A_152, %dma_wait3A_201] : memref<10112x128xf32, #tpu.memory_space<vmem_shared>> -> memref<128x128xf32, #tpu.memory_space<vmem_shared>>
      %dma_wait3A_203 = arith.constant 0 : i32
      %dma_wait3A_204 = tpu.memref_slice %arg8[%add3A_152, %dma_wait3A_203] : memref<10112x128xf32, #tpu.memory_space<vmem_shared>> -> memref<128x128xf32, #tpu.memory_space<vmem_shared>>
      %dma_wait3A_205 = arith.constant 0 : i32
      %dma_wait3A_206 = arith.constant 0 : i32
      %dma_wait3A_207 = tpu.memref_slice %arg7[%run_scoped3A, %dma_wait3A_205, %dma_wait3A_206] : memref<3x128x128xf32, #tpu.memory_space<vmem>> -> memref<1x128x128xf32, #tpu.memory_space<vmem>>
      %dma_wait3A_208 = tpu.memref_squeeze %dma_wait3A_207 : memref<1x128x128xf32, #tpu.memory_space<vmem>> -> memref<128x128xf32, #tpu.memory_space<vmem>>
      tpu.wait_dma2 semaphore(%run_scoped3A_184 : memref<!tpu.dma_semaphore, #tpu.memory_space<semaphore_mem>>) src(%dma_wait3A_208 : memref<128x128xf32, #tpu.memory_space<vmem>>) dst(%dma_wait3A_204 : memref<128x128xf32, #tpu.memory_space<vmem_shared>>)
      tpu.yield
    }) : () -> ()
    %add3A_153 = arith.constant 128 : i32
    %add3A_154 = arith.addi %mul3A_150, %add3A_153 : i32
    %run_scoped3A_155 = arith.constant 2 : i32
    "tpu.region"() ({
      %run_scoped3A_184 = tpu.sem_alloc : memref<!tpu.dma_semaphore, #tpu.memory_space<semaphore_mem>>
      %dma_start3A_185 = arith.constant 0 : i32
      %dma_start3A_186 = arith.constant 0 : i32
      %dma_start3A_187 = tpu.memref_slice %arg7[%run_scoped3A_155, %dma_start3A_185, %dma_start3A_186] : memref<3x128x128xf32, #tpu.memory_space<vmem>> -> memref<1x128x128xf32, #tpu.memory_space<vmem>>
      %dma_start3A_188 = tpu.memref_squeeze %dma_start3A_187 : memref<1x128x128xf32, #tpu.memory_space<vmem>> -> memref<128x128xf32, #tpu.memory_space<vmem>>
      %dma_start3A_189 = arith.constant 0 : i32
      %dma_start3A_190 = tpu.memref_slice %arg8[%add3A_154, %dma_start3A_189] : memref<10112x128xf32, #tpu.memory_space<vmem_shared>> -> memref<128x128xf32, #tpu.memory_space<vmem_shared>>
      %dma_start3A_191 = arith.constant 0 : i32
      %dma_start3A_192 = tpu.memref_slice %arg8[%add3A_154, %dma_start3A_191] : memref<10112x128xf32, #tpu.memory_space<vmem_shared>> -> memref<128x128xf32, #tpu.memory_space<vmem_shared>>
      %dma_start3A_193 = arith.constant 0 : i32
      %dma_start3A_194 = arith.constant 0 : i32
      %dma_start3A_195 = tpu.memref_slice %arg7[%run_scoped3A_155, %dma_start3A_193, %dma_start3A_194] : memref<3x128x128xf32, #tpu.memory_space<vmem>> -> memref<1x128x128xf32, #tpu.memory_space<vmem>>
      %dma_start3A_196 = tpu.memref_squeeze %dma_start3A_195 : memref<1x128x128xf32, #tpu.memory_space<vmem>> -> memref<128x128xf32, #tpu.memory_space<vmem>>
      tpu.enqueue_dma source(%dma_start3A_196 : memref<128x128xf32, #tpu.memory_space<vmem>>) target(%dma_start3A_192 : memref<128x128xf32, #tpu.memory_space<vmem_shared>>) target_semaphore(%run_scoped3A_184 : memref<!tpu.dma_semaphore, #tpu.memory_space<semaphore_mem>>)
      %dma_wait3A_197 = arith.constant 0 : i32
      %dma_wait3A_198 = arith.constant 0 : i32
      %dma_wait3A_199 = tpu.memref_slice %arg7[%run_scoped3A_155, %dma_wait3A_197, %dma_wait3A_198] : memref<3x128x128xf32, #tpu.memory_space<vmem>> -> memref<1x128x128xf32, #tpu.memory_space<vmem>>
      %dma_wait3A_200 = tpu.memref_squeeze %dma_wait3A_199 : memref<1x128x128xf32, #tpu.memory_space<vmem>> -> memref<128x128xf32, #tpu.memory_space<vmem>>
      %dma_wait3A_201 = arith.constant 0 : i32
      %dma_wait3A_202 = tpu.memref_slice %arg8[%add3A_154, %dma_wait3A_201] : memref<10112x128xf32, #tpu.memory_space<vmem_shared>> -> memref<128x128xf32, #tpu.memory_space<vmem_shared>>
      %dma_wait3A_203 = arith.constant 0 : i32
      %dma_wait3A_204 = tpu.memref_slice %arg8[%add3A_154, %dma_wait3A_203] : memref<10112x128xf32, #tpu.memory_space<vmem_shared>> -> memref<128x128xf32, #tpu.memory_space<vmem_shared>>
      %dma_wait3A_205 = arith.constant 0 : i32
      %dma_wait3A_206 = arith.constant 0 : i32
      %dma_wait3A_207 = tpu.memref_slice %arg7[%run_scoped3A_155, %dma_wait3A_205, %dma_wait3A_206] : memref<3x128x128xf32, #tpu.memory_space<vmem>> -> memref<1x128x128xf32, #tpu.memory_space<vmem>>
      %dma_wait3A_208 = tpu.memref_squeeze %dma_wait3A_207 : memref<1x128x128xf32, #tpu.memory_space<vmem>> -> memref<128x128xf32, #tpu.memory_space<vmem>>
      tpu.wait_dma2 semaphore(%run_scoped3A_184 : memref<!tpu.dma_semaphore, #tpu.memory_space<semaphore_mem>>) src(%dma_wait3A_208 : memref<128x128xf32, #tpu.memory_space<vmem>>) dst(%dma_wait3A_204 : memref<128x128xf32, #tpu.memory_space<vmem_shared>>)
      tpu.yield
    }) : () -> ()
    %add3A_156 = arith.constant 256 : i32
    %add3A_157 = arith.addi %mul3A_150, %add3A_156 : i32
    %run_scoped3A_158 = arith.constant 2 : i32
    "tpu.region"() ({
      %run_scoped3A_184 = tpu.sem_alloc : memref<!tpu.dma_semaphore, #tpu.memory_space<semaphore_mem>>
      %dma_start3A_185 = arith.constant 0 : i32
      %dma_start3A_186 = arith.constant 0 : i32
      %dma_start3A_187 = tpu.memref_slice %arg7[%run_scoped3A_158, %dma_start3A_185, %dma_start3A_186] : memref<3x128x128xf32, #tpu.memory_space<vmem>> -> memref<1x128x128xf32, #tpu.memory_space<vmem>>
      %dma_start3A_188 = tpu.memref_squeeze %dma_start3A_187 : memref<1x128x128xf32, #tpu.memory_space<vmem>> -> memref<128x128xf32, #tpu.memory_space<vmem>>
      %dma_start3A_189 = arith.constant 0 : i32
      %dma_start3A_190 = tpu.memref_slice %arg8[%add3A_157, %dma_start3A_189] : memref<10112x128xf32, #tpu.memory_space<vmem_shared>> -> memref<128x128xf32, #tpu.memory_space<vmem_shared>>
      %dma_start3A_191 = arith.constant 0 : i32
      %dma_start3A_192 = tpu.memref_slice %arg8[%add3A_157, %dma_start3A_191] : memref<10112x128xf32, #tpu.memory_space<vmem_shared>> -> memref<128x128xf32, #tpu.memory_space<vmem_shared>>
      %dma_start3A_193 = arith.constant 0 : i32
      %dma_start3A_194 = arith.constant 0 : i32
      %dma_start3A_195 = tpu.memref_slice %arg7[%run_scoped3A_158, %dma_start3A_193, %dma_start3A_194] : memref<3x128x128xf32, #tpu.memory_space<vmem>> -> memref<1x128x128xf32, #tpu.memory_space<vmem>>
      %dma_start3A_196 = tpu.memref_squeeze %dma_start3A_195 : memref<1x128x128xf32, #tpu.memory_space<vmem>> -> memref<128x128xf32, #tpu.memory_space<vmem>>
      tpu.enqueue_dma source(%dma_start3A_196 : memref<128x128xf32, #tpu.memory_space<vmem>>) target(%dma_start3A_192 : memref<128x128xf32, #tpu.memory_space<vmem_shared>>) target_semaphore(%run_scoped3A_184 : memref<!tpu.dma_semaphore, #tpu.memory_space<semaphore_mem>>)
      %dma_wait3A_197 = arith.constant 0 : i32
      %dma_wait3A_198 = arith.constant 0 : i32
      %dma_wait3A_199 = tpu.memref_slice %arg7[%run_scoped3A_158, %dma_wait3A_197, %dma_wait3A_198] : memref<3x128x128xf32, #tpu.memory_space<vmem>> -> memref<1x128x128xf32, #tpu.memory_space<vmem>>
      %dma_wait3A_200 = tpu.memref_squeeze %dma_wait3A_199 : memref<1x128x128xf32, #tpu.memory_space<vmem>> -> memref<128x128xf32, #tpu.memory_space<vmem>>
      %dma_wait3A_201 = arith.constant 0 : i32
      %dma_wait3A_202 = tpu.memref_slice %arg8[%add3A_157, %dma_wait3A_201] : memref<10112x128xf32, #tpu.memory_space<vmem_shared>> -> memref<128x128xf32, #tpu.memory_space<vmem_shared>>
      %dma_wait3A_203 = arith.constant 0 : i32
      %dma_wait3A_204 = tpu.memref_slice %arg8[%add3A_157, %dma_wait3A_203] : memref<10112x128xf32, #tpu.memory_space<vmem_shared>> -> memref<128x128xf32, #tpu.memory_space<vmem_shared>>
      %dma_wait3A_205 = arith.constant 0 : i32
      %dma_wait3A_206 = arith.constant 0 : i32
      %dma_wait3A_207 = tpu.memref_slice %arg7[%run_scoped3A_158, %dma_wait3A_205, %dma_wait3A_206] : memref<3x128x128xf32, #tpu.memory_space<vmem>> -> memref<1x128x128xf32, #tpu.memory_space<vmem>>
      %dma_wait3A_208 = tpu.memref_squeeze %dma_wait3A_207 : memref<1x128x128xf32, #tpu.memory_space<vmem>> -> memref<128x128xf32, #tpu.memory_space<vmem>>
      tpu.wait_dma2 semaphore(%run_scoped3A_184 : memref<!tpu.dma_semaphore, #tpu.memory_space<semaphore_mem>>) src(%dma_wait3A_208 : memref<128x128xf32, #tpu.memory_space<vmem>>) dst(%dma_wait3A_204 : memref<128x128xf32, #tpu.memory_space<vmem_shared>>)
      tpu.yield
    }) : () -> ()
    %add3A_159 = arith.constant 384 : i32
    %add3A_160 = arith.addi %mul3A_150, %add3A_159 : i32
    %run_scoped3A_161 = arith.constant 2 : i32
    "tpu.region"() ({
      %run_scoped3A_184 = tpu.sem_alloc : memref<!tpu.dma_semaphore, #tpu.memory_space<semaphore_mem>>
      %dma_start3A_185 = arith.constant 0 : i32
      %dma_start3A_186 = arith.constant 0 : i32
      %dma_start3A_187 = tpu.memref_slice %arg7[%run_scoped3A_161, %dma_start3A_185, %dma_start3A_186] : memref<3x128x128xf32, #tpu.memory_space<vmem>> -> memref<1x128x128xf32, #tpu.memory_space<vmem>>
      %dma_start3A_188 = tpu.memref_squeeze %dma_start3A_187 : memref<1x128x128xf32, #tpu.memory_space<vmem>> -> memref<128x128xf32, #tpu.memory_space<vmem>>
      %dma_start3A_189 = arith.constant 0 : i32
      %dma_start3A_190 = tpu.memref_slice %arg8[%add3A_160, %dma_start3A_189] : memref<10112x128xf32, #tpu.memory_space<vmem_shared>> -> memref<128x128xf32, #tpu.memory_space<vmem_shared>>
      %dma_start3A_191 = arith.constant 0 : i32
      %dma_start3A_192 = tpu.memref_slice %arg8[%add3A_160, %dma_start3A_191] : memref<10112x128xf32, #tpu.memory_space<vmem_shared>> -> memref<128x128xf32, #tpu.memory_space<vmem_shared>>
      %dma_start3A_193 = arith.constant 0 : i32
      %dma_start3A_194 = arith.constant 0 : i32
      %dma_start3A_195 = tpu.memref_slice %arg7[%run_scoped3A_161, %dma_start3A_193, %dma_start3A_194] : memref<3x128x128xf32, #tpu.memory_space<vmem>> -> memref<1x128x128xf32, #tpu.memory_space<vmem>>
      %dma_start3A_196 = tpu.memref_squeeze %dma_start3A_195 : memref<1x128x128xf32, #tpu.memory_space<vmem>> -> memref<128x128xf32, #tpu.memory_space<vmem>>
      tpu.enqueue_dma source(%dma_start3A_196 : memref<128x128xf32, #tpu.memory_space<vmem>>) target(%dma_start3A_192 : memref<128x128xf32, #tpu.memory_space<vmem_shared>>) target_semaphore(%run_scoped3A_184 : memref<!tpu.dma_semaphore, #tpu.memory_space<semaphore_mem>>)
      %dma_wait3A_197 = arith.constant 0 : i32
      %dma_wait3A_198 = arith.constant 0 : i32
      %dma_wait3A_199 = tpu.memref_slice %arg7[%run_scoped3A_161, %dma_wait3A_197, %dma_wait3A_198] : memref<3x128x128xf32, #tpu.memory_space<vmem>> -> memref<1x128x128xf32, #tpu.memory_space<vmem>>
      %dma_wait3A_200 = tpu.memref_squeeze %dma_wait3A_199 : memref<1x128x128xf32, #tpu.memory_space<vmem>> -> memref<128x128xf32, #tpu.memory_space<vmem>>
      %dma_wait3A_201 = arith.constant 0 : i32
      %dma_wait3A_202 = tpu.memref_slice %arg8[%add3A_160, %dma_wait3A_201] : memref<10112x128xf32, #tpu.memory_space<vmem_shared>> -> memref<128x128xf32, #tpu.memory_space<vmem_shared>>
      %dma_wait3A_203 = arith.constant 0 : i32
      %dma_wait3A_204 = tpu.memref_slice %arg8[%add3A_160, %dma_wait3A_203] : memref<10112x128xf32, #tpu.memory_space<vmem_shared>> -> memref<128x128xf32, #tpu.memory_space<vmem_shared>>
      %dma_wait3A_205 = arith.constant 0 : i32
      %dma_wait3A_206 = arith.constant 0 : i32
      %dma_wait3A_207 = tpu.memref_slice %arg7[%run_scoped3A_161, %dma_wait3A_205, %dma_wait3A_206] : memref<3x128x128xf32, #tpu.memory_space<vmem>> -> memref<1x128x128xf32, #tpu.memory_space<vmem>>
      %dma_wait3A_208 = tpu.memref_squeeze %dma_wait3A_207 : memref<1x128x128xf32, #tpu.memory_space<vmem>> -> memref<128x128xf32, #tpu.memory_space<vmem>>
      tpu.wait_dma2 semaphore(%run_scoped3A_184 : memref<!tpu.dma_semaphore, #tpu.memory_space<semaphore_mem>>) src(%dma_wait3A_208 : memref<128x128xf32, #tpu.memory_space<vmem>>) dst(%dma_wait3A_204 : memref<128x128xf32, #tpu.memory_space<vmem_shared>>)
      tpu.yield
    }) : () -> ()
    %add3A_162 = arith.constant 512 : i32
    %add3A_163 = arith.addi %mul3A_150, %add3A_162 : i32
    %run_scoped3A_164 = arith.constant 2 : i32
    "tpu.region"() ({
      %run_scoped3A_184 = tpu.sem_alloc : memref<!tpu.dma_semaphore, #tpu.memory_space<semaphore_mem>>
      %dma_start3A_185 = arith.constant 0 : i32
      %dma_start3A_186 = arith.constant 0 : i32
      %dma_start3A_187 = tpu.memref_slice %arg7[%run_scoped3A_164, %dma_start3A_185, %dma_start3A_186] : memref<3x128x128xf32, #tpu.memory_space<vmem>> -> memref<1x120x128xf32, #tpu.memory_space<vmem>>
      %dma_start3A_188 = tpu.memref_squeeze %dma_start3A_187 : memref<1x120x128xf32, #tpu.memory_space<vmem>> -> memref<120x128xf32, #tpu.memory_space<vmem>>
      %dma_start3A_189 = arith.constant 0 : i32
      %dma_start3A_190 = tpu.memref_slice %arg8[%add3A_163, %dma_start3A_189] : memref<10112x128xf32, #tpu.memory_space<vmem_shared>> -> memref<120x128xf32, #tpu.memory_space<vmem_shared>>
      %dma_start3A_191 = arith.constant 0 : i32
      %dma_start3A_192 = tpu.memref_slice %arg8[%add3A_163, %dma_start3A_191] : memref<10112x128xf32, #tpu.memory_space<vmem_shared>> -> memref<120x128xf32, #tpu.memory_space<vmem_shared>>
      %dma_start3A_193 = arith.constant 0 : i32
      %dma_start3A_194 = arith.constant 0 : i32
      %dma_start3A_195 = tpu.memref_slice %arg7[%run_scoped3A_164, %dma_start3A_193, %dma_start3A_194] : memref<3x128x128xf32, #tpu.memory_space<vmem>> -> memref<1x120x128xf32, #tpu.memory_space<vmem>>
      %dma_start3A_196 = tpu.memref_squeeze %dma_start3A_195 : memref<1x120x128xf32, #tpu.memory_space<vmem>> -> memref<120x128xf32, #tpu.memory_space<vmem>>
      tpu.enqueue_dma source(%dma_start3A_196 : memref<120x128xf32, #tpu.memory_space<vmem>>) target(%dma_start3A_192 : memref<120x128xf32, #tpu.memory_space<vmem_shared>>) target_semaphore(%run_scoped3A_184 : memref<!tpu.dma_semaphore, #tpu.memory_space<semaphore_mem>>)
      %dma_wait3A_197 = arith.constant 0 : i32
      %dma_wait3A_198 = arith.constant 0 : i32
      %dma_wait3A_199 = tpu.memref_slice %arg7[%run_scoped3A_164, %dma_wait3A_197, %dma_wait3A_198] : memref<3x128x128xf32, #tpu.memory_space<vmem>> -> memref<1x120x128xf32, #tpu.memory_space<vmem>>
      %dma_wait3A_200 = tpu.memref_squeeze %dma_wait3A_199 : memref<1x120x128xf32, #tpu.memory_space<vmem>> -> memref<120x128xf32, #tpu.memory_space<vmem>>
      %dma_wait3A_201 = arith.constant 0 : i32
      %dma_wait3A_202 = tpu.memref_slice %arg8[%add3A_163, %dma_wait3A_201] : memref<10112x128xf32, #tpu.memory_space<vmem_shared>> -> memref<120x128xf32, #tpu.memory_space<vmem_shared>>
      %dma_wait3A_203 = arith.constant 0 : i32
      %dma_wait3A_204 = tpu.memref_slice %arg8[%add3A_163, %dma_wait3A_203] : memref<10112x128xf32, #tpu.memory_space<vmem_shared>> -> memref<120x128xf32, #tpu.memory_space<vmem_shared>>
      %dma_wait3A_205 = arith.constant 0 : i32
      %dma_wait3A_206 = arith.constant 0 : i32
      %dma_wait3A_207 = tpu.memref_slice %arg7[%run_scoped3A_164, %dma_wait3A_205, %dma_wait3A_206] : memref<3x128x128xf32, #tpu.memory_space<vmem>> -> memref<1x120x128xf32, #tpu.memory_space<vmem>>
      %dma_wait3A_208 = tpu.memref_squeeze %dma_wait3A_207 : memref<1x120x128xf32, #tpu.memory_space<vmem>> -> memref<120x128xf32, #tpu.memory_space<vmem>>
      tpu.wait_dma2 semaphore(%run_scoped3A_184 : memref<!tpu.dma_semaphore, #tpu.memory_space<semaphore_mem>>) src(%dma_wait3A_208 : memref<120x128xf32, #tpu.memory_space<vmem>>) dst(%dma_wait3A_204 : memref<120x128xf32, #tpu.memory_space<vmem_shared>>)
      tpu.yield
    }) : () -> ()
    %barrier3A = arith.constant 0 : index
    tpu.barrier barrier_id(%barrier3A)
    %scan3A_165 = arith.constant 0 : i32
    %scan3A_166 = arith.constant 0 : i32
    %scan3A_167 = arith.constant 79 : i32
    %scan3A_168 = arith.addi %scan3A_166, %scan3A_167 : i32
    %scan3A_169 = arith.constant 1 : i32
    scf.for %scan3A_184 = %scan3A_166 to %scan3A_168 step %scan3A_169  : i32 {
      %lt3A_185 = arith.cmpi slt, %scan3A_184, %add3A_7 : i32
      %convert_element_type3A_186 = arith.extui %lt3A_185 : i1 to i32
      %cond3A = arith.constant 0 : i32
      %cond3A_187 = arith.cmpi ne, %convert_element_type3A_186, %cond3A : i32
      scf.if %cond3A_187 {
        %jit3A = arith.constant 3 : i32
        %eq3A = arith.constant 0 : i32
        %eq3A_200 = arith.cmpi eq, %jit3A, %eq3A : i32
        %jit3A_201 = arith.constant 1 : i32
        %select_n3A = arith.select %eq3A_200, %jit3A_201, %jit3A : i32
        %rem3A = arith.remsi %scan3A_184, %select_n3A : i32
        %ne3A = arith.constant 0 : i32
        %ne3A_202 = arith.cmpi ne, %rem3A, %ne3A : i32
        %lt3A_203 = arith.constant 0 : i32
        %lt3A_204 = arith.cmpi slt, %rem3A, %lt3A_203 : i32
        %lt3A_205 = arith.constant 0 : i32
        %lt3A_206 = arith.cmpi slt, %select_n3A, %lt3A_205 : i32
        %ne3A_207 = arith.xori %lt3A_204, %lt3A_206 : i1
        %and3A = arith.andi %ne3A_207, %ne3A_202 : i1
        %add3A_208 = arith.addi %rem3A, %select_n3A : i32
        %select_n3A_209 = arith.select %and3A, %add3A_208, %rem3A : i32
        %dma_wait3A_210 = arith.constant 0 : i32
        %dma_wait3A_211 = arith.constant 0 : i32
        %dma_wait3A_212 = arith.constant 0 : i32
        %dma_wait3A_213 = tpu.memref_slice %arg7[%select_n3A_209, %dma_wait3A_211, %dma_wait3A_212] : memref<3x128x128xf32, #tpu.memory_space<vmem>> -> memref<1x128x128xf32, #tpu.memory_space<vmem>>
        %dma_wait3A_214 = tpu.memref_squeeze %dma_wait3A_213 : memref<1x128x128xf32, #tpu.memory_space<vmem>> -> memref<128x128xf32, #tpu.memory_space<vmem>>
        %dma_wait3A_215 = arith.constant 0 : i32
        %dma_wait3A_216 = tpu.memref_slice %arg5[%dma_wait3A_210, %dma_wait3A_215] : memref<3x128xi32, #tpu.memory_space<vmem>> -> memref<1x128xi32, #tpu.memory_space<vmem>>
        %dma_wait3A_217 = tpu.memref_squeeze %dma_wait3A_216 : memref<1x128xi32, #tpu.memory_space<vmem>> -> memref<128xi32, #tpu.memory_space<vmem>>
        %dma_wait3A_218 = arith.constant 0 : i32
        %dma_wait3A_219 = arith.constant 0 : i32
        %dma_wait3A_220 = tpu.memref_slice %arg2[%dma_wait3A_218, %dma_wait3A_219] : memref<10000x128xf32, #tpu.memory_space<hbm>> -> memref<10000x128xf32, #tpu.memory_space<hbm>>
        tpu.wait_indirect_dma semaphore(%arg10 : memref<!tpu.dma_semaphore, #tpu.memory_space<semaphore_mem>>) src(%dma_wait3A_220 : memref<10000x128xf32, #tpu.memory_space<hbm>>) dst(%dma_wait3A_214 : memref<128x128xf32, #tpu.memory_space<vmem>>)
        %gt3A = arith.constant 0 : i32
        %gt3A_221 = arith.cmpi sgt, %scan3A_184, %gt3A : i32
        %convert_element_type3A_222 = arith.extui %gt3A_221 : i1 to i32
        %cond3A_223 = arith.constant 0 : i32
        %cond3A_224 = arith.cmpi ne, %convert_element_type3A_222, %cond3A_223 : i32
        scf.if %cond3A_224 {
          %dma_wait3A_267 = arith.constant 0 : i32
          %dma_wait3A_268 = arith.constant 0 : i32
          %dma_wait3A_269 = arith.constant 0 : i32
          %dma_wait3A_270 = arith.constant 0 : i32
          %dma_wait3A_271 = tpu.memref_slice %arg7[%dma_wait3A_267, %dma_wait3A_269, %dma_wait3A_270] : memref<3x128x128xf32, #tpu.memory_space<vmem>> -> memref<1x128x128xf32, #tpu.memory_space<vmem>>
          %dma_wait3A_272 = tpu.memref_squeeze %dma_wait3A_271 : memref<1x128x128xf32, #tpu.memory_space<vmem>> -> memref<128x128xf32, #tpu.memory_space<vmem>>
          %dma_wait3A_273 = arith.constant 0 : i32
          %dma_wait3A_274 = tpu.memref_slice %arg6[%dma_wait3A_268, %dma_wait3A_273] : memref<4x128xi32, #tpu.memory_space<vmem>> -> memref<1x128xi32, #tpu.memory_space<vmem>>
          %dma_wait3A_275 = tpu.memref_squeeze %dma_wait3A_274 : memref<1x128xi32, #tpu.memory_space<vmem>> -> memref<128xi32, #tpu.memory_space<vmem>>
          %dma_wait3A_276 = arith.constant 0 : i32
          %dma_wait3A_277 = arith.constant 0 : i32
          %dma_wait3A_278 = tpu.memref_slice %arg8[%dma_wait3A_276, %dma_wait3A_277] : memref<10112x128xf32, #tpu.memory_space<vmem_shared>> -> memref<10112x128xf32, #tpu.memory_space<vmem_shared>>
          tpu.wait_indirect_dma semaphore(%arg11 : memref<!tpu.dma_semaphore, #tpu.memory_space<semaphore_mem>>) src(%dma_wait3A_272 : memref<128x128xf32, #tpu.memory_space<vmem>>) dst(%dma_wait3A_278 : memref<10112x128xf32, #tpu.memory_space<vmem_shared>>)
        } else {
        }
        %jit3A_225 = arith.constant 3 : i32
        %eq3A_226 = arith.constant 0 : i32
        %eq3A_227 = arith.cmpi eq, %jit3A_225, %eq3A_226 : i32
        %jit3A_228 = arith.constant 1 : i32
        %select_n3A_229 = arith.select %eq3A_227, %jit3A_228, %jit3A_225 : i32
        %rem3A_230 = arith.remsi %scan3A_184, %select_n3A_229 : i32
        %ne3A_231 = arith.constant 0 : i32
        %ne3A_232 = arith.cmpi ne, %rem3A_230, %ne3A_231 : i32
        %lt3A_233 = arith.constant 0 : i32
        %lt3A_234 = arith.cmpi slt, %rem3A_230, %lt3A_233 : i32
        %lt3A_235 = arith.constant 0 : i32
        %lt3A_236 = arith.cmpi slt, %select_n3A_229, %lt3A_235 : i32
        %ne3A_237 = arith.xori %lt3A_234, %lt3A_236 : i1
        %and3A_238 = arith.andi %ne3A_237, %ne3A_232 : i1
        %add3A_239 = arith.addi %rem3A_230, %select_n3A_229 : i32
        %select_n3A_240 = arith.select %and3A_238, %add3A_239, %rem3A_230 : i32
        %jit3A_241 = arith.constant 4 : i32
        %eq3A_242 = arith.constant 0 : i32
        %eq3A_243 = arith.cmpi eq, %jit3A_241, %eq3A_242 : i32
        %jit3A_244 = arith.constant 1 : i32
        %select_n3A_245 = arith.select %eq3A_243, %jit3A_244, %jit3A_241 : i32
        %rem3A_246 = arith.remsi %scan3A_184, %select_n3A_245 : i32
        %ne3A_247 = arith.constant 0 : i32
        %ne3A_248 = arith.cmpi ne, %rem3A_246, %ne3A_247 : i32
        %lt3A_249 = arith.constant 0 : i32
        %lt3A_250 = arith.cmpi slt, %rem3A_246, %lt3A_249 : i32
        %lt3A_251 = arith.constant 0 : i32
        %lt3A_252 = arith.cmpi slt, %select_n3A_245, %lt3A_251 : i32
        %ne3A_253 = arith.xori %lt3A_250, %lt3A_252 : i1
        %and3A_254 = arith.andi %ne3A_253, %ne3A_248 : i1
        %add3A_255 = arith.addi %rem3A_246, %select_n3A_245 : i32
        %select_n3A_256 = arith.select %and3A_254, %add3A_255, %rem3A_246 : i32
        %dma_start3A_257 = arith.constant 0 : i32
        %dma_start3A_258 = arith.constant 0 : i32
        %dma_start3A_259 = tpu.memref_slice %arg7[%select_n3A_240, %dma_start3A_257, %dma_start3A_258] : memref<3x128x128xf32, #tpu.memory_space<vmem>> -> memref<1x128x128xf32, #tpu.memory_space<vmem>>
        %dma_start3A_260 = tpu.memref_squeeze %dma_start3A_259 : memref<1x128x128xf32, #tpu.memory_space<vmem>> -> memref<128x128xf32, #tpu.memory_space<vmem>>
        %dma_start3A_261 = arith.constant 0 : i32
        %dma_start3A_262 = tpu.memref_slice %arg6[%select_n3A_256, %dma_start3A_261] : memref<4x128xi32, #tpu.memory_space<vmem>> -> memref<1x128xi32, #tpu.memory_space<vmem>>
        %dma_start3A_263 = tpu.memref_squeeze %dma_start3A_262 : memref<1x128xi32, #tpu.memory_space<vmem>> -> memref<128xi32, #tpu.memory_space<vmem>>
        %dma_start3A_264 = arith.constant 0 : i32
        %dma_start3A_265 = arith.constant 0 : i32
        %dma_start3A_266 = tpu.memref_slice %arg8[%dma_start3A_264, %dma_start3A_265] : memref<10112x128xf32, #tpu.memory_space<vmem_shared>> -> memref<10112x128xf32, #tpu.memory_space<vmem_shared>>
        tpu.enqueue_indirect_dma source(%dma_start3A_260 : memref<128x128xf32, #tpu.memory_space<vmem>>) target(%dma_start3A_266 : memref<10112x128xf32, #tpu.memory_space<vmem_shared>>) offsets(%dma_start3A_263 : memref<128xi32, #tpu.memory_space<vmem>>) semaphore(%arg11 : memref<!tpu.dma_semaphore, #tpu.memory_space<semaphore_mem>>) {add = true}
      } else {
      }
      %add3A_188 = arith.constant 3 : i32
      %add3A_189 = arith.addi %scan3A_184, %add3A_188 : i32
      %lt3A_190 = arith.cmpi slt, %add3A_189, %add3A_7 : i32
      %convert_element_type3A_191 = arith.extui %lt3A_190 : i1 to i32
      %cond3A_192 = arith.constant 0 : i32
      %cond3A_193 = arith.cmpi ne, %convert_element_type3A_191, %cond3A_192 : i32
      scf.if %cond3A_193 {
        %add3A_200 = arith.constant 3 : i32
        %add3A_201 = arith.addi %scan3A_184, %add3A_200 : i32
        %add3A_202 = arith.addi %add3A_4, %add3A_201 : i32
        %mul3A_203 = arith.constant 128 : i32
        %mul3A_204 = arith.muli %add3A_202, %mul3A_203 : i32
        %jit3A = arith.constant 3 : i32
        %eq3A = arith.constant 0 : i32
        %eq3A_205 = arith.cmpi eq, %jit3A, %eq3A : i32
        %jit3A_206 = arith.constant 1 : i32
        %select_n3A = arith.select %eq3A_205, %jit3A_206, %jit3A : i32
        %rem3A = arith.remsi %add3A_201, %select_n3A : i32
        %ne3A = arith.constant 0 : i32
        %ne3A_207 = arith.cmpi ne, %rem3A, %ne3A : i32
        %lt3A_208 = arith.constant 0 : i32
        %lt3A_209 = arith.cmpi slt, %rem3A, %lt3A_208 : i32
        %lt3A_210 = arith.constant 0 : i32
        %lt3A_211 = arith.cmpi slt, %select_n3A, %lt3A_210 : i32
        %ne3A_212 = arith.xori %lt3A_209, %lt3A_211 : i1
        %and3A = arith.andi %ne3A_212, %ne3A_207 : i1
        %add3A_213 = arith.addi %rem3A, %select_n3A : i32
        %select_n3A_214 = arith.select %and3A, %add3A_213, %rem3A : i32
        %dma_start3A_215 = arith.constant 0 : i32
        %dma_start3A_216 = arith.constant 0 : i32
        %dma_start3A_217 = tpu.memref_slice %arg5[%select_n3A_214, %dma_start3A_216] : memref<3x128xi32, #tpu.memory_space<vmem>> -> memref<1x128xi32, #tpu.memory_space<vmem>>
        %dma_start3A_218 = tpu.memref_squeeze %dma_start3A_217 : memref<1x128xi32, #tpu.memory_space<vmem>> -> memref<128xi32, #tpu.memory_space<vmem>>
        %dma_start3A_219 = tpu.memref_slice %arg3[%dma_start3A_215, %mul3A_204] : memref<2x320000xi32, #tpu.memory_space<hbm>> -> memref<1x128xi32, #tpu.memory_space<hbm>>
        %dma_start3A_220 = tpu.memref_squeeze %dma_start3A_219 : memref<1x128xi32, #tpu.memory_space<hbm>> -> memref<128xi32, #tpu.memory_space<hbm>>
        %dma_start3A_221 = arith.constant 0 : i32
        %dma_start3A_222 = tpu.memref_slice %arg5[%select_n3A_214, %dma_start3A_221] : memref<3x128xi32, #tpu.memory_space<vmem>> -> memref<1x128xi32, #tpu.memory_space<vmem>>
        %dma_start3A_223 = tpu.memref_squeeze %dma_start3A_222 : memref<1x128xi32, #tpu.memory_space<vmem>> -> memref<128xi32, #tpu.memory_space<vmem>>
        %dma_start3A_224 = tpu.memref_slice %arg3[%dma_start3A_215, %mul3A_204] : memref<2x320000xi32, #tpu.memory_space<hbm>> -> memref<1x128xi32, #tpu.memory_space<hbm>>
        %dma_start3A_225 = tpu.memref_squeeze %dma_start3A_224 : memref<1x128xi32, #tpu.memory_space<hbm>> -> memref<128xi32, #tpu.memory_space<hbm>>
        tpu.enqueue_dma source(%dma_start3A_225 : memref<128xi32, #tpu.memory_space<hbm>>) target(%dma_start3A_223 : memref<128xi32, #tpu.memory_space<vmem>>) target_semaphore(%arg9 : memref<!tpu.dma_semaphore, #tpu.memory_space<semaphore_mem>>)
        %jit3A_226 = arith.constant 4 : i32
        %eq3A_227 = arith.constant 0 : i32
        %eq3A_228 = arith.cmpi eq, %jit3A_226, %eq3A_227 : i32
        %jit3A_229 = arith.constant 1 : i32
        %select_n3A_230 = arith.select %eq3A_228, %jit3A_229, %jit3A_226 : i32
        %rem3A_231 = arith.remsi %add3A_201, %select_n3A_230 : i32
        %ne3A_232 = arith.constant 0 : i32
        %ne3A_233 = arith.cmpi ne, %rem3A_231, %ne3A_232 : i32
        %lt3A_234 = arith.constant 0 : i32
        %lt3A_235 = arith.cmpi slt, %rem3A_231, %lt3A_234 : i32
        %lt3A_236 = arith.constant 0 : i32
        %lt3A_237 = arith.cmpi slt, %select_n3A_230, %lt3A_236 : i32
        %ne3A_238 = arith.xori %lt3A_235, %lt3A_237 : i1
        %and3A_239 = arith.andi %ne3A_238, %ne3A_233 : i1
        %add3A_240 = arith.addi %rem3A_231, %select_n3A_230 : i32
        %select_n3A_241 = arith.select %and3A_239, %add3A_240, %rem3A_231 : i32
        %dma_start3A_242 = arith.constant 1 : i32
        %dma_start3A_243 = arith.constant 0 : i32
        %dma_start3A_244 = tpu.memref_slice %arg6[%select_n3A_241, %dma_start3A_243] : memref<4x128xi32, #tpu.memory_space<vmem>> -> memref<1x128xi32, #tpu.memory_space<vmem>>
        %dma_start3A_245 = tpu.memref_squeeze %dma_start3A_244 : memref<1x128xi32, #tpu.memory_space<vmem>> -> memref<128xi32, #tpu.memory_space<vmem>>
        %dma_start3A_246 = tpu.memref_slice %arg3[%dma_start3A_242, %mul3A_204] : memref<2x320000xi32, #tpu.memory_space<hbm>> -> memref<1x128xi32, #tpu.memory_space<hbm>>
        %dma_start3A_247 = tpu.memref_squeeze %dma_start3A_246 : memref<1x128xi32, #tpu.memory_space<hbm>> -> memref<128xi32, #tpu.memory_space<hbm>>
        %dma_start3A_248 = arith.constant 0 : i32
        %dma_start3A_249 = tpu.memref_slice %arg6[%select_n3A_241, %dma_start3A_248] : memref<4x128xi32, #tpu.memory_space<vmem>> -> memref<1x128xi32, #tpu.memory_space<vmem>>
        %dma_start3A_250 = tpu.memref_squeeze %dma_start3A_249 : memref<1x128xi32, #tpu.memory_space<vmem>> -> memref<128xi32, #tpu.memory_space<vmem>>
        %dma_start3A_251 = tpu.memref_slice %arg3[%dma_start3A_242, %mul3A_204] : memref<2x320000xi32, #tpu.memory_space<hbm>> -> memref<1x128xi32, #tpu.memory_space<hbm>>
        %dma_start3A_252 = tpu.memref_squeeze %dma_start3A_251 : memref<1x128xi32, #tpu.memory_space<hbm>> -> memref<128xi32, #tpu.memory_space<hbm>>
        tpu.enqueue_dma source(%dma_start3A_252 : memref<128xi32, #tpu.memory_space<hbm>>) target(%dma_start3A_250 : memref<128xi32, #tpu.memory_space<vmem>>) target_semaphore(%arg9 : memref<!tpu.dma_semaphore, #tpu.memory_space<semaphore_mem>>)
      } else {
      }
      %add3A_194 = arith.constant 2 : i32
      %add3A_195 = arith.addi %scan3A_184, %add3A_194 : i32
      %lt3A_196 = arith.cmpi slt, %add3A_195, %add3A_7 : i32
      %convert_element_type3A_197 = arith.extui %lt3A_196 : i1 to i32
      %cond3A_198 = arith.constant 0 : i32
      %cond3A_199 = arith.cmpi ne, %convert_element_type3A_197, %cond3A_198 : i32
      scf.if %cond3A_199 {
        %dma_wait3A_200 = arith.constant 0 : i32
        %dma_wait3A_201 = arith.constant 0 : i32
        %dma_wait3A_202 = arith.constant 0 : i32
        %dma_wait3A_203 = tpu.memref_slice %arg7[%dma_wait3A_200, %dma_wait3A_201, %dma_wait3A_202] : memref<3x128x128xf32, #tpu.memory_space<vmem>> -> memref<1x2x128xf32, #tpu.memory_space<vmem>>
        %dma_wait3A_204 = tpu.memref_squeeze %dma_wait3A_203 : memref<1x2x128xf32, #tpu.memory_space<vmem>> -> memref<2x128xf32, #tpu.memory_space<vmem>>
        %dma_wait3A_205 = arith.constant 0 : i32
        %dma_wait3A_206 = arith.constant 0 : i32
        %dma_wait3A_207 = tpu.memref_slice %arg2[%dma_wait3A_205, %dma_wait3A_206] : memref<10000x128xf32, #tpu.memory_space<hbm>> -> memref<2x128xf32, #tpu.memory_space<hbm>>
        %dma_wait3A_208 = arith.constant 0 : i32
        %dma_wait3A_209 = arith.constant 0 : i32
        %dma_wait3A_210 = tpu.memref_slice %arg7[%dma_wait3A_200, %dma_wait3A_208, %dma_wait3A_209] : memref<3x128x128xf32, #tpu.memory_space<vmem>> -> memref<1x2x128xf32, #tpu.memory_space<vmem>>
        %dma_wait3A_211 = tpu.memref_squeeze %dma_wait3A_210 : memref<1x2x128xf32, #tpu.memory_space<vmem>> -> memref<2x128xf32, #tpu.memory_space<vmem>>
        %dma_wait3A_212 = arith.constant 0 : i32
        %dma_wait3A_213 = arith.constant 0 : i32
        %dma_wait3A_214 = tpu.memref_slice %arg2[%dma_wait3A_212, %dma_wait3A_213] : memref<10000x128xf32, #tpu.memory_space<hbm>> -> memref<2x128xf32, #tpu.memory_space<hbm>>
        tpu.wait_dma2 semaphore(%arg9 : memref<!tpu.dma_semaphore, #tpu.memory_space<semaphore_mem>>) src(%dma_wait3A_214 : memref<2x128xf32, #tpu.memory_space<hbm>>) dst(%dma_wait3A_211 : memref<2x128xf32, #tpu.memory_space<vmem>>)
        %add3A_215 = arith.constant 2 : i32
        %add3A_216 = arith.addi %scan3A_184, %add3A_215 : i32
        %jit3A = arith.constant 3 : i32
        %eq3A = arith.constant 0 : i32
        %eq3A_217 = arith.cmpi eq, %jit3A, %eq3A : i32
        %jit3A_218 = arith.constant 1 : i32
        %select_n3A = arith.select %eq3A_217, %jit3A_218, %jit3A : i32
        %rem3A = arith.remsi %add3A_216, %select_n3A : i32
        %ne3A = arith.constant 0 : i32
        %ne3A_219 = arith.cmpi ne, %rem3A, %ne3A : i32
        %lt3A_220 = arith.constant 0 : i32
        %lt3A_221 = arith.cmpi slt, %rem3A, %lt3A_220 : i32
        %lt3A_222 = arith.constant 0 : i32
        %lt3A_223 = arith.cmpi slt, %select_n3A, %lt3A_222 : i32
        %ne3A_224 = arith.xori %lt3A_221, %lt3A_223 : i1
        %and3A = arith.andi %ne3A_224, %ne3A_219 : i1
        %add3A_225 = arith.addi %rem3A, %select_n3A : i32
        %select_n3A_226 = arith.select %and3A, %add3A_225, %rem3A : i32
        %jit3A_227 = arith.constant 3 : i32
        %eq3A_228 = arith.constant 0 : i32
        %eq3A_229 = arith.cmpi eq, %jit3A_227, %eq3A_228 : i32
        %jit3A_230 = arith.constant 1 : i32
        %select_n3A_231 = arith.select %eq3A_229, %jit3A_230, %jit3A_227 : i32
        %rem3A_232 = arith.remsi %add3A_216, %select_n3A_231 : i32
        %ne3A_233 = arith.constant 0 : i32
        %ne3A_234 = arith.cmpi ne, %rem3A_232, %ne3A_233 : i32
        %lt3A_235 = arith.constant 0 : i32
        %lt3A_236 = arith.cmpi slt, %rem3A_232, %lt3A_235 : i32
        %lt3A_237 = arith.constant 0 : i32
        %lt3A_238 = arith.cmpi slt, %select_n3A_231, %lt3A_237 : i32
        %ne3A_239 = arith.xori %lt3A_236, %lt3A_238 : i1
        %and3A_240 = arith.andi %ne3A_239, %ne3A_234 : i1
        %add3A_241 = arith.addi %rem3A_232, %select_n3A_231 : i32
        %select_n3A_242 = arith.select %and3A_240, %add3A_241, %rem3A_232 : i32
        %dma_start3A_243 = arith.constant 0 : i32
        %dma_start3A_244 = arith.constant 0 : i32
        %dma_start3A_245 = tpu.memref_slice %arg7[%select_n3A_242, %dma_start3A_243, %dma_start3A_244] : memref<3x128x128xf32, #tpu.memory_space<vmem>> -> memref<1x128x128xf32, #tpu.memory_space<vmem>>
        %dma_start3A_246 = tpu.memref_squeeze %dma_start3A_245 : memref<1x128x128xf32, #tpu.memory_space<vmem>> -> memref<128x128xf32, #tpu.memory_space<vmem>>
        %dma_start3A_247 = arith.constant 0 : i32
        %dma_start3A_248 = tpu.memref_slice %arg5[%select_n3A_226, %dma_start3A_247] : memref<3x128xi32, #tpu.memory_space<vmem>> -> memref<1x128xi32, #tpu.memory_space<vmem>>
        %dma_start3A_249 = tpu.memref_squeeze %dma_start3A_248 : memref<1x128xi32, #tpu.memory_space<vmem>> -> memref<128xi32, #tpu.memory_space<vmem>>
        %dma_start3A_250 = arith.constant 0 : i32
        %dma_start3A_251 = arith.constant 0 : i32
        %dma_start3A_252 = tpu.memref_slice %arg2[%dma_start3A_250, %dma_start3A_251] : memref<10000x128xf32, #tpu.memory_space<hbm>> -> memref<10000x128xf32, #tpu.memory_space<hbm>>
        tpu.enqueue_indirect_dma source(%dma_start3A_252 : memref<10000x128xf32, #tpu.memory_space<hbm>>) target(%dma_start3A_246 : memref<128x128xf32, #tpu.memory_space<vmem>>) offsets(%dma_start3A_249 : memref<128xi32, #tpu.memory_space<vmem>>) semaphore(%arg10 : memref<!tpu.dma_semaphore, #tpu.memory_space<semaphore_mem>>)
      } else {
      }
    }
    %scan3A_170 = arith.constant 79 : i32
    %dma_wait3A_171 = arith.constant 0 : i32
    %dma_wait3A_172 = arith.constant 0 : i32
    %dma_wait3A_173 = arith.constant 0 : i32
    %dma_wait3A_174 = arith.constant 0 : i32
    %dma_wait3A_175 = tpu.memref_slice %arg7[%dma_wait3A_171, %dma_wait3A_173, %dma_wait3A_174] : memref<3x128x128xf32, #tpu.memory_space<vmem>> -> memref<1x128x128xf32, #tpu.memory_space<vmem>>
    %dma_wait3A_176 = tpu.memref_squeeze %dma_wait3A_175 : memref<1x128x128xf32, #tpu.memory_space<vmem>> -> memref<128x128xf32, #tpu.memory_space<vmem>>
    %dma_wait3A_177 = arith.constant 0 : i32
    %dma_wait3A_178 = tpu.memref_slice %arg6[%dma_wait3A_172, %dma_wait3A_177] : memref<4x128xi32, #tpu.memory_space<vmem>> -> memref<1x128xi32, #tpu.memory_space<vmem>>
    %dma_wait3A_179 = tpu.memref_squeeze %dma_wait3A_178 : memref<1x128xi32, #tpu.memory_space<vmem>> -> memref<128xi32, #tpu.memory_space<vmem>>
    %dma_wait3A_180 = arith.constant 0 : i32
    %dma_wait3A_181 = arith.constant 0 : i32
    %dma_wait3A_182 = tpu.memref_slice %arg8[%dma_wait3A_180, %dma_wait3A_181] : memref<10112x128xf32, #tpu.memory_space<vmem_shared>> -> memref<10112x128xf32, #tpu.memory_space<vmem_shared>>
    tpu.wait_indirect_dma semaphore(%arg11 : memref<!tpu.dma_semaphore, #tpu.memory_space<semaphore_mem>>) src(%dma_wait3A_176 : memref<128x128xf32, #tpu.memory_space<vmem>>) dst(%dma_wait3A_182 : memref<10112x128xf32, #tpu.memory_space<vmem_shared>>)
    %barrier3A_183 = arith.constant 0 : index
    tpu.barrier barrier_id(%barrier3A_183)
    "tpu.region"() ({
      %run_scoped3A_184 = tpu.sem_alloc : memref<!tpu.dma_semaphore, #tpu.memory_space<semaphore_mem>>
      %dma_start3A_185 = arith.constant 0 : i32
      %dma_start3A_186 = tpu.memref_slice %arg4[%arg0, %mul3A_150, %dma_start3A_185] : memref<2x10112x128xf32, #tpu.memory_space<hbm>> -> memref<1x632x128xf32, #tpu.memory_space<hbm>>
      %dma_start3A_187 = tpu.memref_squeeze %dma_start3A_186 : memref<1x632x128xf32, #tpu.memory_space<hbm>> -> memref<632x128xf32, #tpu.memory_space<hbm>>
      %dma_start3A_188 = arith.constant 0 : i32
      %dma_start3A_189 = tpu.memref_slice %arg8[%mul3A_150, %dma_start3A_188] : memref<10112x128xf32, #tpu.memory_space<vmem_shared>> -> memref<632x128xf32, #tpu.memory_space<vmem_shared>>
      tpu.enqueue_dma source(%dma_start3A_189 : memref<632x128xf32, #tpu.memory_space<vmem_shared>>) target(%dma_start3A_187 : memref<632x128xf32, #tpu.memory_space<hbm>>) target_semaphore(%run_scoped3A_184 : memref<!tpu.dma_semaphore, #tpu.memory_space<semaphore_mem>>)
      %dma_wait3A_190 = arith.constant 0 : i32
      %dma_wait3A_191 = tpu.memref_slice %arg4[%arg0, %mul3A_150, %dma_wait3A_190] : memref<2x10112x128xf32, #tpu.memory_space<hbm>> -> memref<1x632x128xf32, #tpu.memory_space<hbm>>
      %dma_wait3A_192 = tpu.memref_squeeze %dma_wait3A_191 : memref<1x632x128xf32, #tpu.memory_space<hbm>> -> memref<632x128xf32, #tpu.memory_space<hbm>>
      %dma_wait3A_193 = arith.constant 0 : i32
      %dma_wait3A_194 = tpu.memref_slice %arg8[%mul3A_150, %dma_wait3A_193] : memref<10112x128xf32, #tpu.memory_space<vmem_shared>> -> memref<632x128xf32, #tpu.memory_space<vmem_shared>>
      tpu.wait_dma2 semaphore(%run_scoped3A_184 : memref<!tpu.dma_semaphore, #tpu.memory_space<semaphore_mem>>) src(%dma_wait3A_194 : memref<632x128xf32, #tpu.memory_space<vmem_shared>>) dst(%dma_wait3A_192 : memref<632x128xf32, #tpu.memory_space<hbm>>)
      tpu.yield
    }) : () -> ()
    return
  }
}

module attributes {stable_mosaic.version = 14 : i64} {
  func.func @_tc_mlp_body(%arg0: i32, %arg1: memref<1x1xf32, #tpu.memory_space<smem>>, %arg2: memref<2000x128xf32, #tpu.memory_space<vmem>>, %arg3: memref<2x2000x128xf32, #tpu.memory_space<vmem>>, %arg4: memref<128x128xf32, #tpu.memory_space<vmem>>, %arg5: memref<1x128xf32, #tpu.memory_space<vmem>>, %arg6: memref<128x128xf32, #tpu.memory_space<vmem>>, %arg7: memref<1x128xf32, #tpu.memory_space<vmem>>, %arg8: memref<1x128xf32, #tpu.memory_space<vmem>>, %arg9: memref<1x128xf32, #tpu.memory_space<vmem>>, %arg10: memref<2000x128xf32, #tpu.memory_space<vmem>>) attributes {dimension_semantics = [#tpu.dimension_semantics<arbitrary>], iteration_bounds = array<i64: 5>, scalar_prefetch = 0 : i64, scratch_operands = 0 : i64, tpu.core_type = #tpu.core_type<tc>, window_params = [{transform_indices = @transform_0, window_bounds = array<i64: 1, 1>}, {transform_indices = @transform_1, window_bounds = array<i64: 2000, 128>}, {transform_indices = @transform_2, window_bounds = array<i64: 2, 2000, 128>}, {pipeline_mode = #tpu.pipeline_mode<synchronous>, transform_indices = @transform_3, window_bounds = array<i64: 128, 128>}, {pipeline_mode = #tpu.pipeline_mode<synchronous>, transform_indices = @transform_4, window_bounds = array<i64: 1, 128>}, {pipeline_mode = #tpu.pipeline_mode<synchronous>, transform_indices = @transform_5, window_bounds = array<i64: 128, 128>}, {pipeline_mode = #tpu.pipeline_mode<synchronous>, transform_indices = @transform_6, window_bounds = array<i64: 1, 128>}, {pipeline_mode = #tpu.pipeline_mode<synchronous>, transform_indices = @transform_7, window_bounds = array<i64: 1, 128>}, {pipeline_mode = #tpu.pipeline_mode<synchronous>, transform_indices = @transform_8, window_bounds = array<i64: 1, 128>}, {transform_indices = @transform_9, window_bounds = array<i64: 2000, 128>}]} {
    %get3A = arith.constant 0 : index
    %get3A_0 = arith.constant 0 : index
    %get3A_1 = memref.load %arg1[%get3A, %get3A_0] : memref<1x1xf32, #tpu.memory_space<smem>>
    %add3A = arith.constant 1.000000e+00 : f32
    %add3A_2 = arith.addf %add3A, %get3A_1 : f32
    %get3A_3 = arith.constant 0 : index
    %get3A_4 = arith.constant 0 : index
    %get3A_5 = vector.load %arg2[%get3A_3, %get3A_4] : memref<2000x128xf32, #tpu.memory_space<vmem>>, vector<2000x128xf32>
    %mul3A = vector.broadcast %add3A_2 : f32 to vector<2000x128xf32>
    %mul3A_6 = arith.mulf %mul3A, %get3A_5 : vector<2000x128xf32>
    %get3A_7 = arith.constant 0 : index
    %get3A_8 = arith.constant 0 : index
    %get3A_9 = arith.constant 0 : index
    %get3A_10 = vector.load %arg3[%get3A_7, %get3A_8, %get3A_9] : memref<2x2000x128xf32, #tpu.memory_space<vmem>>, vector<1x2000x128xf32>
    %get3A_11 = vector.shape_cast %get3A_10 : vector<1x2000x128xf32> to vector<2000x128xf32>
    %add3A_12 = arith.addf %mul3A_6, %get3A_11 : vector<2000x128xf32>
    %get3A_13 = arith.constant 1 : index
    %get3A_14 = arith.constant 0 : index
    %get3A_15 = arith.constant 0 : index
    %get3A_16 = vector.load %arg3[%get3A_13, %get3A_14, %get3A_15] : memref<2x2000x128xf32, #tpu.memory_space<vmem>>, vector<1x2000x128xf32>
    %get3A_17 = vector.shape_cast %get3A_16 : vector<1x2000x128xf32> to vector<2000x128xf32>
    %add3A_18 = arith.addf %add3A_12, %get3A_17 : vector<2000x128xf32>
    %get3A_19 = arith.constant 0 : index
    %get3A_20 = arith.constant 0 : index
    %get3A_21 = vector.load %arg4[%get3A_19, %get3A_20] : memref<128x128xf32, #tpu.memory_space<vmem>>, vector<128x128xf32>
    %dot_general3A = arith.constant dense<0.000000e+00> : vector<2000x128xf32>
    %dot_general3A_22 = tpu.matmul %add3A_18, %get3A_21, %dot_general3A {dimension_numbers = #tpu.dot_dimension_numbers<[1], [0], [0], [1], [0, 0, 1, 1], [], []>, transpose_lhs_hint = false} : vector<2000x128xf32>, vector<128x128xf32>, vector<2000x128xf32> -> vector<2000x128xf32>
    %get3A_23 = arith.constant 0 : index
    %get3A_24 = arith.constant 0 : index
    %get3A_25 = vector.load %arg5[%get3A_23, %get3A_24] : memref<1x128xf32, #tpu.memory_space<vmem>>, vector<1x128xf32>
    %add3A_26 = vector.broadcast %get3A_25 : vector<1x128xf32> to vector<2000x128xf32>
    %add3A_27 = arith.addf %dot_general3A_22, %add3A_26 : vector<2000x128xf32>
    %max3A = arith.constant 0.000000e+00 : f32
    %max3A_28 = vector.broadcast %max3A : f32 to vector<2000x128xf32>
    %max3A_29 = arith.maximumf %add3A_27, %max3A_28 : vector<2000x128xf32>
    %get3A_30 = arith.constant 0 : index
    %get3A_31 = arith.constant 0 : index
    %get3A_32 = vector.load %arg6[%get3A_30, %get3A_31] : memref<128x128xf32, #tpu.memory_space<vmem>>, vector<128x128xf32>
    %dot_general3A_33 = arith.constant dense<0.000000e+00> : vector<2000x128xf32>
    %dot_general3A_34 = tpu.matmul %max3A_29, %get3A_32, %dot_general3A_33 {dimension_numbers = #tpu.dot_dimension_numbers<[1], [0], [0], [1], [0, 0, 1, 1], [], []>, transpose_lhs_hint = false} : vector<2000x128xf32>, vector<128x128xf32>, vector<2000x128xf32> -> vector<2000x128xf32>
    %get3A_35 = arith.constant 0 : index
    %get3A_36 = arith.constant 0 : index
    %get3A_37 = vector.load %arg7[%get3A_35, %get3A_36] : memref<1x128xf32, #tpu.memory_space<vmem>>, vector<1x128xf32>
    %add3A_38 = vector.broadcast %get3A_37 : vector<1x128xf32> to vector<2000x128xf32>
    %add3A_39 = arith.addf %dot_general3A_34, %add3A_38 : vector<2000x128xf32>
    %reduce_sum3A = arith.constant dense<0.000000e+00> : vector<2000xf32>
    %reduce_sum3A_40 = vector.multi_reduction <add>, %add3A_39, %reduce_sum3A [1] : vector<2000x128xf32> to vector<2000xf32>
    %broadcast_in_dim3A = vector.shape_cast %reduce_sum3A_40 : vector<2000xf32> to vector<2000x1xf32>
    %div3A = arith.constant 1.280000e+02 : f32
    %div3A_41 = vector.broadcast %div3A : f32 to vector<2000x1xf32>
    %div3A_42 = arith.divf %broadcast_in_dim3A, %div3A_41 : vector<2000x1xf32>
    %sub3A = vector.broadcast %div3A_42 : vector<2000x1xf32> to vector<2000x128xf32>
    %sub3A_43 = arith.subf %add3A_39, %sub3A : vector<2000x128xf32>
    %integer_pow3A = arith.mulf %sub3A_43, %sub3A_43 : vector<2000x128xf32>
    %reduce_sum3A_44 = arith.constant dense<0.000000e+00> : vector<2000xf32>
    %reduce_sum3A_45 = vector.multi_reduction <add>, %integer_pow3A, %reduce_sum3A_44 [1] : vector<2000x128xf32> to vector<2000xf32>
    %broadcast_in_dim3A_46 = vector.shape_cast %reduce_sum3A_45 : vector<2000xf32> to vector<2000x1xf32>
    %div3A_47 = arith.constant 1.280000e+02 : f32
    %div3A_48 = vector.broadcast %div3A_47 : f32 to vector<2000x1xf32>
    %div3A_49 = arith.divf %broadcast_in_dim3A_46, %div3A_48 : vector<2000x1xf32>
    %sub3A_50 = vector.broadcast %div3A_42 : vector<2000x1xf32> to vector<2000x128xf32>
    %sub3A_51 = arith.subf %add3A_39, %sub3A_50 : vector<2000x128xf32>
    %add3A_52 = arith.constant 9.99999974E-6 : f32
    %add3A_53 = vector.broadcast %add3A_52 : f32 to vector<2000x1xf32>
    %add3A_54 = arith.addf %div3A_49, %add3A_53 : vector<2000x1xf32>
    %rsqrt3A = math.rsqrt %add3A_54 : vector<2000x1xf32>
    %mul3A_55 = vector.broadcast %rsqrt3A : vector<2000x1xf32> to vector<2000x128xf32>
    %mul3A_56 = arith.mulf %sub3A_51, %mul3A_55 : vector<2000x128xf32>
    %get3A_57 = arith.constant 0 : index
    %get3A_58 = arith.constant 0 : index
    %get3A_59 = vector.load %arg8[%get3A_57, %get3A_58] : memref<1x128xf32, #tpu.memory_space<vmem>>, vector<1x128xf32>
    %mul3A_60 = vector.broadcast %get3A_59 : vector<1x128xf32> to vector<2000x128xf32>
    %mul3A_61 = arith.mulf %mul3A_56, %mul3A_60 : vector<2000x128xf32>
    %get3A_62 = arith.constant 0 : index
    %get3A_63 = arith.constant 0 : index
    %get3A_64 = vector.load %arg9[%get3A_62, %get3A_63] : memref<1x128xf32, #tpu.memory_space<vmem>>, vector<1x128xf32>
    %add3A_65 = vector.broadcast %get3A_64 : vector<1x128xf32> to vector<2000x128xf32>
    %add3A_66 = arith.addf %mul3A_61, %add3A_65 : vector<2000x128xf32>
    %max3A_67 = arith.constant 0.000000e+00 : f32
    %max3A_68 = vector.broadcast %max3A_67 : f32 to vector<2000x128xf32>
    %max3A_69 = arith.maximumf %add3A_66, %max3A_68 : vector<2000x128xf32>
    %get3A_70 = arith.constant 0 : index
    %get3A_71 = arith.constant 0 : index
    %get3A_72 = vector.load %arg2[%get3A_70, %get3A_71] : memref<2000x128xf32, #tpu.memory_space<vmem>>, vector<2000x128xf32>
    %add3A_73 = arith.addf %max3A_69, %get3A_72 : vector<2000x128xf32>
    %swap3A = arith.constant 0 : index
    %swap3A_74 = arith.constant 0 : index
    %swap3A_75 = vector.load %arg10[%swap3A, %swap3A_74] : memref<2000x128xf32, #tpu.memory_space<vmem>>, vector<2000x128xf32>
    tpu.vector_store %arg10[%swap3A, %swap3A_74], %add3A_73 {strides = array<i32>} : memref<2000x128xf32, #tpu.memory_space<vmem>>, vector<2000x128xf32>,
    return
  }
  func.func @transform_0(%arg0: i32) -> (i32, i32) {
    %c0_i32 = arith.constant 0 : i32
    %c0_i32_0 = arith.constant 0 : i32
    %c0_i32_1 = arith.constant 0 : i32
    return %c0_i32, %c0_i32_0 : i32, i32
  }
  func.func @transform_1(%arg0: i32) -> (i32, i32) {
    %c0_i32 = arith.constant 0 : i32
    %c0_i32_0 = arith.constant 0 : i32
    return %arg0, %c0_i32 : i32, i32
  }
  func.func @transform_2(%arg0: i32) -> (i32, i32, i32) {
    %c0_i32 = arith.constant 0 : i32
    %c0_i32_0 = arith.constant 0 : i32
    %c0_i32_1 = arith.constant 0 : i32
    return %c0_i32, %arg0, %c0_i32_0 : i32, i32, i32
  }
  func.func @transform_3(%arg0: i32) -> (i32, i32) {
    %c0_i32 = arith.constant 0 : i32
    %c0_i32_0 = arith.constant 0 : i32
    %c0_i32_1 = arith.constant 0 : i32
    return %c0_i32, %c0_i32_0 : i32, i32
  }
  func.func @transform_4(%arg0: i32) -> (i32, i32) {
    %c0_i32 = arith.constant 0 : i32
    %c0_i32_0 = arith.constant 0 : i32
    %c0_i32_1 = arith.constant 0 : i32
    return %c0_i32, %c0_i32_0 : i32, i32
  }
  func.func @transform_5(%arg0: i32) -> (i32, i32) {
    %c0_i32 = arith.constant 0 : i32
    %c0_i32_0 = arith.constant 0 : i32
    %c0_i32_1 = arith.constant 0 : i32
    return %c0_i32, %c0_i32_0 : i32, i32
  }
  func.func @transform_6(%arg0: i32) -> (i32, i32) {
    %c0_i32 = arith.constant 0 : i32
    %c0_i32_0 = arith.constant 0 : i32
    %c0_i32_1 = arith.constant 0 : i32
    return %c0_i32, %c0_i32_0 : i32, i32
  }
  func.func @transform_7(%arg0: i32) -> (i32, i32) {
    %c0_i32 = arith.constant 0 : i32
    %c0_i32_0 = arith.constant 0 : i32
    %c0_i32_1 = arith.constant 0 : i32
    return %c0_i32, %c0_i32_0 : i32, i32
  }
  func.func @transform_8(%arg0: i32) -> (i32, i32) {
    %c0_i32 = arith.constant 0 : i32
    %c0_i32_0 = arith.constant 0 : i32
    %c0_i32_1 = arith.constant 0 : i32
    return %c0_i32, %c0_i32_0 : i32, i32
  }
  func.func @transform_9(%arg0: i32) -> (i32, i32) {
    %c0_i32 = arith.constant 0 : i32
    %c0_i32_0 = arith.constant 0 : i32
    return %arg0, %c0_i32 : i32, i32
  }
}

module attributes {stable_mosaic.version = 14 : i64} {
  func.func @_tc_mlp_body(%arg0: i32, %arg1: memref<1x1xf32, #tpu.memory_space<smem>>, %arg2: memref<2000x128xf32, #tpu.memory_space<vmem>>, %arg3: memref<2x2000x128xf32, #tpu.memory_space<vmem>>, %arg4: memref<128x128xf32, #tpu.memory_space<vmem>>, %arg5: memref<1x128xf32, #tpu.memory_space<vmem>>, %arg6: memref<128x128xf32, #tpu.memory_space<vmem>>, %arg7: memref<1x128xf32, #tpu.memory_space<vmem>>, %arg8: memref<1x128xf32, #tpu.memory_space<vmem>>, %arg9: memref<1x128xf32, #tpu.memory_space<vmem>>, %arg10: memref<2000x128xf32, #tpu.memory_space<vmem>>) attributes {dimension_semantics = [#tpu.dimension_semantics<arbitrary>], iteration_bounds = array<i64: 5>, scalar_prefetch = 0 : i64, scratch_operands = 0 : i64, tpu.core_type = #tpu.core_type<tc>, window_params = [{transform_indices = @transform_0, window_bounds = array<i64: 1, 1>}, {transform_indices = @transform_1, window_bounds = array<i64: 2000, 128>}, {transform_indices = @transform_2, window_bounds = array<i64: 2, 2000, 128>}, {pipeline_mode = #tpu.pipeline_mode<synchronous>, transform_indices = @transform_3, window_bounds = array<i64: 128, 128>}, {pipeline_mode = #tpu.pipeline_mode<synchronous>, transform_indices = @transform_4, window_bounds = array<i64: 1, 128>}, {pipeline_mode = #tpu.pipeline_mode<synchronous>, transform_indices = @transform_5, window_bounds = array<i64: 128, 128>}, {pipeline_mode = #tpu.pipeline_mode<synchronous>, transform_indices = @transform_6, window_bounds = array<i64: 1, 128>}, {pipeline_mode = #tpu.pipeline_mode<synchronous>, transform_indices = @transform_7, window_bounds = array<i64: 1, 128>}, {pipeline_mode = #tpu.pipeline_mode<synchronous>, transform_indices = @transform_8, window_bounds = array<i64: 1, 128>}, {transform_indices = @transform_9, window_bounds = array<i64: 2000, 128>}]} {
    %get3A = arith.constant 0 : index
    %get3A_0 = arith.constant 0 : index
    %get3A_1 = memref.load %arg1[%get3A, %get3A_0] : memref<1x1xf32, #tpu.memory_space<smem>>
    %add3A = arith.constant 1.000000e+00 : f32
    %add3A_2 = arith.addf %add3A, %get3A_1 : f32
    %get3A_3 = arith.constant 0 : index
    %get3A_4 = arith.constant 0 : index
    %get3A_5 = vector.load %arg2[%get3A_3, %get3A_4] : memref<2000x128xf32, #tpu.memory_space<vmem>>, vector<2000x128xf32>
    %mul3A = vector.broadcast %add3A_2 : f32 to vector<2000x128xf32>
    %mul3A_6 = arith.mulf %mul3A, %get3A_5 : vector<2000x128xf32>
    %get3A_7 = arith.constant 0 : index
    %get3A_8 = arith.constant 0 : index
    %get3A_9 = arith.constant 0 : index
    %get3A_10 = vector.load %arg3[%get3A_7, %get3A_8, %get3A_9] : memref<2x2000x128xf32, #tpu.memory_space<vmem>>, vector<1x2000x128xf32>
    %get3A_11 = vector.shape_cast %get3A_10 : vector<1x2000x128xf32> to vector<2000x128xf32>
    %add3A_12 = arith.addf %mul3A_6, %get3A_11 : vector<2000x128xf32>
    %get3A_13 = arith.constant 1 : index
    %get3A_14 = arith.constant 0 : index
    %get3A_15 = arith.constant 0 : index
    %get3A_16 = vector.load %arg3[%get3A_13, %get3A_14, %get3A_15] : memref<2x2000x128xf32, #tpu.memory_space<vmem>>, vector<1x2000x128xf32>
    %get3A_17 = vector.shape_cast %get3A_16 : vector<1x2000x128xf32> to vector<2000x128xf32>
    %add3A_18 = arith.addf %add3A_12, %get3A_17 : vector<2000x128xf32>
    %get3A_19 = arith.constant 0 : index
    %get3A_20 = arith.constant 0 : index
    %get3A_21 = vector.load %arg4[%get3A_19, %get3A_20] : memref<128x128xf32, #tpu.memory_space<vmem>>, vector<128x128xf32>
    %dot_general3A = arith.constant dense<0.000000e+00> : vector<2000x128xf32>
    %dot_general3A_22 = tpu.matmul %add3A_18, %get3A_21, %dot_general3A {dimension_numbers = #tpu.dot_dimension_numbers<[1], [0], [0], [1], [0, 0, 1, 1], [], []>, transpose_lhs_hint = false} : vector<2000x128xf32>, vector<128x128xf32>, vector<2000x128xf32> -> vector<2000x128xf32>
    %get3A_23 = arith.constant 0 : index
    %get3A_24 = arith.constant 0 : index
    %get3A_25 = vector.load %arg5[%get3A_23, %get3A_24] : memref<1x128xf32, #tpu.memory_space<vmem>>, vector<1x128xf32>
    %add3A_26 = vector.broadcast %get3A_25 : vector<1x128xf32> to vector<2000x128xf32>
    %add3A_27 = arith.addf %dot_general3A_22, %add3A_26 : vector<2000x128xf32>
    %max3A = arith.constant 0.000000e+00 : f32
    %max3A_28 = vector.broadcast %max3A : f32 to vector<2000x128xf32>
    %max3A_29 = arith.maximumf %add3A_27, %max3A_28 : vector<2000x128xf32>
    %get3A_30 = arith.constant 0 : index
    %get3A_31 = arith.constant 0 : index
    %get3A_32 = vector.load %arg6[%get3A_30, %get3A_31] : memref<128x128xf32, #tpu.memory_space<vmem>>, vector<128x128xf32>
    %dot_general3A_33 = arith.constant dense<0.000000e+00> : vector<2000x128xf32>
    %dot_general3A_34 = tpu.matmul %max3A_29, %get3A_32, %dot_general3A_33 {dimension_numbers = #tpu.dot_dimension_numbers<[1], [0], [0], [1], [0, 0, 1, 1], [], []>, transpose_lhs_hint = false} : vector<2000x128xf32>, vector<128x128xf32>, vector<2000x128xf32> -> vector<2000x128xf32>
    %get3A_35 = arith.constant 0 : index
    %get3A_36 = arith.constant 0 : index
    %get3A_37 = vector.load %arg7[%get3A_35, %get3A_36] : memref<1x128xf32, #tpu.memory_space<vmem>>, vector<1x128xf32>
    %add3A_38 = vector.broadcast %get3A_37 : vector<1x128xf32> to vector<2000x128xf32>
    %add3A_39 = arith.addf %dot_general3A_34, %add3A_38 : vector<2000x128xf32>
    %reduce_sum3A = arith.constant dense<0.000000e+00> : vector<2000xf32>
    %reduce_sum3A_40 = vector.multi_reduction <add>, %add3A_39, %reduce_sum3A [1] : vector<2000x128xf32> to vector<2000xf32>
    %broadcast_in_dim3A = vector.shape_cast %reduce_sum3A_40 : vector<2000xf32> to vector<2000x1xf32>
    %div3A = arith.constant 1.280000e+02 : f32
    %div3A_41 = vector.broadcast %div3A : f32 to vector<2000x1xf32>
    %div3A_42 = arith.divf %broadcast_in_dim3A, %div3A_41 : vector<2000x1xf32>
    %sub3A = vector.broadcast %div3A_42 : vector<2000x1xf32> to vector<2000x128xf32>
    %sub3A_43 = arith.subf %add3A_39, %sub3A : vector<2000x128xf32>
    %integer_pow3A = arith.mulf %sub3A_43, %sub3A_43 : vector<2000x128xf32>
    %reduce_sum3A_44 = arith.constant dense<0.000000e+00> : vector<2000xf32>
    %reduce_sum3A_45 = vector.multi_reduction <add>, %integer_pow3A, %reduce_sum3A_44 [1] : vector<2000x128xf32> to vector<2000xf32>
    %broadcast_in_dim3A_46 = vector.shape_cast %reduce_sum3A_45 : vector<2000xf32> to vector<2000x1xf32>
    %div3A_47 = arith.constant 1.280000e+02 : f32
    %div3A_48 = vector.broadcast %div3A_47 : f32 to vector<2000x1xf32>
    %div3A_49 = arith.divf %broadcast_in_dim3A_46, %div3A_48 : vector<2000x1xf32>
    %sub3A_50 = vector.broadcast %div3A_42 : vector<2000x1xf32> to vector<2000x128xf32>
    %sub3A_51 = arith.subf %add3A_39, %sub3A_50 : vector<2000x128xf32>
    %add3A_52 = arith.constant 9.99999974E-6 : f32
    %add3A_53 = vector.broadcast %add3A_52 : f32 to vector<2000x1xf32>
    %add3A_54 = arith.addf %div3A_49, %add3A_53 : vector<2000x1xf32>
    %rsqrt3A = math.rsqrt %add3A_54 : vector<2000x1xf32>
    %mul3A_55 = vector.broadcast %rsqrt3A : vector<2000x1xf32> to vector<2000x128xf32>
    %mul3A_56 = arith.mulf %sub3A_51, %mul3A_55 : vector<2000x128xf32>
    %get3A_57 = arith.constant 0 : index
    %get3A_58 = arith.constant 0 : index
    %get3A_59 = vector.load %arg8[%get3A_57, %get3A_58] : memref<1x128xf32, #tpu.memory_space<vmem>>, vector<1x128xf32>
    %mul3A_60 = vector.broadcast %get3A_59 : vector<1x128xf32> to vector<2000x128xf32>
    %mul3A_61 = arith.mulf %mul3A_56, %mul3A_60 : vector<2000x128xf32>
    %get3A_62 = arith.constant 0 : index
    %get3A_63 = arith.constant 0 : index
    %get3A_64 = vector.load %arg9[%get3A_62, %get3A_63] : memref<1x128xf32, #tpu.memory_space<vmem>>, vector<1x128xf32>
    %add3A_65 = vector.broadcast %get3A_64 : vector<1x128xf32> to vector<2000x128xf32>
    %add3A_66 = arith.addf %mul3A_61, %add3A_65 : vector<2000x128xf32>
    %max3A_67 = arith.constant 0.000000e+00 : f32
    %max3A_68 = vector.broadcast %max3A_67 : f32 to vector<2000x128xf32>
    %max3A_69 = arith.maximumf %add3A_66, %max3A_68 : vector<2000x128xf32>
    %get3A_70 = arith.constant 0 : index
    %get3A_71 = arith.constant 0 : index
    %get3A_72 = vector.load %arg2[%get3A_70, %get3A_71] : memref<2000x128xf32, #tpu.memory_space<vmem>>, vector<2000x128xf32>
    %add3A_73 = arith.addf %max3A_69, %get3A_72 : vector<2000x128xf32>
    %swap3A = arith.constant 0 : index
    %swap3A_74 = arith.constant 0 : index
    %swap3A_75 = vector.load %arg10[%swap3A, %swap3A_74] : memref<2000x128xf32, #tpu.memory_space<vmem>>, vector<2000x128xf32>
    tpu.vector_store %arg10[%swap3A, %swap3A_74], %add3A_73 {strides = array<i32>} : memref<2000x128xf32, #tpu.memory_space<vmem>>, vector<2000x128xf32>,
    return
  }
  func.func @transform_0(%arg0: i32) -> (i32, i32) {
    %c0_i32 = arith.constant 0 : i32
    %c0_i32_0 = arith.constant 0 : i32
    %c0_i32_1 = arith.constant 0 : i32
    return %c0_i32, %c0_i32_0 : i32, i32
  }
  func.func @transform_1(%arg0: i32) -> (i32, i32) {
    %c0_i32 = arith.constant 0 : i32
    %c0_i32_0 = arith.constant 0 : i32
    return %arg0, %c0_i32 : i32, i32
  }
  func.func @transform_2(%arg0: i32) -> (i32, i32, i32) {
    %c0_i32 = arith.constant 0 : i32
    %c0_i32_0 = arith.constant 0 : i32
    %c0_i32_1 = arith.constant 0 : i32
    return %c0_i32, %arg0, %c0_i32_0 : i32, i32, i32
  }
  func.func @transform_3(%arg0: i32) -> (i32, i32) {
    %c0_i32 = arith.constant 0 : i32
    %c0_i32_0 = arith.constant 0 : i32
    %c0_i32_1 = arith.constant 0 : i32
    return %c0_i32, %c0_i32_0 : i32, i32
  }
  func.func @transform_4(%arg0: i32) -> (i32, i32) {
    %c0_i32 = arith.constant 0 : i32
    %c0_i32_0 = arith.constant 0 : i32
    %c0_i32_1 = arith.constant 0 : i32
    return %c0_i32, %c0_i32_0 : i32, i32
  }
  func.func @transform_5(%arg0: i32) -> (i32, i32) {
    %c0_i32 = arith.constant 0 : i32
    %c0_i32_0 = arith.constant 0 : i32
    %c0_i32_1 = arith.constant 0 : i32
    return %c0_i32, %c0_i32_0 : i32, i32
  }
  func.func @transform_6(%arg0: i32) -> (i32, i32) {
    %c0_i32 = arith.constant 0 : i32
    %c0_i32_0 = arith.constant 0 : i32
    %c0_i32_1 = arith.constant 0 : i32
    return %c0_i32, %c0_i32_0 : i32, i32
  }
  func.func @transform_7(%arg0: i32) -> (i32, i32) {
    %c0_i32 = arith.constant 0 : i32
    %c0_i32_0 = arith.constant 0 : i32
    %c0_i32_1 = arith.constant 0 : i32
    return %c0_i32, %c0_i32_0 : i32, i32
  }
  func.func @transform_8(%arg0: i32) -> (i32, i32) {
    %c0_i32 = arith.constant 0 : i32
    %c0_i32_0 = arith.constant 0 : i32
    %c0_i32_1 = arith.constant 0 : i32
    return %c0_i32, %c0_i32_0 : i32, i32
  }
  func.func @transform_9(%arg0: i32) -> (i32, i32) {
    %c0_i32 = arith.constant 0 : i32
    %c0_i32_0 = arith.constant 0 : i32
    return %arg0, %c0_i32 : i32, i32
  }
}

</mosaic_0001>

<sc_bundles>
// kernel: kernel.11.cloned.1.call-start
scs
__scs_entry_jumppad:
0x0: {  	(pc) =	sbr.rel $0x88, $3  }
0x1: {  	(tag) =	ssettag $0x0;
	lr =	simm.s32 $0x1  }
0x2: {  	[smem:$0x3F8E] =	sst lr;
	_ =	strace $0xD0000000  }
0x3: {  	_ = 	snop  }
0x4: {  	_ = 	snop  }
0x5: {  	_ = 	snop  }
0x6: {  	_ = 	snop  }
0x7: {  	_ = 	snop  }
__scs_overlays_trampoline_lowered:
0x8: {  	[smem:$0x3F9D] =	sst s0  }
0x9: {  	[smem:$0x3F9E] =	sst s1  }
0xa: {  	[smem:$0x3F9F] =	sst s2  }
0xb: {  	[smem:$0x3FA0] =	sst s3  }
0xc: {  	[smem:$0x3FA1] =	sst s4  }
0xd: {  	[smem:$0x3FA2] =	sst s5  }
0xe: {  	[smem:$0x3FA3] =	sst s6  }
0xf: {  	[smem:$0x3FA4] =	sst s7  }
0x10: {  	[smem:$0x3FA5] =	sst s8  }
0x11: {  	[smem:$0x3FA6] =	sst s9;
	s0 =	simm.s32 @!p0 $0x0  }
0x12: {  	s1 =	sld [smem:$0x3F8C];
	s0 =	simm.s32 @p0 $0x1  }
0x13: {  	[smem:$0x3FA7] =	sst s0;
	s0 =	simm.s32 @!p1 $0x0  }
0x14: {  	s2 =	sld [smem:$0x3F8B];
	s0 =	simm.s32 @p1 $0x1  }
0x15: {  	[smem:$0x3FA8] =	sst s0;
	s0 =	simm.s32 @!p2 $0x0  }
0x16: {  	s3 =	sld [smem:$0x3FDB];
	s0 =	simm.s32 @p2 $0x1  }
0x17: {  	s4 =	simm.s32 $0x1BF5;
	[smem:$0x3FAA] =	sst s0  }
0x18: {  	s0 =	sld [smem:$0x3F8D];
	_ =	swait.ge [sflag:s4], $0x0  }
0x19: {  	s7 =	sld [smem:$0x3F8E]  }
0x1a: {  	s8 =	sadd.s32 $0xFFFFE003, lr  }
0x1b: {  	s9 =	sadd.s32 $0xFFFFFEF7, lr;
	s5 =	simm.s32 $0xFFFFFFFF;
	p2 =	slt.u32 s8, $0xFFFFF086  }
0x1c: {  	p1 =	slt.u32 s9, $0xF7A;
	s5 =	simm.s32 @!p2 $0x0  }
0x1d: {  	s5 =	simm.s32 @p1 $0x1;
	p0 =	seq.s32 s7, s2  }
0x1e: {  	s7 =	smul.u32 @!p0 $0xF7A, s2;
	p2 =	seq.s32 @!p0 s5, $0x0  }
0x1f: {  	s9 =	smul.u32 $0xF7A, s1;
	s8 =	simm.s32 @!p0 $0x1BF5;
	p2 =	por !p2, p0  }
0x20: {  	[sflag:s8] =	ssyncset.s32 @!p0 $0xFFFFF086;
	s6 =	sadd.s32 @!p0 s3, s7;
	s7 =	simm.s32 @!p0 $0x108  }
0x21: {  	s3 =	sadd.s32 s3, s9;
	s6 =	sadd.s32 @!p0 $0x88, s6;
	s7 =	simm.s32 @p2 $0x1082  }
0x22: {  	[simem:s7], [sflag:s8] =	dma.local @!p0 [hbm:s6], $0xF7A  }
0x23: {  	s9 =	sor.u32 $0xD0000000, s2;
	s6 =	simm.s32 $0x108;
	_ =	swait.ge @!p0 [sflag:s8], $0x0  }
0x24: {  	s3 =	sadd.s32 $0x88, s3;
	s6 =	simm.s32 @!p1 $0x1082;
	[sflag:s4] =	ssyncset.s32 $0xFFFFF086  }
0x25: {  	[simem:s6], [sflag:s4] =	dma.local [hbm:s3], $0xF7A  }
0x26: {  	[smem:$0x3F8E] =	sst s1;
	(tag) =	ssettag s2;
	_ =	strace s9  }
0x27: {  	s1 =	sld [smem:$0x3F9E]  }
0x28: {  	s2 =	sld [smem:$0x3F9F]  }
0x29: {  	s4 =	sld [smem:$0x3FA1]  }
0x2a: {  	p0 =	seq.s32 s5, $0x0;
	s5 =	sld [smem:$0x3FA2]  }
0x2b: {  	s6 =	sld [smem:$0x3FA3]  }
0x2c: {  	s7 =	sld [smem:$0x3FA4]  }
0x2d: {  	s3 =	simm.s32 $0x108;
	s8 =	sld [smem:$0x3FA5]  }
0x2e: {  	s3 =	simm.s32 @!p0 $0x1082;
	s9 =	sld [smem:$0x3FA6]  }
0x2f: {  	lr =	sadd.s32 s0, s3;
	s0 =	sld [smem:$0x3F9D]  }
0x30: {  	s3 =	sld [smem:$0x3FA0]  }
0x31: {  	[smem:$0x3FA9] =	sst s10  }
0x32: {  	s10 =	sld [smem:$0x3FA7];
	_ =	sdelay $0x3  }
0x33: {  	p0 =	seq.s32 s10, $0x1;
	s10 =	sld [smem:$0x3FA9];
	_ =	sdelay $0x3  }
0x34: {  	[smem:$0x3FA9] =	sst s10  }
0x35: {  	s10 =	sld [smem:$0x3FA8];
	_ =	sdelay $0x3  }
0x36: {  	p1 =	seq.s32 s10, $0x1;
	s10 =	sld [smem:$0x3FA9];
	_ =	sdelay $0x3  }
0x37: {  	[smem:$0x3FA9] =	sst s10  }
0x38: {  	s10 =	sld [smem:$0x3FAA]  }
0x39: {  	_ = 	snop;
	(pc) =	sbr.ind lr, $3  }
0x3a: {  	_ = 	snop  }
0x3b: {  	_ = 	snop  }
0x3c: {  	p2 =	seq.s32 s10, $0x1;
	s10 =	sld [smem:$0x3FA9]  }
0x3d: {  	_ =	shalt  }
0x3e: {  	_ =	shalt  }
0x3f: {  	_ =	shalt  }
0x40: {  	_ =	shalt  }
0x41: {  	_ =	shalt  }
0x42: {  	_ =	shalt  }
0x43: {  	_ =	shalt  }
0x44: {  	_ =	shalt  }
0x45: {  	_ =	shalt  }
0x46: {  	_ =	shalt  }
0x47: {  	_ =	shalt  }
0x48: {  	_ =	shalt  }
0x49: {  	_ =	shalt  }
0x4a: {  	_ =	shalt  }
0x4b: {  	_ =	shalt  }
0x4c: {  	_ =	shalt  }
0x4d: {  	_ =	shalt  }
0x4e: {  	_ =	shalt  }
0x4f: {  	_ =	shalt  }
0x50: {  	_ =	shalt  }
0x51: {  	_ =	shalt  }
0x52: {  	_ =	shalt  }
0x53: {  	_ =	shalt  }
0x54: {  	_ =	shalt  }
0x55: {  	_ =	shalt  }
0x56: {  	_ =	shalt  }
0x57: {  	_ =	shalt  }
0x58: {  	_ =	shalt  }
0x59: {  	_ =	shalt  }
0x5a: {  	_ =	shalt  }
0x5b: {  	_ =	shalt  }
0x5c: {  	_ =	shalt  }
0x5d: {  	_ =	shalt  }
0x5e: {  	_ =	shalt  }
0x5f: {  	_ =	shalt  }
0x60: {  	_ =	shalt  }
0x61: {  	_ =	shalt  }
0x62: {  	_ =	shalt  }
0x63: {  	_ =	shalt  }
0x64: {  	_ =	shalt  }
0x65: {  	_ =	shalt  }
0x66: {  	_ =	shalt  }
0x67: {  	_ =	shalt  }
0x68: {  	_ =	shalt  }
0x69: {  	_ =	shalt  }
0x6a: {  	_ =	shalt  }
0x6b: {  	_ =	shalt  }
0x6c: {  	_ =	shalt  }
0x6d: {  	_ =	shalt  }
0x6e: {  	_ =	shalt  }
0x6f: {  	_ =	shalt  }
0x70: {  	_ =	shalt  }
0x71: {  	_ =	shalt  }
0x72: {  	_ =	shalt  }
0x73: {  	_ =	shalt  }
0x74: {  	_ =	shalt  }
0x75: {  	_ =	shalt  }
0x76: {  	_ =	shalt  }
0x77: {  	_ =	shalt  }
0x78: {  	_ =	shalt  }
0x79: {  	_ =	shalt  }
0x7a: {  	_ =	shalt  }
0x7b: {  	_ =	shalt  }
0x7c: {  	_ =	shalt  }
0x7d: {  	_ =	shalt  }
0x7e: {  	_ =	shalt  }
0x7f: {  	_ =	shalt  }
0x80: {  	_ =	shalt  }
0x81: {  	_ =	shalt  }
0x82: {  	_ =	shalt  }
0x83: {  	_ =	shalt  }
0x84: {  	_ =	shalt  }
0x85: {  	_ =	shalt  }
0x86: {  	_ =	shalt  }
0x87: {  	_ =	shalt  }
.Lfunc_end0:
.L_simem_size_0:
called_computation.1_lowered:
.L_overlay_start_0:
0x88: {  	s2 =	sld [smem:$0x3FD9]  }
0x89: {  	s3 =	sld [smem:$0x3FFE];
	_ =	sdelay $0x1  }
0x8a: {  	s1 =	srdreg.scid  }
0x8b: {  	s0 =	sand.u32 $0x1, s1  }
0x8c: {  	s17 =	sshll.u32 s0, $0xA;
	s2 =	sadd.s32 s3, s2  }
0x8d: {  	s2 =	sadd.s32 s2, s17  }
0x8e: {  	[smem:$0x3FB5] =	sst s2  }
0x8f: {  	_ = 	snop  }
0x90: {  	s2 =	sld [smem:$0x3FC8]  }
0x91: {  	s18 =	sld [smem:$0x3FD0];
	(tm) =	ssettm $0x1  }
0x92: {  	s4 =	sld [smem:$0x3FFB];
	_ =	sdelay $0x3  }
0x93: {  	_ =	strace s4  }
0x94: {  	s4 =	sld [smem:$0x3FFC];
	_ =	sdelay $0x3  }
0x95: {  	_ =	strace s4  }
0x96: {  	s4 =	sld [smem:$0x3FFD];
	_ =	sdelay $0x3  }
0x97: {  	_ =	strace s4  }
0x98: {  	_ =	strace $0x8FFFFFFF  }
0x99: {  	s19 =	sld [smem:$0x3FDB];
	_ =	sdelay $0x1  }
0x9a: {  	s5 =	simm.s32 $_scs_section_size  }
0x9b: {  	s6 =	simm.s32 $_size__tile_overlayer_lowered;
	s7 =	simm.s32 $_tile_overlayer_lowered  }
0x9c: {  	s22 =	simm.s32 $0x1BFF;
	s21 =	sshll.u32 s7, $0x1;
	s4 =	sadd.s32 s5, s19  }
0x9d: {  	s8 =	simm.s32 $0x0;
	s20 =	sshll.u32 s6, $0x1;
	s6 =	sadd.s32 s21, s4  }
0x9e: {  	[timem:s8], [sflag:s22] =	dma.local [hbm:s6], s20  }
0x9f: {  	_ =	swait.ge [sflag:s22], s20  }
0xa0: {  	s5 =	ssub.s32 $0x0, s20;
	[sflag:s22] =	ssyncset.done $0x0  }
0xa1: {  	[sflag:s22] =	ssyncadd.s32 s5;
	_ =	sdelay $0x1  }
0xa2: {  	s23 =	simm.s32 $0x1B8B  }
0xa3: {  	_ =	swait.ge [sflag:s23], $0x1  }
0xa4: {  	[sflag:s23] =	ssyncset.done $0x0  }
0xa5: {  	s25 =	simm.s32 $0x1B8E;
	s24 =	sld [smem:$0x3FFE];
	[sflag:s23] =	ssyncadd.s32 $0xFFFFFFFF  }
0xa6: {  	s26 =	simm.s32 $execute0_lowered;
	[smem:$0x3FD2] =	sst s25  }
0xa7: {  	s6 =	sshll.u32 s26, $0x1;
	_ =	strace $0x80000049;
	[dreg:$0x1] =	wrdreg $0xFFFFFFFF  }
0xa8: {  	s28 =	simm.s32 $_size_execute0_lowered;
	s4 =	sadd.s32 s4, s6;
	[dreg:$0x0] =	wrdreg $0x0  }
0xa9: {  	s6 =	sshll.u32 s28, $0x1;
	[dreg:$0x2] =	wrdreg s4  }
0xaa: {  	[dreg:$0x3] =	wrdreg s6  }
0xab: {  	[dreg:$0x4] =	wrdreg $0xC0  }
0xac: {  	_ =	task [dreg:s8], $0x5FFFF  }
0xad: {  	[dreg:$0x1] =	wrdreg $0xFFFFFFFF  }
0xae: {  	[dreg:$0x0] =	wrdreg $0x60  }
0xaf: {  	[dreg:$0x2] =	wrdreg s18  }
0xb0: {  	[dreg:$0x3] =	wrdreg s2  }
0xb1: {  	[dreg:$0x4] =	wrdreg s24  }
0xb2: {  	[dreg:$0x5] =	wrdreg $0xC4000  }
0xb3: {  	[dreg:$0x6] =	wrdreg $0x9  }
0xb4: {  	_ =	task.clear_ibuf [dreg:s8], $0x7FFFF;
	_ =	strace $0x90000049  }
0xb5: {  	s29 =	simm.s32 $0x9;
	_ =	strace $0x8000004B  }
0xb6: {  	_ =	swait.ge [sflag:s29], $0x1  }
0xb7: {  	[sflag:s29] =	ssyncadd.s32 $0xFFFFFFFF  }
0xb8: {  	_ =	strace $0x9000004B  }
0xb9: {  	_ =	sfence  }
0xba: {  	s30 =	sld [smem:$0x0];
	_ =	sdelay $0x2  }
0xbb: {  	s31 =	sshll.u32 s1, $0xD;
	s1 =	sshrl.u32 s1, $0x2  }
0xbc: {  	s3 =	sand.u32 $0x4000, s31;
	s1 =	sadd.s32 s1, s30  }
0xbd: {  	s0 =	sor.u32 s3, s0;
	s1 =	sshll.u32 s1, $0x11  }
0xbe: {  	s0 =	sor.u32 s1, s0  }
0xbf: {  	s0 =	sadd.s32 $0x8F2B, s0  }
0xc0: {  	[sflag:s0] =	ssyncadd.remote.s32 $0x1  }
0xc1: {  	_ =	sfence.sel $0xFFFF  }
0xc2: {  	[dreg:$0x0] =	wrdreg $0xFFFFFFFF;
	(pc) =	sbr.abs _section_cstart, $3  }
0xc3: {  	[dreg:$0x1] =	wrdreg $0xFFFFFFFF  }
0xc4: {  	_ =	task.clear_ibuf [dreg:s8], $0x2FFFF;
	_ =	strace $0x9FFFFFFF  }
0xc5: {  	(tm) =	ssettm $0x7FFFFFFF  }
tec
execute0_lowered:
.L_overlay_start_1:
0x0: {  	(tag) =	ssettag $0x1  }
0x1: {  	s0 =	rddreg [dreg:$0x0]  }
0x2: {  	s1 =	rddreg [dreg:$0x1]  }
0x3: {  	s2 =	srdreg.scid;
	s5 =	rddreg [dreg:$0x2]  }
0x4: {  	s12 =	stileid.u32;
	s3 =	rddreg [dreg:$0x3];
	s4 =	simm.s32 $0x0  }
0x5: {  	s29 =	simm.s32 $0x4;
	s30 =	simm.s32 $0x3;
	s7 =	smul.u32 $0x13C00, s12  }
0x6: {  	s31 =	simm.s32 $0x0;
	s2 =	sand.u32 $0x1, s2;
	s11 =	smul.u32 $0x4F000, s12  }
0x7: {  	s8 =	sshll.u32 s12, $0x1;
	[smem:$0x7FF] =	sst s4;
	s6 =	smul.u32 $0x13C000, s2  }
0x8: {  	s8 =	sor.u32 s2, s8;
	s10 =	ssub.s32 $0x2, s2;
	s2 =	smul.u32 $0x9C0, s2  }
0x9: {  	p0 =	slt.u32 s12, $0x2;
	_ =	strace $0x8000004A;
	s13 =	smul.u32 $0x4E, s8  }
0xa: {  	s8 =	smin.u32 s8, $0x4;
	s15 =	sshrl.u32 s10, $0x1;
	s11 =	sshrl.u32 s11, $0x2  }
0xb: {  	s6 =	sadd.s32 s7, s6;
	s7 =	ssub.s32 s10, s15;
	s11 =	sadd.s32 s11, s3  }
0xc: {  	s26 =	sshll.u32 s8, $0x5;
	s6 =	sshrl.u32 s6, $0x3;
	s22 =	sadd.s32 $0x4000, s11  }
0xd: {  	s14 =	sadd.s32 s8, s13;
	s23 =	sadd.s32 $0x8000, s11;
	[dreg:$0xa] =	wrdreg s22  }
0xe: {  	s24 =	sadd.s32 $0xC000, s11;
	s25 =	sadd.s32 $0x10000, s11;
	[dreg:$0xb] =	wrdreg s23  }
0xf: {  	s9 =	sadd.s32 s6, s5;
	s16 =	sshll.u32 s14, $0x5;
	[dreg:$0xc] =	wrdreg s24  }
0x10: {  	[dreg:$0xd] =	wrdreg s25;
	s6 =	sadd.s32 s1, s16;
	s28 =	sadd.s32 $0x3800, s9  }
0x11: {  	s5 =	simm.s32 $0x4F;
	s17 =	sadd.s32 $0x10, s6;
	[dreg:$0xe] =	wrdreg s28  }
0x12: {  	s16 =	smul.u32 $0x1380, s12;
	s18 =	sadd.s32 $0x20, s6;
	[dreg:$0x5] =	wrdreg s17  }
0x13: {  	s25 =	simm.s32 $0x1;
	s19 =	sadd.s32 $0x30, s6;
	[dreg:$0x6] =	wrdreg s18  }
0x14: {  	s20 =	sadd.s32 $0x40, s6;
	[dreg:$0x7] =	wrdreg s19;
	s1 =	sadd.s32 s16, s1  }
0x15: {  	s21 =	sadd.s32 $0x50, s6;
	[dreg:$0x8] =	wrdreg s20;
	s1 =	sadd.s32 s2, s1  }
0x16: {  	s5 =	simm.s32 @!p0 $0x4E;
	[dreg:$0x9] =	wrdreg s21;
	s1 =	sadd.s32 s26, s1  }
0x17: {  	v0 =	vimm.f32 $0.0e+00;
	s18 =	smax.u32 s7, $0x1;
	s21 =	simm.s32 $0x80;
	s19 =	sadd.s32 $0x70, s1  }
.LBB2_1:
0x18: {  	[tilespmem:s4], [sflag:$0x1] =	stream.linear.gather [hbm4b:s6+s4], $0x80, $0x38;
	v63 =	vld [tilespmem:$0x0]  }
0x19: {  	s1 =	rddreg [dreg:$0x5]  }
0x1a: {  	s2 =	simm.s32 $0x200;
	s17 =	rddreg [dreg:$0x6]  }
0x1b: {  	[tilespmem:s2], [sflag:$0x1] =	stream.linear.gather [hbm4b:s1+s4], $0x80, $0x38;
	v63 =	vld [tilespmem:$0x0]  }
0x1c: {  	s20 =	rddreg [dreg:$0x7]  }
0x1d: {  	[tilespmem:s21], [sflag:$0x1] =	stream.linear.gather [hbm4b:s17+s4], $0x80, $0x38;
	v63 =	vld [tilespmem:$0x0]  }
0x1e: {  	s22 =	simm.s32 $0x280;
	s23 =	rddreg [dreg:$0x8]  }
0x1f: {  	[tilespmem:s22], [sflag:$0x1] =	stream.linear.gather [hbm4b:s20+s4], $0x80, $0x38;
	v63 =	vld [tilespmem:$0x0]  }
0x20: {  	s24 =	simm.s32 $0x100;
	s26 =	rddreg [dreg:$0x9]  }
0x21: {  	[tilespmem:s24], [sflag:$0x1] =	stream.linear.gather [hbm4b:s23+s4], $0x80, $0x38;
	v63 =	vld [tilespmem:$0x0]  }
0x22: {  	s28 =	simm.s32 $0x300;
	s1 =	simm.s32 $0x0;
	s2 =	simm.s32 $0x200  }
0x23: {  	[tilespmem:s28], [sflag:$0x1] =	stream.linear.gather [hbm4b:s26+s4], $0x80, $0x38;
	v63 =	vld [tilespmem:$0x0]  }
.LBB2_2:
0x24: {  	p0 =	sne.s32 s2, $0xFE00;
	[tilespmem:s1+$0x8470] =	vst v0  }
0x25: {  	[tilespmem:s1+$0x8400] =	vst v0  }
0x26: {  	[tilespmem:s1+$0x8410] =	vst v0  }
.Ltmp0:
0x27: {  	[tilespmem:s1+$0x8420] =	vst v0;
	(pc) =	sbr.rel @p0 .LBB2_2-.Ltmp0, $4  }
0x28: {  	[tilespmem:s1+$0x8430] =	vst v0  }
0x29: {  	[tilespmem:s1+$0x8440] =	vst v0  }
0x2a: {  	[tilespmem:s1+$0x8450] =	vst v0  }
0x2b: {  	[tilespmem:s1+$0x8460] =	vst v0;
	s1 =	sshra.s32 s2, $0x2;
	s2 =	sadd.s32 $0x200, s2  }
0x2c: {  	[tilespmem:s1+$0x8470] =	vst v0  }
0x2d: {  	[tilespmem:s1+$0x8400] =	vst v0  }
0x2e: {  	[tilespmem:s1+$0x8410] =	vst v0  }
0x2f: {  	[tilespmem:s1+$0x8420] =	vst v0  }
0x30: {  	[tilespmem:s1+$0x8430] =	vst v0  }
0x31: {  	[tilespmem:s1+$0x8440] =	vst v0  }
0x32: {  	[tilespmem:s1+$0x8450] =	vst v0  }
0x33: {  	[tilespmem:s1+$0x8460] =	vst v0  }
0x34: {  	_ =	swait.ge [sflag:s25], $0x100  }
0x35: {  	[sflag:s25] =	ssyncset.done $0x0  }
0x36: {  	[sflag:s25] =	ssyncadd.s32 $0xFFFFFF00  }
0x37: {  	_ =	swait.ge [sflag:s25], $0x100  }
0x38: {  	[sflag:s25] =	ssyncset.done $0x0  }
0x39: {  	s7 =	simm.s32 $0x0;
	s16 =	simm.s32 $0x400;
	[sflag:s25] =	ssyncadd.s32 $0xFFFFFF00  }
0x3a: {  	[tilespmem:s16], [sflag:$0x2] =	stream.indirect.gather [hbm4b:s0+s21], $0x80, s7, s21, $0xb8;
	v63 =	vld [tilespmem:$0x0]  }
0x3b: {  	s17 =	simm.s32 $0x4400  }
0x3c: {  	[tilespmem:s17], [sflag:$0x2] =	stream.indirect.gather [hbm4b:s0+s21], $0x80, s21, s21, $0xb8;
	v63 =	vld [tilespmem:$0x0]  }
0x3d: {  	s20 =	simm.s32 $0x8400  }
0x3e: {  	[spmem:s11] =	stream.linear.scatter [tilespmem:s20], [sflag:$0x4], $0x4000, $0x38;
	v63 =	vld [tilespmem:$0x0]  }
0x3f: {  	_ =	swait.ge [sflag:s29], $0x4000  }
0x40: {  	[sflag:s29] =	ssyncset.done $0x0  }
0x41: {  	s2 =	rddreg [dreg:$0xa];
	[sflag:s29] =	ssyncadd.s32 $0xFFFFC000  }
0x42: {  	[spmem:s2] =	stream.linear.scatter [tilespmem:s20], [sflag:$0x4], $0x4000, $0x38;
	v63 =	vld [tilespmem:$0x0]  }
0x43: {  	_ =	swait.ge [sflag:s29], $0x4000  }
0x44: {  	[sflag:s29] =	ssyncset.done $0x0  }
0x45: {  	s22 =	rddreg [dreg:$0xb];
	[sflag:s29] =	ssyncadd.s32 $0xFFFFC000  }
0x46: {  	[spmem:s22] =	stream.linear.scatter [tilespmem:s20], [sflag:$0x4], $0x4000, $0x38;
	v63 =	vld [tilespmem:$0x0]  }
0x47: {  	s8 =	simm.s32 $0x2;
	p1 =	sle.u32 s5, $0x0;
	_ =	swait.ge [sflag:s29], $0x4000  }
0x48: {  	s1 =	sadd.s32 $0x20, s19;
	s9 =	smul.u32 @!p1 $0xAB, s7;
	[sflag:s29] =	ssyncset.done $0x0  }
0x49: {  	s8 =	smulhi.u32 $0xAAAAAAAB, s8;
	s23 =	rddreg [dreg:$0xc];
	[sflag:s29] =	ssyncadd.s32 $0xFFFFC000  }
0x4a: {  	[spmem:s23] =	stream.linear.scatter [tilespmem:s20], [sflag:$0x4], $0x4000, $0x38;
	v63 =	vld [tilespmem:$0x0]  }
0x4b: {  	p0 =	sle.u32 s5, $0x3;
	p2 =	por @!p1 $0x1, $0x1;
	_ =	swait.ge [sflag:s29], $0x4000  }
0x4c: {  	s9 =	sshrl.u32 @!p1 s9, $0x9;
	s8 =	sshrl.u32 s8, $0x1;
	[sflag:s29] =	ssyncset.done $0x0  }
0x4d: {  	s26 =	smul.u32 $0xFFFD0000, s8;
	s24 =	rddreg [dreg:$0xd];
	[sflag:s29] =	ssyncadd.s32 $0xFFFFC000  }
0x4e: {  	[spmem:s24] =	stream.linear.scatter [tilespmem:s20], [sflag:$0x4], $0x3C00, $0x38;
	v63 =	vld [tilespmem:$0x0]  }
0x4f: {  	s9 =	sand.u32 @!p1 $0x7F, s9;
	s8 =	smul.u32 $0xFFFFFA00, s8;
	_ =	swait.ge [sflag:s29], $0x3C00  }
0x50: {  	p2 =	por p2, p1;
	s9 =	smul.u32 @!p1 $0x3, s9;
	[sflag:s29] =	ssyncset.done $0x0  }
0x51: {  	s26 =	sshra.s32 s26, $0x2;
	s28 =	sshra.s32 s8, $0x2;
	[sflag:s29] =	ssyncadd.s32 $0xFFFFC400  }
0x52: {  	s7 =	sand.u32 @!p1 $0x180, s7;
	s22 =	simm.s32 @!p1 $0x2;
	[bflag:$0x0] =	sbarrier.arrive $0xFFFF  }
0x53: {  	s9 =	ssub.s32 @!p1 $0x0, s9;
	s7 =	sor.u32 @!p1 $0x200, s7;
	_ =	swait.ge @!p1 [sflag:s22], $0x4000  }
0x54: {  	s9 =	sand.u32 @!p1 $0xFF, s9;
	s23 =	simm.s32 $0x3;
	[sflag:s22] =	ssyncset.done @!p1 $0x0  }
0x55: {  	s9 =	sshll.u32 @!p1 s9, $0xE;
	[sflag:s22] =	ssyncadd.s32 @!p1 $0xFFFFC000;
	s22 =	smul.u32 @!p0 $0xAB, s23  }
0x56: {  	s9 =	sor.u32 @!p1 $0x400, s9;
	s2 =	simm.s32 $0x1;
	s23 =	simm.s32 @!p2 $0x3  }
0x57: {  	s20 =	simm.s32 $0x180;
	_ =	swait.ge @!p2 [sflag:s23], $0x4000;
	s22 =	sshrl.u32 @!p0 s22, $0x9  }
0x58: {  	s24 =	simm.s32 @!p1 $0x80;
	[sflag:s23] =	ssyncset.done @!p2 $0x0;
	s22 =	sand.u32 @!p0 $0x7F, s22  }
0x59: {  	[sflag:s23] =	ssyncadd.s32 @!p2 $0xFFFFC000;
	s23 =	simm.s32 @!p0 $0x0;
	s22 =	smul.u32 @!p0 $0x3, s22  }
0x5a: {  	[spmem:s3] =	stream.indirect.scatter.add.f32 @!p1 [tilespmem:s9], [sflag:$0x3], $0x80, s7, s24, $0xb8;
	v63 =	vld [tilespmem:$0x0]  }
0x5b: {  	p2 =	sle.u32 s5, $0x2;
	s7 =	simm.s32 @!p0 $0x180;
	s9 =	ssub.s32 @!p0 $0x3, s22  }
0x5c: {  	s24 =	simm.s32 $0x3;
	s8 =	simm.s32 @!p2 $0x1;
	s9 =	sand.u32 @!p0 $0xFF, s9  }
0x5d: {  	s7 =	sand.u32 @!p0 $0x180, s7;
	s22 =	sadd.s32 @!p0 $0xFFFFFFF0, s19;
	s9 =	sshll.u32 @!p0 s9, $0x7  }
0x5e: {  	[tilespmem:s9], [sflag:$0x1] =	stream.linear.gather @!p0 [hbm4b:s22+s23], $0x80, $0x38;
	v63 =	vld [tilespmem:$0x0]  }
0x5f: {  	s7 =	sor.u32 @!p0 $0x200, s7;
	s22 =	simm.s32 $0x80;
	s9 =	sadd.s32 $0x100, s28  }
0x60: {  	[tilespmem:s7], [sflag:$0x1] =	stream.linear.gather @!p0 [hbm4b:s19+s23], $0x80, $0x38;
	v63 =	vld [tilespmem:$0x0]  }
0x61: {  	s23 =	simm.s32 $0xC400;
	s7 =	sadd.s32 $0x8400, s26;
	_ =	swait.ge @!p2 [sflag:s8], $0x100  }
.LBB2_4:
0x62: {  	[sflag:s8] =	ssyncset.done @!p2 $0x0;
	s10 =	simm.s32 @!p2 $0x80;
	s12 =	smov.u32 s2  }
0x63: {  	s2 =	sadd.s32 $0x1, s2;
	s26 =	smov.u32 s20;
	s28 =	smov.u32 s1  }
0x64: {  	p0 =	sne.s32 s2, $0x4F;
	[sflag:s8] =	ssyncadd.s32 @!p2 $0xFFFFFF00;
	s8 =	smov.u32 s22  }
0x65: {  	[tilespmem:s7], [sflag:$0x2] =	stream.indirect.gather @!p2 [hbm4b:s0+s10], $0x80, s9, s10, $0xb8;
	v63 =	vld [tilespmem:$0x0]  }
0x66: {  	s7 =	smov.u32 s23;
	s9 =	smov.u32 s24  }
0x67: {  	s20 =	sadd.s32 $0x80, s20;
	s1 =	sadd.s32 $0x20, s1  }
0x68: {  	s22 =	sadd.s32 $0x80, s22;
	s23 =	sadd.s32 $0x4000, s23;
	s24 =	sadd.s32 $0x1, s24  }
0x69: {  	p2 =	sge.u32 s12, s5;
	s10 =	sadd.s32 $0x2, s12;
	s9 =	smulhi.u32 $0xAAAAAAAB, s9  }
0x6a: {  	s13 =	smul.u32 @!p2 $0xAB, s12;
	s14 =	simm.s32 @!p2 $0x2;
	p3 =	seq.s32 @!p2 s12, $0x0  }
0x6b: {  	s16 =	sadd.s32 $0x3, s12;
	s15 =	sand.u32 @!p2 $0x180, s8;
	_ =	swait.ge @!p2 [sflag:s14], $0x4000  }
0x6c: {  	p1 =	sge.u32 s16, s5;
	s13 =	sshrl.u32 @!p2 s13, $0x9;
	[sflag:s14] =	ssyncset.done @!p2 $0x0  }
0x6d: {  	s8 =	sadd.s32 @!p1 $0x180, s8;
	s13 =	sand.u32 @!p2 $0x7F, s13;
	[sflag:s14] =	ssyncadd.s32 @!p2 $0xFFFFC000  }
0x6e: {  	s9 =	sshrl.u32 s9, $0x1;
	s13 =	smul.u32 @!p2 $0x3, s13;
	s14 =	sor.u32 @!p2 $0x200, s15  }
0x6f: {  	p3 =	por p3, p2;
	s8 =	sand.u32 @!p1 $0x180, s8;
	s15 =	smul.u32 @!p1 $0xAB, s16  }
0x70: {  	s17 =	simm.s32 @!p2 $0x80;
	s12 =	ssub.s32 @!p2 s12, s13;
	s13 =	simm.s32 @!p3 $0x3  }
0x71: {  	s12 =	sand.u32 @!p2 $0xFF, s12;
	s15 =	sshrl.u32 @!p1 s15, $0x9;
	_ =	swait.ge @!p3 [sflag:s13], $0x4000  }
0x72: {  	s12 =	sshll.u32 @!p2 s12, $0xE;
	s15 =	sand.u32 @!p1 $0x7F, s15;
	[sflag:s13] =	ssyncset.done @!p3 $0x0  }
0x73: {  	[sflag:s13] =	ssyncadd.s32 @!p3 $0xFFFFC000;
	s13 =	smul.u32 @!p1 $0x3, s15  }
0x74: {  	s12 =	sor.u32 @!p2 $0x400, s12;
	s15 =	smul.u32 $0xFFFD0000, s9  }
0x75: {  	[spmem:s3] =	stream.indirect.scatter.add.f32 @!p2 [tilespmem:s12], [sflag:$0x3], $0x80, s14, s17, $0xb8;
	v63 =	vld [tilespmem:$0x0]  }
0x76: {  	s14 =	simm.s32 @!p1 $0x0;
	s12 =	ssub.s32 @!p1 s16, s13;
	s13 =	sadd.s32 @!p1 $0xFFFFFFF0, s28  }
0x77: {  	s16 =	sor.u32 @!p1 $0x200, s8;
	s8 =	smul.u32 $0xFFFFFA00, s9;
	s12 =	sand.u32 @!p1 $0xFF, s12  }
.Ltmp1:
0x78: {  	p2 =	sge.u32 s10, s5;
	s9 =	sshll.u32 @!p1 s12, $0x7;
	(pc) =	sbr.rel @p0 .LBB2_4-.Ltmp1, $4  }
0x79: {  	[tilespmem:s9], [sflag:$0x1] =	stream.linear.gather @!p1 [hbm4b:s13+s14], $0x80, $0x38;
	v63 =	vld [tilespmem:$0x0]  }
0x7a: {  	s10 =	sshra.s32 s8, $0x2;
	s8 =	simm.s32 @!p2 $0x1;
	s9 =	sshra.s32 s15, $0x2  }
0x7b: {  	[tilespmem:s16], [sflag:$0x1] =	stream.linear.gather @!p1 [hbm4b:s28+s14], $0x80, $0x38;
	v63 =	vld [tilespmem:$0x0]  }
0x7c: {  	s7 =	sadd.s32 s9, s7;
	s9 =	sadd.s32 s10, s26;
	_ =	swait.ge @!p2 [sflag:s8], $0x100  }
0x7d: {  	[sflag:s8] =	ssyncset.done @!p2 $0x0  }
0x7e: {  	s1 =	simm.s32 @!p2 $0x80;
	[sflag:s8] =	ssyncadd.s32 @!p2 $0xFFFFFF00  }
0x7f: {  	[tilespmem:s7], [sflag:$0x2] =	stream.indirect.gather @!p2 [hbm4b:s0+s1], $0x80, s9, s1, $0xb8;
	v63 =	vld [tilespmem:$0x0]  }
0x80: {  	_ =	swait.ge [sflag:s30], $0x4000  }
0x81: {  	s26 =	stileid.u32;
	[sflag:s30] =	ssyncset.done $0x0  }
0x82: {  	s2 =	sshrl.u32 s11, $0x3;
	s31 =	sadd.s32 $0x1, s31;
	[sflag:s30] =	ssyncadd.s32 $0xFFFFC000  }
0x83: {  	p0 =	sne.s32 s31, s18;
	s1 =	sshll.u32 s26, $0x6;
	[bflag:$0x0] =	sbarrier.arrive $0xFFFF  }
.Ltmp2:
0x84: {  	s1 =	sor.u32 $0x1C04, s1;
	s28 =	rddreg [dreg:$0xe];
	(pc) =	sbr.rel @p0 .LBB2_1-.Ltmp2, $4  }
0x85: {  	[hbm:s28], [sflag:s1] =	dma.local [spmem:s2], $0x2780  }
0x86: {  	_ =	swait.ge [sflag:s29], $0x2780  }
0x87: {  	[sflag:s29] =	ssyncset.done $0x0  }
0x88: {  	[sflag:s29] =	ssyncadd.s32 $0xFFFFD880  }
0x89: {  	_ =	sfence.sel $0x180000  }
0x8a: {  	[bflag:$0x0] =	sbarrier.arrive $0xFFFF  }
0x8b: {  	_ =	strace $0x9000004A  }
0x8c: {  	s0 =	stileid.u32;
	[bflag:$0x2] =	sbarrier.arrive $0xFFFF  }
0x8d: {  	p0 =	sne.s32 s0, $0x0;
	s0 =	rddreg [dreg:$0x4]  }
0x8e: {  	s0 =	sadd.s32 @!p0 $0x100000, s0  }
0x8f: {  	[sflag:s0] =	ssyncadd.tile.s32 @!p0 $0x1;
	_ =	shalt  }
.Lfunc_end2:
_tile_overlayer_lowered:
.L_overlay_start_2:
0x90: {  	(tag) =	ssettag $0x2  }
0x91: {  	s0 =	rddreg [dreg:$0x0];
	s2 =	stileid.u32  }
0x92: {  	s1 =	rddreg [dreg:$0x1];
	p0 =	sne.s32 s2, $0x0  }
0x93: {  	s3 =	rddreg [dreg:$0x2];
	[bflag:$0x3] =	sbarrier.arrive $0xFFFF;
	s2 =	simm.s32 @!p0 $0x1C04  }
0x94: {  	[timem:s3], [sflag:s2] =	dma.local @!p0 [hbm:s0], s1  }
0x95: {  	s0 =	simm.s32 @!p0 $0x4  }
0x96: {  	_ =	swait.ge @!p0 [sflag:s0], s1  }
0x97: {  	s1 =	ssub.s32 @!p0 $0x0, s1;
	[sflag:s0] =	ssyncset.done @!p0 $0x0  }
0x98: {  	[sflag:s0] =	ssyncadd.s32 @!p0 s1  }
0x99: {  	[bflag:$0x3] =	sbarrier.arrive $0xFFFF  }
0x9a: {  	_ =	shalt  }

// kernel: kernel.14.cloned.1.call-start
scs
__scs_entry_jumppad:
0x0: {  	(pc) =	sbr.rel $0x88, $3  }
0x1: {  	(tag) =	ssettag $0x0;
	lr =	simm.s32 $0x1  }
0x2: {  	[smem:$0x3F8E] =	sst lr;
	_ =	strace $0xD0000000  }
0x3: {  	_ = 	snop  }
0x4: {  	_ = 	snop  }
0x5: {  	_ = 	snop  }
0x6: {  	_ = 	snop  }
0x7: {  	_ = 	snop  }
__scs_overlays_trampoline_lowered:
0x8: {  	[smem:$0x3F9D] =	sst s0  }
0x9: {  	[smem:$0x3F9E] =	sst s1  }
0xa: {  	[smem:$0x3F9F] =	sst s2  }
0xb: {  	[smem:$0x3FA0] =	sst s3  }
0xc: {  	[smem:$0x3FA1] =	sst s4  }
0xd: {  	[smem:$0x3FA2] =	sst s5  }
0xe: {  	[smem:$0x3FA3] =	sst s6  }
0xf: {  	[smem:$0x3FA4] =	sst s7  }
0x10: {  	[smem:$0x3FA5] =	sst s8  }
0x11: {  	[smem:$0x3FA6] =	sst s9;
	s0 =	simm.s32 @!p0 $0x0  }
0x12: {  	s1 =	sld [smem:$0x3F8C];
	s0 =	simm.s32 @p0 $0x1  }
0x13: {  	[smem:$0x3FA7] =	sst s0;
	s0 =	simm.s32 @!p1 $0x0  }
0x14: {  	s2 =	sld [smem:$0x3F8B];
	s0 =	simm.s32 @p1 $0x1  }
0x15: {  	[smem:$0x3FA8] =	sst s0;
	s0 =	simm.s32 @!p2 $0x0  }
0x16: {  	s3 =	sld [smem:$0x3FDB];
	s0 =	simm.s32 @p2 $0x1  }
0x17: {  	s4 =	simm.s32 $0x1BF5;
	[smem:$0x3FAA] =	sst s0  }
0x18: {  	s0 =	sld [smem:$0x3F8D];
	_ =	swait.ge [sflag:s4], $0x0  }
0x19: {  	s7 =	sld [smem:$0x3F8E]  }
0x1a: {  	s8 =	sadd.s32 $0xFFFFE003, lr  }
0x1b: {  	s9 =	sadd.s32 $0xFFFFFEF7, lr;
	s5 =	simm.s32 $0xFFFFFFFF;
	p2 =	slt.u32 s8, $0xFFFFF086  }
0x1c: {  	p1 =	slt.u32 s9, $0xF7A;
	s5 =	simm.s32 @!p2 $0x0  }
0x1d: {  	s5 =	simm.s32 @p1 $0x1;
	p0 =	seq.s32 s7, s2  }
0x1e: {  	s7 =	smul.u32 @!p0 $0xF7A, s2;
	p2 =	seq.s32 @!p0 s5, $0x0  }
0x1f: {  	s9 =	smul.u32 $0xF7A, s1;
	s8 =	simm.s32 @!p0 $0x1BF5;
	p2 =	por !p2, p0  }
0x20: {  	[sflag:s8] =	ssyncset.s32 @!p0 $0xFFFFF086;
	s6 =	sadd.s32 @!p0 s3, s7;
	s7 =	simm.s32 @!p0 $0x108  }
0x21: {  	s3 =	sadd.s32 s3, s9;
	s6 =	sadd.s32 @!p0 $0x88, s6;
	s7 =	simm.s32 @p2 $0x1082  }
0x22: {  	[simem:s7], [sflag:s8] =	dma.local @!p0 [hbm:s6], $0xF7A  }
0x23: {  	s9 =	sor.u32 $0xD0000000, s2;
	s6 =	simm.s32 $0x108;
	_ =	swait.ge @!p0 [sflag:s8], $0x0  }
0x24: {  	s3 =	sadd.s32 $0x88, s3;
	s6 =	simm.s32 @!p1 $0x1082;
	[sflag:s4] =	ssyncset.s32 $0xFFFFF086  }
0x25: {  	[simem:s6], [sflag:s4] =	dma.local [hbm:s3], $0xF7A  }
0x26: {  	[smem:$0x3F8E] =	sst s1;
	(tag) =	ssettag s2;
	_ =	strace s9  }
0x27: {  	s1 =	sld [smem:$0x3F9E]  }
0x28: {  	s2 =	sld [smem:$0x3F9F]  }
0x29: {  	s4 =	sld [smem:$0x3FA1]  }
0x2a: {  	p0 =	seq.s32 s5, $0x0;
	s5 =	sld [smem:$0x3FA2]  }
0x2b: {  	s6 =	sld [smem:$0x3FA3]  }
0x2c: {  	s7 =	sld [smem:$0x3FA4]  }
0x2d: {  	s3 =	simm.s32 $0x108;
	s8 =	sld [smem:$0x3FA5]  }
0x2e: {  	s3 =	simm.s32 @!p0 $0x1082;
	s9 =	sld [smem:$0x3FA6]  }
0x2f: {  	lr =	sadd.s32 s0, s3;
	s0 =	sld [smem:$0x3F9D]  }
0x30: {  	s3 =	sld [smem:$0x3FA0]  }
0x31: {  	[smem:$0x3FA9] =	sst s10  }
0x32: {  	s10 =	sld [smem:$0x3FA7];
	_ =	sdelay $0x3  }
0x33: {  	p0 =	seq.s32 s10, $0x1;
	s10 =	sld [smem:$0x3FA9];
	_ =	sdelay $0x3  }
0x34: {  	[smem:$0x3FA9] =	sst s10  }
0x35: {  	s10 =	sld [smem:$0x3FA8];
	_ =	sdelay $0x3  }
0x36: {  	p1 =	seq.s32 s10, $0x1;
	s10 =	sld [smem:$0x3FA9];
	_ =	sdelay $0x3  }
0x37: {  	[smem:$0x3FA9] =	sst s10  }
0x38: {  	s10 =	sld [smem:$0x3FAA]  }
0x39: {  	_ = 	snop;
	(pc) =	sbr.ind lr, $3  }
0x3a: {  	_ = 	snop  }
0x3b: {  	_ = 	snop  }
0x3c: {  	p2 =	seq.s32 s10, $0x1;
	s10 =	sld [smem:$0x3FA9]  }
0x3d: {  	_ =	shalt  }
0x3e: {  	_ =	shalt  }
0x3f: {  	_ =	shalt  }
0x40: {  	_ =	shalt  }
0x41: {  	_ =	shalt  }
0x42: {  	_ =	shalt  }
0x43: {  	_ =	shalt  }
0x44: {  	_ =	shalt  }
0x45: {  	_ =	shalt  }
0x46: {  	_ =	shalt  }
0x47: {  	_ =	shalt  }
0x48: {  	_ =	shalt  }
0x49: {  	_ =	shalt  }
0x4a: {  	_ =	shalt  }
0x4b: {  	_ =	shalt  }
0x4c: {  	_ =	shalt  }
0x4d: {  	_ =	shalt  }
0x4e: {  	_ =	shalt  }
0x4f: {  	_ =	shalt  }
0x50: {  	_ =	shalt  }
0x51: {  	_ =	shalt  }
0x52: {  	_ =	shalt  }
0x53: {  	_ =	shalt  }
0x54: {  	_ =	shalt  }
0x55: {  	_ =	shalt  }
0x56: {  	_ =	shalt  }
0x57: {  	_ =	shalt  }
0x58: {  	_ =	shalt  }
0x59: {  	_ =	shalt  }
0x5a: {  	_ =	shalt  }
0x5b: {  	_ =	shalt  }
0x5c: {  	_ =	shalt  }
0x5d: {  	_ =	shalt  }
0x5e: {  	_ =	shalt  }
0x5f: {  	_ =	shalt  }
0x60: {  	_ =	shalt  }
0x61: {  	_ =	shalt  }
0x62: {  	_ =	shalt  }
0x63: {  	_ =	shalt  }
0x64: {  	_ =	shalt  }
0x65: {  	_ =	shalt  }
0x66: {  	_ =	shalt  }
0x67: {  	_ =	shalt  }
0x68: {  	_ =	shalt  }
0x69: {  	_ =	shalt  }
0x6a: {  	_ =	shalt  }
0x6b: {  	_ =	shalt  }
0x6c: {  	_ =	shalt  }
0x6d: {  	_ =	shalt  }
0x6e: {  	_ =	shalt  }
0x6f: {  	_ =	shalt  }
0x70: {  	_ =	shalt  }
0x71: {  	_ =	shalt  }
0x72: {  	_ =	shalt  }
0x73: {  	_ =	shalt  }
0x74: {  	_ =	shalt  }
0x75: {  	_ =	shalt  }
0x76: {  	_ =	shalt  }
0x77: {  	_ =	shalt  }
0x78: {  	_ =	shalt  }
0x79: {  	_ =	shalt  }
0x7a: {  	_ =	shalt  }
0x7b: {  	_ =	shalt  }
0x7c: {  	_ =	shalt  }
0x7d: {  	_ =	shalt  }
0x7e: {  	_ =	shalt  }
0x7f: {  	_ =	shalt  }
0x80: {  	_ =	shalt  }
0x81: {  	_ =	shalt  }
0x82: {  	_ =	shalt  }
0x83: {  	_ =	shalt  }
0x84: {  	_ =	shalt  }
0x85: {  	_ =	shalt  }
0x86: {  	_ =	shalt  }
0x87: {  	_ =	shalt  }
.Lfunc_end0:
.L_simem_size_0:
called_computation.2_lowered:
.L_overlay_start_0:
0x88: {  	s2 =	sld [smem:$0x3FD9]  }
0x89: {  	s3 =	sld [smem:$0x3FFE];
	_ =	sdelay $0x1  }
0x8a: {  	s1 =	srdreg.scid  }
0x8b: {  	s0 =	sand.u32 $0x1, s1  }
0x8c: {  	s17 =	sshll.u32 s0, $0xA;
	s2 =	sadd.s32 s3, s2  }
0x8d: {  	s2 =	sadd.s32 s2, s17  }
0x8e: {  	[smem:$0x3FB5] =	sst s2  }
0x8f: {  	_ = 	snop  }
0x90: {  	s2 =	sld [smem:$0x3FC8]  }
0x91: {  	s18 =	sld [smem:$0x3FD0];
	(tm) =	ssettm $0x1  }
0x92: {  	s4 =	sld [smem:$0x3FFB];
	_ =	sdelay $0x3  }
0x93: {  	_ =	strace s4  }
0x94: {  	s4 =	sld [smem:$0x3FFC];
	_ =	sdelay $0x3  }
0x95: {  	_ =	strace s4  }
0x96: {  	s4 =	sld [smem:$0x3FFD];
	_ =	sdelay $0x3  }
0x97: {  	_ =	strace s4  }
0x98: {  	_ =	strace $0x8FFFFFFF  }
0x99: {  	s19 =	sld [smem:$0x3FDB];
	_ =	sdelay $0x1  }
0x9a: {  	s5 =	simm.s32 $_scs_section_size  }
0x9b: {  	s6 =	simm.s32 $_size__tile_overlayer_lowered;
	s7 =	simm.s32 $_tile_overlayer_lowered  }
0x9c: {  	s22 =	simm.s32 $0x1BFF;
	s21 =	sshll.u32 s7, $0x1;
	s4 =	sadd.s32 s5, s19  }
0x9d: {  	s8 =	simm.s32 $0x0;
	s20 =	sshll.u32 s6, $0x1;
	s6 =	sadd.s32 s21, s4  }
0x9e: {  	[timem:s8], [sflag:s22] =	dma.local [hbm:s6], s20  }
0x9f: {  	_ =	swait.ge [sflag:s22], s20  }
0xa0: {  	s5 =	ssub.s32 $0x0, s20;
	[sflag:s22] =	ssyncset.done $0x0  }
0xa1: {  	[sflag:s22] =	ssyncadd.s32 s5;
	_ =	sdelay $0x1  }
0xa2: {  	s23 =	simm.s32 $0x1B8B  }
0xa3: {  	_ =	swait.ge [sflag:s23], $0x1  }
0xa4: {  	[sflag:s23] =	ssyncset.done $0x0  }
0xa5: {  	s25 =	simm.s32 $0x1B8E;
	s24 =	sld [smem:$0x3FFE];
	[sflag:s23] =	ssyncadd.s32 $0xFFFFFFFF  }
0xa6: {  	s26 =	simm.s32 $execute0_lowered;
	[smem:$0x3FD2] =	sst s25  }
0xa7: {  	s6 =	sshll.u32 s26, $0x1;
	_ =	strace $0x8000004C;
	[dreg:$0x1] =	wrdreg $0xFFFFFFFF  }
0xa8: {  	s28 =	simm.s32 $_size_execute0_lowered;
	s4 =	sadd.s32 s4, s6;
	[dreg:$0x0] =	wrdreg $0x0  }
0xa9: {  	s6 =	sshll.u32 s28, $0x1;
	[dreg:$0x2] =	wrdreg s4  }
0xaa: {  	[dreg:$0x3] =	wrdreg s6  }
0xab: {  	[dreg:$0x4] =	wrdreg $0xC0  }
0xac: {  	_ =	task [dreg:s8], $0x5FFFF  }
0xad: {  	[dreg:$0x1] =	wrdreg $0xFFFFFFFF  }
0xae: {  	[dreg:$0x0] =	wrdreg $0x60  }
0xaf: {  	[dreg:$0x2] =	wrdreg s18  }
0xb0: {  	[dreg:$0x3] =	wrdreg s2  }
0xb1: {  	[dreg:$0x4] =	wrdreg s24  }
0xb2: {  	[dreg:$0x5] =	wrdreg $0xC4000  }
0xb3: {  	[dreg:$0x6] =	wrdreg $0x9  }
0xb4: {  	_ =	task.clear_ibuf [dreg:s8], $0x7FFFF;
	_ =	strace $0x9000004C  }
0xb5: {  	s29 =	simm.s32 $0x9;
	_ =	strace $0x8000004E  }
0xb6: {  	_ =	swait.ge [sflag:s29], $0x1  }
0xb7: {  	[sflag:s29] =	ssyncadd.s32 $0xFFFFFFFF  }
0xb8: {  	_ =	strace $0x9000004E  }
0xb9: {  	_ =	sfence  }
0xba: {  	s30 =	sld [smem:$0x0];
	_ =	sdelay $0x2  }
0xbb: {  	s31 =	sshll.u32 s1, $0xD;
	s1 =	sshrl.u32 s1, $0x2  }
0xbc: {  	s3 =	sand.u32 $0x4000, s31;
	s1 =	sadd.s32 s1, s30  }
0xbd: {  	s0 =	sor.u32 s3, s0;
	s1 =	sshll.u32 s1, $0x11  }
0xbe: {  	s0 =	sor.u32 s1, s0  }
0xbf: {  	s0 =	sadd.s32 $0x8F2B, s0  }
0xc0: {  	[sflag:s0] =	ssyncadd.remote.s32 $0x1  }
0xc1: {  	_ =	sfence.sel $0xFFFF  }
0xc2: {  	[dreg:$0x0] =	wrdreg $0xFFFFFFFF;
	(pc) =	sbr.abs _section_cstart, $3  }
0xc3: {  	[dreg:$0x1] =	wrdreg $0xFFFFFFFF  }
0xc4: {  	_ =	task.clear_ibuf [dreg:s8], $0x2FFFF;
	_ =	strace $0x9FFFFFFF  }
0xc5: {  	(tm) =	ssettm $0x7FFFFFFF  }
tec
execute0_lowered:
.L_overlay_start_1:
0x0: {  	(tag) =	ssettag $0x1  }
0x1: {  	s0 =	rddreg [dreg:$0x0]  }
0x2: {  	s1 =	rddreg [dreg:$0x1]  }
0x3: {  	s2 =	srdreg.scid;
	s5 =	rddreg [dreg:$0x2]  }
0x4: {  	s12 =	stileid.u32;
	s3 =	rddreg [dreg:$0x3];
	s4 =	simm.s32 $0x0  }
0x5: {  	s29 =	simm.s32 $0x4;
	s30 =	simm.s32 $0x3;
	s7 =	smul.u32 $0x13C00, s12  }
0x6: {  	s31 =	simm.s32 $0x0;
	s2 =	sand.u32 $0x1, s2;
	s11 =	smul.u32 $0x4F000, s12  }
0x7: {  	s8 =	sshll.u32 s12, $0x1;
	[smem:$0x7FF] =	sst s4;
	s6 =	smul.u32 $0x13C000, s2  }
0x8: {  	s8 =	sor.u32 s2, s8;
	s10 =	ssub.s32 $0x2, s2;
	s2 =	smul.u32 $0x9C0, s2  }
0x9: {  	p0 =	slt.u32 s12, $0x2;
	_ =	strace $0x8000004D;
	s13 =	smul.u32 $0x4E, s8  }
0xa: {  	s8 =	smin.u32 s8, $0x4;
	s15 =	sshrl.u32 s10, $0x1;
	s11 =	sshrl.u32 s11, $0x2  }
0xb: {  	s6 =	sadd.s32 s7, s6;
	s7 =	ssub.s32 s10, s15;
	s11 =	sadd.s32 s11, s3  }
0xc: {  	s26 =	sshll.u32 s8, $0x5;
	s6 =	sshrl.u32 s6, $0x3;
	s22 =	sadd.s32 $0x4000, s11  }
0xd: {  	s14 =	sadd.s32 s8, s13;
	s23 =	sadd.s32 $0x8000, s11;
	[dreg:$0xa] =	wrdreg s22  }
0xe: {  	s24 =	sadd.s32 $0xC000, s11;
	s25 =	sadd.s32 $0x10000, s11;
	[dreg:$0xb] =	wrdreg s23  }
0xf: {  	s9 =	sadd.s32 s6, s5;
	s16 =	sshll.u32 s14, $0x5;
	[dreg:$0xc] =	wrdreg s24  }
0x10: {  	[dreg:$0xd] =	wrdreg s25;
	s6 =	sadd.s32 s1, s16;
	s28 =	sadd.s32 $0x3800, s9  }
0x11: {  	s5 =	simm.s32 $0x4F;
	s17 =	sadd.s32 $0x10, s6;
	[dreg:$0xe] =	wrdreg s28  }
0x12: {  	s16 =	smul.u32 $0x1380, s12;
	s18 =	sadd.s32 $0x20, s6;
	[dreg:$0x5] =	wrdreg s17  }
0x13: {  	s25 =	simm.s32 $0x1;
	s19 =	sadd.s32 $0x30, s6;
	[dreg:$0x6] =	wrdreg s18  }
0x14: {  	s20 =	sadd.s32 $0x40, s6;
	[dreg:$0x7] =	wrdreg s19;
	s1 =	sadd.s32 s16, s1  }
0x15: {  	s21 =	sadd.s32 $0x50, s6;
	[dreg:$0x8] =	wrdreg s20;
	s1 =	sadd.s32 s2, s1  }
0x16: {  	s5 =	simm.s32 @!p0 $0x4E;
	[dreg:$0x9] =	wrdreg s21;
	s1 =	sadd.s32 s26, s1  }
0x17: {  	v0 =	vimm.f32 $0.0e+00;
	s18 =	smax.u32 s7, $0x1;
	s21 =	simm.s32 $0x80;
	s19 =	sadd.s32 $0x70, s1  }
.LBB2_1:
0x18: {  	[tilespmem:s4], [sflag:$0x1] =	stream.linear.gather [hbm4b:s6+s4], $0x80, $0x38;
	v63 =	vld [tilespmem:$0x0]  }
0x19: {  	s1 =	rddreg [dreg:$0x5]  }
0x1a: {  	s2 =	simm.s32 $0x200;
	s17 =	rddreg [dreg:$0x6]  }
0x1b: {  	[tilespmem:s2], [sflag:$0x1] =	stream.linear.gather [hbm4b:s1+s4], $0x80, $0x38;
	v63 =	vld [tilespmem:$0x0]  }
0x1c: {  	s20 =	rddreg [dreg:$0x7]  }
0x1d: {  	[tilespmem:s21], [sflag:$0x1] =	stream.linear.gather [hbm4b:s17+s4], $0x80, $0x38;
	v63 =	vld [tilespmem:$0x0]  }
0x1e: {  	s22 =	simm.s32 $0x280;
	s23 =	rddreg [dreg:$0x8]  }
0x1f: {  	[tilespmem:s22], [sflag:$0x1] =	stream.linear.gather [hbm4b:s20+s4], $0x80, $0x38;
	v63 =	vld [tilespmem:$0x0]  }
0x20: {  	s24 =	simm.s32 $0x100;
	s26 =	rddreg [dreg:$0x9]  }
0x21: {  	[tilespmem:s24], [sflag:$0x1] =	stream.linear.gather [hbm4b:s23+s4], $0x80, $0x38;
	v63 =	vld [tilespmem:$0x0]  }
0x22: {  	s28 =	simm.s32 $0x300;
	s1 =	simm.s32 $0x0;
	s2 =	simm.s32 $0x200  }
0x23: {  	[tilespmem:s28], [sflag:$0x1] =	stream.linear.gather [hbm4b:s26+s4], $0x80, $0x38;
	v63 =	vld [tilespmem:$0x0]  }
.LBB2_2:
0x24: {  	p0 =	sne.s32 s2, $0xFE00;
	[tilespmem:s1+$0x8470] =	vst v0  }
0x25: {  	[tilespmem:s1+$0x8400] =	vst v0  }
0x26: {  	[tilespmem:s1+$0x8410] =	vst v0  }
.Ltmp0:
0x27: {  	[tilespmem:s1+$0x8420] =	vst v0;
	(pc) =	sbr.rel @p0 .LBB2_2-.Ltmp0, $4  }
0x28: {  	[tilespmem:s1+$0x8430] =	vst v0  }
0x29: {  	[tilespmem:s1+$0x8440] =	vst v0  }
0x2a: {  	[tilespmem:s1+$0x8450] =	vst v0  }
0x2b: {  	[tilespmem:s1+$0x8460] =	vst v0;
	s1 =	sshra.s32 s2, $0x2;
	s2 =	sadd.s32 $0x200, s2  }
0x2c: {  	[tilespmem:s1+$0x8470] =	vst v0  }
0x2d: {  	[tilespmem:s1+$0x8400] =	vst v0  }
0x2e: {  	[tilespmem:s1+$0x8410] =	vst v0  }
0x2f: {  	[tilespmem:s1+$0x8420] =	vst v0  }
0x30: {  	[tilespmem:s1+$0x8430] =	vst v0  }
0x31: {  	[tilespmem:s1+$0x8440] =	vst v0  }
0x32: {  	[tilespmem:s1+$0x8450] =	vst v0  }
0x33: {  	[tilespmem:s1+$0x8460] =	vst v0  }
0x34: {  	_ =	swait.ge [sflag:s25], $0x100  }
0x35: {  	[sflag:s25] =	ssyncset.done $0x0  }
0x36: {  	[sflag:s25] =	ssyncadd.s32 $0xFFFFFF00  }
0x37: {  	_ =	swait.ge [sflag:s25], $0x100  }
0x38: {  	[sflag:s25] =	ssyncset.done $0x0  }
0x39: {  	s7 =	simm.s32 $0x0;
	s16 =	simm.s32 $0x400;
	[sflag:s25] =	ssyncadd.s32 $0xFFFFFF00  }
0x3a: {  	[tilespmem:s16], [sflag:$0x2] =	stream.indirect.gather [hbm4b:s0+s21], $0x80, s7, s21, $0xb8;
	v63 =	vld [tilespmem:$0x0]  }
0x3b: {  	s17 =	simm.s32 $0x4400  }
0x3c: {  	[tilespmem:s17], [sflag:$0x2] =	stream.indirect.gather [hbm4b:s0+s21], $0x80, s21, s21, $0xb8;
	v63 =	vld [tilespmem:$0x0]  }
0x3d: {  	s20 =	simm.s32 $0x8400  }
0x3e: {  	[spmem:s11] =	stream.linear.scatter [tilespmem:s20], [sflag:$0x4], $0x4000, $0x38;
	v63 =	vld [tilespmem:$0x0]  }
0x3f: {  	_ =	swait.ge [sflag:s29], $0x4000  }
0x40: {  	[sflag:s29] =	ssyncset.done $0x0  }
0x41: {  	s2 =	rddreg [dreg:$0xa];
	[sflag:s29] =	ssyncadd.s32 $0xFFFFC000  }
0x42: {  	[spmem:s2] =	stream.linear.scatter [tilespmem:s20], [sflag:$0x4], $0x4000, $0x38;
	v63 =	vld [tilespmem:$0x0]  }
0x43: {  	_ =	swait.ge [sflag:s29], $0x4000  }
0x44: {  	[sflag:s29] =	ssyncset.done $0x0  }
0x45: {  	s22 =	rddreg [dreg:$0xb];
	[sflag:s29] =	ssyncadd.s32 $0xFFFFC000  }
0x46: {  	[spmem:s22] =	stream.linear.scatter [tilespmem:s20], [sflag:$0x4], $0x4000, $0x38;
	v63 =	vld [tilespmem:$0x0]  }
0x47: {  	s8 =	simm.s32 $0x2;
	p1 =	sle.u32 s5, $0x0;
	_ =	swait.ge [sflag:s29], $0x4000  }
0x48: {  	s1 =	sadd.s32 $0x20, s19;
	s9 =	smul.u32 @!p1 $0xAB, s7;
	[sflag:s29] =	ssyncset.done $0x0  }
0x49: {  	s8 =	smulhi.u32 $0xAAAAAAAB, s8;
	s23 =	rddreg [dreg:$0xc];
	[sflag:s29] =	ssyncadd.s32 $0xFFFFC000  }
0x4a: {  	[spmem:s23] =	stream.linear.scatter [tilespmem:s20], [sflag:$0x4], $0x4000, $0x38;
	v63 =	vld [tilespmem:$0x0]  }
0x4b: {  	p0 =	sle.u32 s5, $0x3;
	p2 =	por @!p1 $0x1, $0x1;
	_ =	swait.ge [sflag:s29], $0x4000  }
0x4c: {  	s9 =	sshrl.u32 @!p1 s9, $0x9;
	s8 =	sshrl.u32 s8, $0x1;
	[sflag:s29] =	ssyncset.done $0x0  }
0x4d: {  	s26 =	smul.u32 $0xFFFD0000, s8;
	s24 =	rddreg [dreg:$0xd];
	[sflag:s29] =	ssyncadd.s32 $0xFFFFC000  }
0x4e: {  	[spmem:s24] =	stream.linear.scatter [tilespmem:s20], [sflag:$0x4], $0x3C00, $0x38;
	v63 =	vld [tilespmem:$0x0]  }
0x4f: {  	s9 =	sand.u32 @!p1 $0x7F, s9;
	s8 =	smul.u32 $0xFFFFFA00, s8;
	_ =	swait.ge [sflag:s29], $0x3C00  }
0x50: {  	p2 =	por p2, p1;
	s9 =	smul.u32 @!p1 $0x3, s9;
	[sflag:s29] =	ssyncset.done $0x0  }
0x51: {  	s26 =	sshra.s32 s26, $0x2;
	s28 =	sshra.s32 s8, $0x2;
	[sflag:s29] =	ssyncadd.s32 $0xFFFFC400  }
0x52: {  	s7 =	sand.u32 @!p1 $0x180, s7;
	s22 =	simm.s32 @!p1 $0x2;
	[bflag:$0x0] =	sbarrier.arrive $0xFFFF  }
0x53: {  	s9 =	ssub.s32 @!p1 $0x0, s9;
	s7 =	sor.u32 @!p1 $0x200, s7;
	_ =	swait.ge @!p1 [sflag:s22], $0x4000  }
0x54: {  	s9 =	sand.u32 @!p1 $0xFF, s9;
	s23 =	simm.s32 $0x3;
	[sflag:s22] =	ssyncset.done @!p1 $0x0  }
0x55: {  	s9 =	sshll.u32 @!p1 s9, $0xE;
	[sflag:s22] =	ssyncadd.s32 @!p1 $0xFFFFC000;
	s22 =	smul.u32 @!p0 $0xAB, s23  }
0x56: {  	s9 =	sor.u32 @!p1 $0x400, s9;
	s2 =	simm.s32 $0x1;
	s23 =	simm.s32 @!p2 $0x3  }
0x57: {  	s20 =	simm.s32 $0x180;
	_ =	swait.ge @!p2 [sflag:s23], $0x4000;
	s22 =	sshrl.u32 @!p0 s22, $0x9  }
0x58: {  	s24 =	simm.s32 @!p1 $0x80;
	[sflag:s23] =	ssyncset.done @!p2 $0x0;
	s22 =	sand.u32 @!p0 $0x7F, s22  }
0x59: {  	[sflag:s23] =	ssyncadd.s32 @!p2 $0xFFFFC000;
	s23 =	simm.s32 @!p0 $0x0;
	s22 =	smul.u32 @!p0 $0x3, s22  }
0x5a: {  	[spmem:s3] =	stream.indirect.scatter.add.f32 @!p1 [tilespmem:s9], [sflag:$0x3], $0x80, s7, s24, $0xb8;
	v63 =	vld [tilespmem:$0x0]  }
0x5b: {  	p2 =	sle.u32 s5, $0x2;
	s7 =	simm.s32 @!p0 $0x180;
	s9 =	ssub.s32 @!p0 $0x3, s22  }
0x5c: {  	s24 =	simm.s32 $0x3;
	s8 =	simm.s32 @!p2 $0x1;
	s9 =	sand.u32 @!p0 $0xFF, s9  }
0x5d: {  	s7 =	sand.u32 @!p0 $0x180, s7;
	s22 =	sadd.s32 @!p0 $0xFFFFFFF0, s19;
	s9 =	sshll.u32 @!p0 s9, $0x7  }
0x5e: {  	[tilespmem:s9], [sflag:$0x1] =	stream.linear.gather @!p0 [hbm4b:s22+s23], $0x80, $0x38;
	v63 =	vld [tilespmem:$0x0]  }
0x5f: {  	s7 =	sor.u32 @!p0 $0x200, s7;
	s22 =	simm.s32 $0x80;
	s9 =	sadd.s32 $0x100, s28  }
0x60: {  	[tilespmem:s7], [sflag:$0x1] =	stream.linear.gather @!p0 [hbm4b:s19+s23], $0x80, $0x38;
	v63 =	vld [tilespmem:$0x0]  }
0x61: {  	s23 =	simm.s32 $0xC400;
	s7 =	sadd.s32 $0x8400, s26;
	_ =	swait.ge @!p2 [sflag:s8], $0x100  }
.LBB2_4:
0x62: {  	[sflag:s8] =	ssyncset.done @!p2 $0x0;
	s10 =	simm.s32 @!p2 $0x80;
	s12 =	smov.u32 s2  }
0x63: {  	s2 =	sadd.s32 $0x1, s2;
	s26 =	smov.u32 s20;
	s28 =	smov.u32 s1  }
0x64: {  	p0 =	sne.s32 s2, $0x4F;
	[sflag:s8] =	ssyncadd.s32 @!p2 $0xFFFFFF00;
	s8 =	smov.u32 s22  }
0x65: {  	[tilespmem:s7], [sflag:$0x2] =	stream.indirect.gather @!p2 [hbm4b:s0+s10], $0x80, s9, s10, $0xb8;
	v63 =	vld [tilespmem:$0x0]  }
0x66: {  	s7 =	smov.u32 s23;
	s9 =	smov.u32 s24  }
0x67: {  	s20 =	sadd.s32 $0x80, s20;
	s1 =	sadd.s32 $0x20, s1  }
0x68: {  	s22 =	sadd.s32 $0x80, s22;
	s23 =	sadd.s32 $0x4000, s23;
	s24 =	sadd.s32 $0x1, s24  }
0x69: {  	p2 =	sge.u32 s12, s5;
	s10 =	sadd.s32 $0x2, s12;
	s9 =	smulhi.u32 $0xAAAAAAAB, s9  }
0x6a: {  	s13 =	smul.u32 @!p2 $0xAB, s12;
	s14 =	simm.s32 @!p2 $0x2;
	p3 =	seq.s32 @!p2 s12, $0x0  }
0x6b: {  	s16 =	sadd.s32 $0x3, s12;
	s15 =	sand.u32 @!p2 $0x180, s8;
	_ =	swait.ge @!p2 [sflag:s14], $0x4000  }
0x6c: {  	p1 =	sge.u32 s16, s5;
	s13 =	sshrl.u32 @!p2 s13, $0x9;
	[sflag:s14] =	ssyncset.done @!p2 $0x0  }
0x6d: {  	s8 =	sadd.s32 @!p1 $0x180, s8;
	s13 =	sand.u32 @!p2 $0x7F, s13;
	[sflag:s14] =	ssyncadd.s32 @!p2 $0xFFFFC000  }
0x6e: {  	s9 =	sshrl.u32 s9, $0x1;
	s13 =	smul.u32 @!p2 $0x3, s13;
	s14 =	sor.u32 @!p2 $0x200, s15  }
0x6f: {  	p3 =	por p3, p2;
	s8 =	sand.u32 @!p1 $0x180, s8;
	s15 =	smul.u32 @!p1 $0xAB, s16  }
0x70: {  	s17 =	simm.s32 @!p2 $0x80;
	s12 =	ssub.s32 @!p2 s12, s13;
	s13 =	simm.s32 @!p3 $0x3  }
0x71: {  	s12 =	sand.u32 @!p2 $0xFF, s12;
	s15 =	sshrl.u32 @!p1 s15, $0x9;
	_ =	swait.ge @!p3 [sflag:s13], $0x4000  }
0x72: {  	s12 =	sshll.u32 @!p2 s12, $0xE;
	s15 =	sand.u32 @!p1 $0x7F, s15;
	[sflag:s13] =	ssyncset.done @!p3 $0x0  }
0x73: {  	[sflag:s13] =	ssyncadd.s32 @!p3 $0xFFFFC000;
	s13 =	smul.u32 @!p1 $0x3, s15  }
0x74: {  	s12 =	sor.u32 @!p2 $0x400, s12;
	s15 =	smul.u32 $0xFFFD0000, s9  }
0x75: {  	[spmem:s3] =	stream.indirect.scatter.add.f32 @!p2 [tilespmem:s12], [sflag:$0x3], $0x80, s14, s17, $0xb8;
	v63 =	vld [tilespmem:$0x0]  }
0x76: {  	s14 =	simm.s32 @!p1 $0x0;
	s12 =	ssub.s32 @!p1 s16, s13;
	s13 =	sadd.s32 @!p1 $0xFFFFFFF0, s28  }
0x77: {  	s16 =	sor.u32 @!p1 $0x200, s8;
	s8 =	smul.u32 $0xFFFFFA00, s9;
	s12 =	sand.u32 @!p1 $0xFF, s12  }
.Ltmp1:
0x78: {  	p2 =	sge.u32 s10, s5;
	s9 =	sshll.u32 @!p1 s12, $0x7;
	(pc) =	sbr.rel @p0 .LBB2_4-.Ltmp1, $4  }
0x79: {  	[tilespmem:s9], [sflag:$0x1] =	stream.linear.gather @!p1 [hbm4b:s13+s14], $0x80, $0x38;
	v63 =	vld [tilespmem:$0x0]  }
0x7a: {  	s10 =	sshra.s32 s8, $0x2;
	s8 =	simm.s32 @!p2 $0x1;
	s9 =	sshra.s32 s15, $0x2  }
0x7b: {  	[tilespmem:s16], [sflag:$0x1] =	stream.linear.gather @!p1 [hbm4b:s28+s14], $0x80, $0x38;
	v63 =	vld [tilespmem:$0x0]  }
0x7c: {  	s7 =	sadd.s32 s9, s7;
	s9 =	sadd.s32 s10, s26;
	_ =	swait.ge @!p2 [sflag:s8], $0x100  }
0x7d: {  	[sflag:s8] =	ssyncset.done @!p2 $0x0  }
0x7e: {  	s1 =	simm.s32 @!p2 $0x80;
	[sflag:s8] =	ssyncadd.s32 @!p2 $0xFFFFFF00  }
0x7f: {  	[tilespmem:s7], [sflag:$0x2] =	stream.indirect.gather @!p2 [hbm4b:s0+s1], $0x80, s9, s1, $0xb8;
	v63 =	vld [tilespmem:$0x0]  }
0x80: {  	_ =	swait.ge [sflag:s30], $0x4000  }
0x81: {  	s26 =	stileid.u32;
	[sflag:s30] =	ssyncset.done $0x0  }
0x82: {  	s2 =	sshrl.u32 s11, $0x3;
	s31 =	sadd.s32 $0x1, s31;
	[sflag:s30] =	ssyncadd.s32 $0xFFFFC000  }
0x83: {  	p0 =	sne.s32 s31, s18;
	s1 =	sshll.u32 s26, $0x6;
	[bflag:$0x0] =	sbarrier.arrive $0xFFFF  }
.Ltmp2:
0x84: {  	s1 =	sor.u32 $0x1C04, s1;
	s28 =	rddreg [dreg:$0xe];
	(pc) =	sbr.rel @p0 .LBB2_1-.Ltmp2, $4  }
0x85: {  	[hbm:s28], [sflag:s1] =	dma.local [spmem:s2], $0x2780  }
0x86: {  	_ =	swait.ge [sflag:s29], $0x2780  }
0x87: {  	[sflag:s29] =	ssyncset.done $0x0  }
0x88: {  	[sflag:s29] =	ssyncadd.s32 $0xFFFFD880  }
0x89: {  	_ =	sfence.sel $0x180000  }
0x8a: {  	[bflag:$0x0] =	sbarrier.arrive $0xFFFF  }
0x8b: {  	_ =	strace $0x9000004D  }
0x8c: {  	s0 =	stileid.u32;
	[bflag:$0x2] =	sbarrier.arrive $0xFFFF  }
0x8d: {  	p0 =	sne.s32 s0, $0x0;
	s0 =	rddreg [dreg:$0x4]  }
0x8e: {  	s0 =	sadd.s32 @!p0 $0x100000, s0  }
0x8f: {  	[sflag:s0] =	ssyncadd.tile.s32 @!p0 $0x1;
	_ =	shalt  }
.Lfunc_end2:
_tile_overlayer_lowered:
.L_overlay_start_2:
0x90: {  	(tag) =	ssettag $0x2  }
0x91: {  	s0 =	rddreg [dreg:$0x0];
	s2 =	stileid.u32  }
0x92: {  	s1 =	rddreg [dreg:$0x1];
	p0 =	sne.s32 s2, $0x0  }
0x93: {  	s3 =	rddreg [dreg:$0x2];
	[bflag:$0x3] =	sbarrier.arrive $0xFFFF;
	s2 =	simm.s32 @!p0 $0x1C04  }
0x94: {  	[timem:s3], [sflag:s2] =	dma.local @!p0 [hbm:s0], s1  }
0x95: {  	s0 =	simm.s32 @!p0 $0x4  }
0x96: {  	_ =	swait.ge @!p0 [sflag:s0], s1  }
0x97: {  	s1 =	ssub.s32 @!p0 $0x0, s1;
	[sflag:s0] =	ssyncset.done @!p0 $0x0  }
0x98: {  	[sflag:s0] =	ssyncadd.s32 @!p0 s1  }
0x99: {  	[bflag:$0x3] =	sbarrier.arrive $0xFFFF  }
0x9a: {  	_ =	shalt  }

// kernel: kernel.8.cloned.1.call-start
scs
__scs_entry_jumppad:
0x0: {  	(pc) =	sbr.rel $0x88, $3  }
0x1: {  	(tag) =	ssettag $0x0;
	lr =	simm.s32 $0x1  }
0x2: {  	[smem:$0x3F8E] =	sst lr;
	_ =	strace $0xD0000000  }
0x3: {  	_ = 	snop  }
0x4: {  	_ = 	snop  }
0x5: {  	_ = 	snop  }
0x6: {  	_ = 	snop  }
0x7: {  	_ = 	snop  }
__scs_overlays_trampoline_lowered:
0x8: {  	[smem:$0x3F9D] =	sst s0  }
0x9: {  	[smem:$0x3F9E] =	sst s1  }
0xa: {  	[smem:$0x3F9F] =	sst s2  }
0xb: {  	[smem:$0x3FA0] =	sst s3  }
0xc: {  	[smem:$0x3FA1] =	sst s4  }
0xd: {  	[smem:$0x3FA2] =	sst s5  }
0xe: {  	[smem:$0x3FA3] =	sst s6  }
0xf: {  	[smem:$0x3FA4] =	sst s7  }
0x10: {  	[smem:$0x3FA5] =	sst s8  }
0x11: {  	[smem:$0x3FA6] =	sst s9;
	s0 =	simm.s32 @!p0 $0x0  }
0x12: {  	s1 =	sld [smem:$0x3F8C];
	s0 =	simm.s32 @p0 $0x1  }
0x13: {  	[smem:$0x3FA7] =	sst s0;
	s0 =	simm.s32 @!p1 $0x0  }
0x14: {  	s2 =	sld [smem:$0x3F8B];
	s0 =	simm.s32 @p1 $0x1  }
0x15: {  	[smem:$0x3FA8] =	sst s0;
	s0 =	simm.s32 @!p2 $0x0  }
0x16: {  	s3 =	sld [smem:$0x3FDB];
	s0 =	simm.s32 @p2 $0x1  }
0x17: {  	s4 =	simm.s32 $0x1BF5;
	[smem:$0x3FAA] =	sst s0  }
0x18: {  	s0 =	sld [smem:$0x3F8D];
	_ =	swait.ge [sflag:s4], $0x0  }
0x19: {  	s7 =	sld [smem:$0x3F8E]  }
0x1a: {  	s8 =	sadd.s32 $0xFFFFE003, lr  }
0x1b: {  	s9 =	sadd.s32 $0xFFFFFEF7, lr;
	s5 =	simm.s32 $0xFFFFFFFF;
	p2 =	slt.u32 s8, $0xFFFFF086  }
0x1c: {  	p1 =	slt.u32 s9, $0xF7A;
	s5 =	simm.s32 @!p2 $0x0  }
0x1d: {  	s5 =	simm.s32 @p1 $0x1;
	p0 =	seq.s32 s7, s2  }
0x1e: {  	s7 =	smul.u32 @!p0 $0xF7A, s2;
	p2 =	seq.s32 @!p0 s5, $0x0  }
0x1f: {  	s9 =	smul.u32 $0xF7A, s1;
	s8 =	simm.s32 @!p0 $0x1BF5;
	p2 =	por !p2, p0  }
0x20: {  	[sflag:s8] =	ssyncset.s32 @!p0 $0xFFFFF086;
	s6 =	sadd.s32 @!p0 s3, s7;
	s7 =	simm.s32 @!p0 $0x108  }
0x21: {  	s3 =	sadd.s32 s3, s9;
	s6 =	sadd.s32 @!p0 $0x88, s6;
	s7 =	simm.s32 @p2 $0x1082  }
0x22: {  	[simem:s7], [sflag:s8] =	dma.local @!p0 [hbm:s6], $0xF7A  }
0x23: {  	s9 =	sor.u32 $0xD0000000, s2;
	s6 =	simm.s32 $0x108;
	_ =	swait.ge @!p0 [sflag:s8], $0x0  }
0x24: {  	s3 =	sadd.s32 $0x88, s3;
	s6 =	simm.s32 @!p1 $0x1082;
	[sflag:s4] =	ssyncset.s32 $0xFFFFF086  }
0x25: {  	[simem:s6], [sflag:s4] =	dma.local [hbm:s3], $0xF7A  }
0x26: {  	[smem:$0x3F8E] =	sst s1;
	(tag) =	ssettag s2;
	_ =	strace s9  }
0x27: {  	s1 =	sld [smem:$0x3F9E]  }
0x28: {  	s2 =	sld [smem:$0x3F9F]  }
0x29: {  	s4 =	sld [smem:$0x3FA1]  }
0x2a: {  	p0 =	seq.s32 s5, $0x0;
	s5 =	sld [smem:$0x3FA2]  }
0x2b: {  	s6 =	sld [smem:$0x3FA3]  }
0x2c: {  	s7 =	sld [smem:$0x3FA4]  }
0x2d: {  	s3 =	simm.s32 $0x108;
	s8 =	sld [smem:$0x3FA5]  }
0x2e: {  	s3 =	simm.s32 @!p0 $0x1082;
	s9 =	sld [smem:$0x3FA6]  }
0x2f: {  	lr =	sadd.s32 s0, s3;
	s0 =	sld [smem:$0x3F9D]  }
0x30: {  	s3 =	sld [smem:$0x3FA0]  }
0x31: {  	[smem:$0x3FA9] =	sst s10  }
0x32: {  	s10 =	sld [smem:$0x3FA7];
	_ =	sdelay $0x3  }
0x33: {  	p0 =	seq.s32 s10, $0x1;
	s10 =	sld [smem:$0x3FA9];
	_ =	sdelay $0x3  }
0x34: {  	[smem:$0x3FA9] =	sst s10  }
0x35: {  	s10 =	sld [smem:$0x3FA8];
	_ =	sdelay $0x3  }
0x36: {  	p1 =	seq.s32 s10, $0x1;
	s10 =	sld [smem:$0x3FA9];
	_ =	sdelay $0x3  }
0x37: {  	[smem:$0x3FA9] =	sst s10  }
0x38: {  	s10 =	sld [smem:$0x3FAA]  }
0x39: {  	_ = 	snop;
	(pc) =	sbr.ind lr, $3  }
0x3a: {  	_ = 	snop  }
0x3b: {  	_ = 	snop  }
0x3c: {  	p2 =	seq.s32 s10, $0x1;
	s10 =	sld [smem:$0x3FA9]  }
0x3d: {  	_ =	shalt  }
0x3e: {  	_ =	shalt  }
0x3f: {  	_ =	shalt  }
0x40: {  	_ =	shalt  }
0x41: {  	_ =	shalt  }
0x42: {  	_ =	shalt  }
0x43: {  	_ =	shalt  }
0x44: {  	_ =	shalt  }
0x45: {  	_ =	shalt  }
0x46: {  	_ =	shalt  }
0x47: {  	_ =	shalt  }
0x48: {  	_ =	shalt  }
0x49: {  	_ =	shalt  }
0x4a: {  	_ =	shalt  }
0x4b: {  	_ =	shalt  }
0x4c: {  	_ =	shalt  }
0x4d: {  	_ =	shalt  }
0x4e: {  	_ =	shalt  }
0x4f: {  	_ =	shalt  }
0x50: {  	_ =	shalt  }
0x51: {  	_ =	shalt  }
0x52: {  	_ =	shalt  }
0x53: {  	_ =	shalt  }
0x54: {  	_ =	shalt  }
0x55: {  	_ =	shalt  }
0x56: {  	_ =	shalt  }
0x57: {  	_ =	shalt  }
0x58: {  	_ =	shalt  }
0x59: {  	_ =	shalt  }
0x5a: {  	_ =	shalt  }
0x5b: {  	_ =	shalt  }
0x5c: {  	_ =	shalt  }
0x5d: {  	_ =	shalt  }
0x5e: {  	_ =	shalt  }
0x5f: {  	_ =	shalt  }
0x60: {  	_ =	shalt  }
0x61: {  	_ =	shalt  }
0x62: {  	_ =	shalt  }
0x63: {  	_ =	shalt  }
0x64: {  	_ =	shalt  }
0x65: {  	_ =	shalt  }
0x66: {  	_ =	shalt  }
0x67: {  	_ =	shalt  }
0x68: {  	_ =	shalt  }
0x69: {  	_ =	shalt  }
0x6a: {  	_ =	shalt  }
0x6b: {  	_ =	shalt  }
0x6c: {  	_ =	shalt  }
0x6d: {  	_ =	shalt  }
0x6e: {  	_ =	shalt  }
0x6f: {  	_ =	shalt  }
0x70: {  	_ =	shalt  }
0x71: {  	_ =	shalt  }
0x72: {  	_ =	shalt  }
0x73: {  	_ =	shalt  }
0x74: {  	_ =	shalt  }
0x75: {  	_ =	shalt  }
0x76: {  	_ =	shalt  }
0x77: {  	_ =	shalt  }
0x78: {  	_ =	shalt  }
0x79: {  	_ =	shalt  }
0x7a: {  	_ =	shalt  }
0x7b: {  	_ =	shalt  }
0x7c: {  	_ =	shalt  }
0x7d: {  	_ =	shalt  }
0x7e: {  	_ =	shalt  }
0x7f: {  	_ =	shalt  }
0x80: {  	_ =	shalt  }
0x81: {  	_ =	shalt  }
0x82: {  	_ =	shalt  }
0x83: {  	_ =	shalt  }
0x84: {  	_ =	shalt  }
0x85: {  	_ =	shalt  }
0x86: {  	_ =	shalt  }
0x87: {  	_ =	shalt  }
.Lfunc_end0:
.L_simem_size_0:
called_computation_lowered:
.L_overlay_start_0:
0x88: {  	s2 =	sld [smem:$0x3FD9]  }
0x89: {  	s3 =	sld [smem:$0x3FFE];
	_ =	sdelay $0x1  }
0x8a: {  	s1 =	srdreg.scid  }
0x8b: {  	s0 =	sand.u32 $0x1, s1  }
0x8c: {  	s17 =	sshll.u32 s0, $0xA;
	s2 =	sadd.s32 s3, s2  }
0x8d: {  	s2 =	sadd.s32 s2, s17  }
0x8e: {  	[smem:$0x3FB5] =	sst s2  }
0x8f: {  	_ = 	snop  }
0x90: {  	s2 =	sld [smem:$0x3FC9]  }
0x91: {  	s18 =	sld [smem:$0x3FC8];
	(tm) =	ssettm $0x1  }
0x92: {  	s4 =	sld [smem:$0x3FFB];
	_ =	sdelay $0x3  }
0x93: {  	_ =	strace s4  }
0x94: {  	s4 =	sld [smem:$0x3FFC];
	_ =	sdelay $0x3  }
0x95: {  	_ =	strace s4  }
0x96: {  	s4 =	sld [smem:$0x3FFD];
	_ =	sdelay $0x3  }
0x97: {  	_ =	strace s4  }
0x98: {  	_ =	strace $0x8FFFFFFF  }
0x99: {  	s19 =	sld [smem:$0x3FDB];
	_ =	sdelay $0x1  }
0x9a: {  	s5 =	simm.s32 $_scs_section_size  }
0x9b: {  	s6 =	simm.s32 $_size__tile_overlayer_lowered;
	s7 =	simm.s32 $_tile_overlayer_lowered  }
0x9c: {  	s22 =	simm.s32 $0x1BFF;
	s21 =	sshll.u32 s7, $0x1;
	s4 =	sadd.s32 s5, s19  }
0x9d: {  	s8 =	simm.s32 $0x0;
	s20 =	sshll.u32 s6, $0x1;
	s6 =	sadd.s32 s21, s4  }
0x9e: {  	[timem:s8], [sflag:s22] =	dma.local [hbm:s6], s20  }
0x9f: {  	_ =	swait.ge [sflag:s22], s20  }
0xa0: {  	s5 =	ssub.s32 $0x0, s20;
	[sflag:s22] =	ssyncset.done $0x0  }
0xa1: {  	[sflag:s22] =	ssyncadd.s32 s5;
	_ =	sdelay $0x1  }
0xa2: {  	s23 =	simm.s32 $0x1B8B  }
0xa3: {  	_ =	swait.ge [sflag:s23], $0x1  }
0xa4: {  	[sflag:s23] =	ssyncset.done $0x0  }
0xa5: {  	s25 =	simm.s32 $0x1B8E;
	s24 =	sld [smem:$0x3FFE];
	[sflag:s23] =	ssyncadd.s32 $0xFFFFFFFF  }
0xa6: {  	s26 =	simm.s32 $execute0_lowered;
	[smem:$0x3FD2] =	sst s25  }
0xa7: {  	s6 =	sshll.u32 s26, $0x1;
	_ =	strace $0x80000046;
	[dreg:$0x1] =	wrdreg $0xFFFFFFFF  }
0xa8: {  	s28 =	simm.s32 $_size_execute0_lowered;
	s4 =	sadd.s32 s4, s6;
	[dreg:$0x0] =	wrdreg $0x0  }
0xa9: {  	s6 =	sshll.u32 s28, $0x1;
	[dreg:$0x2] =	wrdreg s4  }
0xaa: {  	[dreg:$0x3] =	wrdreg s6  }
0xab: {  	[dreg:$0x4] =	wrdreg $0xC0  }
0xac: {  	_ =	task [dreg:s8], $0x5FFFF  }
0xad: {  	[dreg:$0x1] =	wrdreg $0xFFFFFFFF  }
0xae: {  	[dreg:$0x0] =	wrdreg $0x60  }
0xaf: {  	[dreg:$0x2] =	wrdreg s2  }
0xb0: {  	[dreg:$0x3] =	wrdreg s18  }
0xb1: {  	[dreg:$0x4] =	wrdreg s24  }
0xb2: {  	[dreg:$0x5] =	wrdreg $0xC4000  }
0xb3: {  	[dreg:$0x6] =	wrdreg $0x9  }
0xb4: {  	_ =	task.clear_ibuf [dreg:s8], $0x7FFFF;
	_ =	strace $0x90000046  }
0xb5: {  	s29 =	simm.s32 $0x9;
	_ =	strace $0x80000048  }
0xb6: {  	_ =	swait.ge [sflag:s29], $0x1  }
0xb7: {  	[sflag:s29] =	ssyncadd.s32 $0xFFFFFFFF  }
0xb8: {  	_ =	strace $0x90000048  }
0xb9: {  	_ =	sfence  }
0xba: {  	s30 =	sld [smem:$0x0];
	_ =	sdelay $0x2  }
0xbb: {  	s31 =	sshll.u32 s1, $0xD;
	s1 =	sshrl.u32 s1, $0x2  }
0xbc: {  	s3 =	sand.u32 $0x4000, s31;
	s1 =	sadd.s32 s1, s30  }
0xbd: {  	s0 =	sor.u32 s3, s0;
	s1 =	sshll.u32 s1, $0x11  }
0xbe: {  	s0 =	sor.u32 s1, s0  }
0xbf: {  	s0 =	sadd.s32 $0x8F2B, s0  }
0xc0: {  	[sflag:s0] =	ssyncadd.remote.s32 $0x1  }
0xc1: {  	_ =	sfence.sel $0xFFFF  }
0xc2: {  	[dreg:$0x0] =	wrdreg $0xFFFFFFFF;
	(pc) =	sbr.abs _section_cstart, $3  }
0xc3: {  	[dreg:$0x1] =	wrdreg $0xFFFFFFFF  }
0xc4: {  	_ =	task.clear_ibuf [dreg:s8], $0x2FFFF;
	_ =	strace $0x9FFFFFFF  }
0xc5: {  	(tm) =	ssettm $0x7FFFFFFF  }
tec
execute0_lowered:
.L_overlay_start_1:
0x0: {  	(tag) =	ssettag $0x1  }
0x1: {  	s0 =	rddreg [dreg:$0x0]  }
0x2: {  	s1 =	rddreg [dreg:$0x1]  }
0x3: {  	s2 =	srdreg.scid;
	s5 =	rddreg [dreg:$0x2]  }
0x4: {  	s12 =	stileid.u32;
	s3 =	rddreg [dreg:$0x3];
	s4 =	simm.s32 $0x0  }
0x5: {  	s29 =	simm.s32 $0x4;
	s30 =	simm.s32 $0x3;
	s7 =	smul.u32 $0x13C00, s12  }
0x6: {  	s31 =	simm.s32 $0x0;
	s2 =	sand.u32 $0x1, s2;
	s11 =	smul.u32 $0x4F000, s12  }
0x7: {  	s8 =	sshll.u32 s12, $0x1;
	[smem:$0x7FF] =	sst s4;
	s6 =	smul.u32 $0x13C000, s2  }
0x8: {  	s8 =	sor.u32 s2, s8;
	s10 =	ssub.s32 $0x2, s2;
	s2 =	smul.u32 $0x9C0, s2  }
0x9: {  	p0 =	slt.u32 s12, $0x2;
	_ =	strace $0x80000047;
	s13 =	smul.u32 $0x4E, s8  }
0xa: {  	s8 =	smin.u32 s8, $0x4;
	s15 =	sshrl.u32 s10, $0x1;
	s11 =	sshrl.u32 s11, $0x2  }
0xb: {  	s6 =	sadd.s32 s7, s6;
	s7 =	ssub.s32 s10, s15;
	s11 =	sadd.s32 s11, s3  }
0xc: {  	s26 =	sshll.u32 s8, $0x5;
	s6 =	sshrl.u32 s6, $0x3;
	s22 =	sadd.s32 $0x4000, s11  }
0xd: {  	s14 =	sadd.s32 s8, s13;
	s23 =	sadd.s32 $0x8000, s11;
	[dreg:$0xa] =	wrdreg s22  }
0xe: {  	s24 =	sadd.s32 $0xC000, s11;
	s25 =	sadd.s32 $0x10000, s11;
	[dreg:$0xb] =	wrdreg s23  }
0xf: {  	s9 =	sadd.s32 s6, s5;
	s16 =	sshll.u32 s14, $0x5;
	[dreg:$0xc] =	wrdreg s24  }
0x10: {  	[dreg:$0xd] =	wrdreg s25;
	s6 =	sadd.s32 s1, s16;
	s28 =	sadd.s32 $0x3800, s9  }
0x11: {  	s5 =	simm.s32 $0x4F;
	s17 =	sadd.s32 $0x10, s6;
	[dreg:$0xe] =	wrdreg s28  }
0x12: {  	s16 =	smul.u32 $0x1380, s12;
	s18 =	sadd.s32 $0x20, s6;
	[dreg:$0x5] =	wrdreg s17  }
0x13: {  	s25 =	simm.s32 $0x1;
	s19 =	sadd.s32 $0x30, s6;
	[dreg:$0x6] =	wrdreg s18  }
0x14: {  	s20 =	sadd.s32 $0x40, s6;
	[dreg:$0x7] =	wrdreg s19;
	s1 =	sadd.s32 s16, s1  }
0x15: {  	s21 =	sadd.s32 $0x50, s6;
	[dreg:$0x8] =	wrdreg s20;
	s1 =	sadd.s32 s2, s1  }
0x16: {  	s5 =	simm.s32 @!p0 $0x4E;
	[dreg:$0x9] =	wrdreg s21;
	s1 =	sadd.s32 s26, s1  }
0x17: {  	v0 =	vimm.f32 $0.0e+00;
	s18 =	smax.u32 s7, $0x1;
	s21 =	simm.s32 $0x80;
	s19 =	sadd.s32 $0x70, s1  }
.LBB2_1:
0x18: {  	[tilespmem:s4], [sflag:$0x1] =	stream.linear.gather [hbm4b:s6+s4], $0x80, $0x38;
	v63 =	vld [tilespmem:$0x0]  }
0x19: {  	s1 =	rddreg [dreg:$0x5]  }
0x1a: {  	s2 =	simm.s32 $0x200;
	s17 =	rddreg [dreg:$0x6]  }
0x1b: {  	[tilespmem:s2], [sflag:$0x1] =	stream.linear.gather [hbm4b:s1+s4], $0x80, $0x38;
	v63 =	vld [tilespmem:$0x0]  }
0x1c: {  	s20 =	rddreg [dreg:$0x7]  }
0x1d: {  	[tilespmem:s21], [sflag:$0x1] =	stream.linear.gather [hbm4b:s17+s4], $0x80, $0x38;
	v63 =	vld [tilespmem:$0x0]  }
0x1e: {  	s22 =	simm.s32 $0x280;
	s23 =	rddreg [dreg:$0x8]  }
0x1f: {  	[tilespmem:s22], [sflag:$0x1] =	stream.linear.gather [hbm4b:s20+s4], $0x80, $0x38;
	v63 =	vld [tilespmem:$0x0]  }
0x20: {  	s24 =	simm.s32 $0x100;
	s26 =	rddreg [dreg:$0x9]  }
0x21: {  	[tilespmem:s24], [sflag:$0x1] =	stream.linear.gather [hbm4b:s23+s4], $0x80, $0x38;
	v63 =	vld [tilespmem:$0x0]  }
0x22: {  	s28 =	simm.s32 $0x300;
	s1 =	simm.s32 $0x0;
	s2 =	simm.s32 $0x200  }
0x23: {  	[tilespmem:s28], [sflag:$0x1] =	stream.linear.gather [hbm4b:s26+s4], $0x80, $0x38;
	v63 =	vld [tilespmem:$0x0]  }
.LBB2_2:
0x24: {  	p0 =	sne.s32 s2, $0xFE00;
	[tilespmem:s1+$0x8470] =	vst v0  }
0x25: {  	[tilespmem:s1+$0x8400] =	vst v0  }
0x26: {  	[tilespmem:s1+$0x8410] =	vst v0  }
.Ltmp0:
0x27: {  	[tilespmem:s1+$0x8420] =	vst v0;
	(pc) =	sbr.rel @p0 .LBB2_2-.Ltmp0, $4  }
0x28: {  	[tilespmem:s1+$0x8430] =	vst v0  }
0x29: {  	[tilespmem:s1+$0x8440] =	vst v0  }
0x2a: {  	[tilespmem:s1+$0x8450] =	vst v0  }
0x2b: {  	[tilespmem:s1+$0x8460] =	vst v0;
	s1 =	sshra.s32 s2, $0x2;
	s2 =	sadd.s32 $0x200, s2  }
0x2c: {  	[tilespmem:s1+$0x8470] =	vst v0  }
0x2d: {  	[tilespmem:s1+$0x8400] =	vst v0  }
0x2e: {  	[tilespmem:s1+$0x8410] =	vst v0  }
0x2f: {  	[tilespmem:s1+$0x8420] =	vst v0  }
0x30: {  	[tilespmem:s1+$0x8430] =	vst v0  }
0x31: {  	[tilespmem:s1+$0x8440] =	vst v0  }
0x32: {  	[tilespmem:s1+$0x8450] =	vst v0  }
0x33: {  	[tilespmem:s1+$0x8460] =	vst v0  }
0x34: {  	_ =	swait.ge [sflag:s25], $0x100  }
0x35: {  	[sflag:s25] =	ssyncset.done $0x0  }
0x36: {  	[sflag:s25] =	ssyncadd.s32 $0xFFFFFF00  }
0x37: {  	_ =	swait.ge [sflag:s25], $0x100  }
0x38: {  	[sflag:s25] =	ssyncset.done $0x0  }
0x39: {  	s7 =	simm.s32 $0x0;
	s16 =	simm.s32 $0x400;
	[sflag:s25] =	ssyncadd.s32 $0xFFFFFF00  }
0x3a: {  	[tilespmem:s16], [sflag:$0x2] =	stream.indirect.gather [hbm4b:s0+s21], $0x80, s7, s21, $0xb8;
	v63 =	vld [tilespmem:$0x0]  }
0x3b: {  	s17 =	simm.s32 $0x4400  }
0x3c: {  	[tilespmem:s17], [sflag:$0x2] =	stream.indirect.gather [hbm4b:s0+s21], $0x80, s21, s21, $0xb8;
	v63 =	vld [tilespmem:$0x0]  }
0x3d: {  	s20 =	simm.s32 $0x8400  }
0x3e: {  	[spmem:s11] =	stream.linear.scatter [tilespmem:s20], [sflag:$0x4], $0x4000, $0x38;
	v63 =	vld [tilespmem:$0x0]  }
0x3f: {  	_ =	swait.ge [sflag:s29], $0x4000  }
0x40: {  	[sflag:s29] =	ssyncset.done $0x0  }
0x41: {  	s2 =	rddreg [dreg:$0xa];
	[sflag:s29] =	ssyncadd.s32 $0xFFFFC000  }
0x42: {  	[spmem:s2] =	stream.linear.scatter [tilespmem:s20], [sflag:$0x4], $0x4000, $0x38;
	v63 =	vld [tilespmem:$0x0]  }
0x43: {  	_ =	swait.ge [sflag:s29], $0x4000  }
0x44: {  	[sflag:s29] =	ssyncset.done $0x0  }
0x45: {  	s22 =	rddreg [dreg:$0xb];
	[sflag:s29] =	ssyncadd.s32 $0xFFFFC000  }
0x46: {  	[spmem:s22] =	stream.linear.scatter [tilespmem:s20], [sflag:$0x4], $0x4000, $0x38;
	v63 =	vld [tilespmem:$0x0]  }
0x47: {  	s8 =	simm.s32 $0x2;
	p1 =	sle.u32 s5, $0x0;
	_ =	swait.ge [sflag:s29], $0x4000  }
0x48: {  	s1 =	sadd.s32 $0x20, s19;
	s9 =	smul.u32 @!p1 $0xAB, s7;
	[sflag:s29] =	ssyncset.done $0x0  }
0x49: {  	s8 =	smulhi.u32 $0xAAAAAAAB, s8;
	s23 =	rddreg [dreg:$0xc];
	[sflag:s29] =	ssyncadd.s32 $0xFFFFC000  }
0x4a: {  	[spmem:s23] =	stream.linear.scatter [tilespmem:s20], [sflag:$0x4], $0x4000, $0x38;
	v63 =	vld [tilespmem:$0x0]  }
0x4b: {  	p0 =	sle.u32 s5, $0x3;
	p2 =	por @!p1 $0x1, $0x1;
	_ =	swait.ge [sflag:s29], $0x4000  }
0x4c: {  	s9 =	sshrl.u32 @!p1 s9, $0x9;
	s8 =	sshrl.u32 s8, $0x1;
	[sflag:s29] =	ssyncset.done $0x0  }
0x4d: {  	s26 =	smul.u32 $0xFFFD0000, s8;
	s24 =	rddreg [dreg:$0xd];
	[sflag:s29] =	ssyncadd.s32 $0xFFFFC000  }
0x4e: {  	[spmem:s24] =	stream.linear.scatter [tilespmem:s20], [sflag:$0x4], $0x3C00, $0x38;
	v63 =	vld [tilespmem:$0x0]  }
0x4f: {  	s9 =	sand.u32 @!p1 $0x7F, s9;
	s8 =	smul.u32 $0xFFFFFA00, s8;
	_ =	swait.ge [sflag:s29], $0x3C00  }
0x50: {  	p2 =	por p2, p1;
	s9 =	smul.u32 @!p1 $0x3, s9;
	[sflag:s29] =	ssyncset.done $0x0  }
0x51: {  	s26 =	sshra.s32 s26, $0x2;
	s28 =	sshra.s32 s8, $0x2;
	[sflag:s29] =	ssyncadd.s32 $0xFFFFC400  }
0x52: {  	s7 =	sand.u32 @!p1 $0x180, s7;
	s22 =	simm.s32 @!p1 $0x2;
	[bflag:$0x0] =	sbarrier.arrive $0xFFFF  }
0x53: {  	s9 =	ssub.s32 @!p1 $0x0, s9;
	s7 =	sor.u32 @!p1 $0x200, s7;
	_ =	swait.ge @!p1 [sflag:s22], $0x4000  }
0x54: {  	s9 =	sand.u32 @!p1 $0xFF, s9;
	s23 =	simm.s32 $0x3;
	[sflag:s22] =	ssyncset.done @!p1 $0x0  }
0x55: {  	s9 =	sshll.u32 @!p1 s9, $0xE;
	[sflag:s22] =	ssyncadd.s32 @!p1 $0xFFFFC000;
	s22 =	smul.u32 @!p0 $0xAB, s23  }
0x56: {  	s9 =	sor.u32 @!p1 $0x400, s9;
	s2 =	simm.s32 $0x1;
	s23 =	simm.s32 @!p2 $0x3  }
0x57: {  	s20 =	simm.s32 $0x180;
	_ =	swait.ge @!p2 [sflag:s23], $0x4000;
	s22 =	sshrl.u32 @!p0 s22, $0x9  }
0x58: {  	s24 =	simm.s32 @!p1 $0x80;
	[sflag:s23] =	ssyncset.done @!p2 $0x0;
	s22 =	sand.u32 @!p0 $0x7F, s22  }
0x59: {  	[sflag:s23] =	ssyncadd.s32 @!p2 $0xFFFFC000;
	s23 =	simm.s32 @!p0 $0x0;
	s22 =	smul.u32 @!p0 $0x3, s22  }
0x5a: {  	[spmem:s3] =	stream.indirect.scatter.add.f32 @!p1 [tilespmem:s9], [sflag:$0x3], $0x80, s7, s24, $0xb8;
	v63 =	vld [tilespmem:$0x0]  }
0x5b: {  	p2 =	sle.u32 s5, $0x2;
	s7 =	simm.s32 @!p0 $0x180;
	s9 =	ssub.s32 @!p0 $0x3, s22  }
0x5c: {  	s24 =	simm.s32 $0x3;
	s8 =	simm.s32 @!p2 $0x1;
	s9 =	sand.u32 @!p0 $0xFF, s9  }
0x5d: {  	s7 =	sand.u32 @!p0 $0x180, s7;
	s22 =	sadd.s32 @!p0 $0xFFFFFFF0, s19;
	s9 =	sshll.u32 @!p0 s9, $0x7  }
0x5e: {  	[tilespmem:s9], [sflag:$0x1] =	stream.linear.gather @!p0 [hbm4b:s22+s23], $0x80, $0x38;
	v63 =	vld [tilespmem:$0x0]  }
0x5f: {  	s7 =	sor.u32 @!p0 $0x200, s7;
	s22 =	simm.s32 $0x80;
	s9 =	sadd.s32 $0x100, s28  }
0x60: {  	[tilespmem:s7], [sflag:$0x1] =	stream.linear.gather @!p0 [hbm4b:s19+s23], $0x80, $0x38;
	v63 =	vld [tilespmem:$0x0]  }
0x61: {  	s23 =	simm.s32 $0xC400;
	s7 =	sadd.s32 $0x8400, s26;
	_ =	swait.ge @!p2 [sflag:s8], $0x100  }
.LBB2_4:
0x62: {  	[sflag:s8] =	ssyncset.done @!p2 $0x0;
	s10 =	simm.s32 @!p2 $0x80;
	s12 =	smov.u32 s2  }
0x63: {  	s2 =	sadd.s32 $0x1, s2;
	s26 =	smov.u32 s20;
	s28 =	smov.u32 s1  }
0x64: {  	p0 =	sne.s32 s2, $0x4F;
	[sflag:s8] =	ssyncadd.s32 @!p2 $0xFFFFFF00;
	s8 =	smov.u32 s22  }
0x65: {  	[tilespmem:s7], [sflag:$0x2] =	stream.indirect.gather @!p2 [hbm4b:s0+s10], $0x80, s9, s10, $0xb8;
	v63 =	vld [tilespmem:$0x0]  }
0x66: {  	s7 =	smov.u32 s23;
	s9 =	smov.u32 s24  }
0x67: {  	s20 =	sadd.s32 $0x80, s20;
	s1 =	sadd.s32 $0x20, s1  }
0x68: {  	s22 =	sadd.s32 $0x80, s22;
	s23 =	sadd.s32 $0x4000, s23;
	s24 =	sadd.s32 $0x1, s24  }
0x69: {  	p2 =	sge.u32 s12, s5;
	s10 =	sadd.s32 $0x2, s12;
	s9 =	smulhi.u32 $0xAAAAAAAB, s9  }
0x6a: {  	s13 =	smul.u32 @!p2 $0xAB, s12;
	s14 =	simm.s32 @!p2 $0x2;
	p3 =	seq.s32 @!p2 s12, $0x0  }
0x6b: {  	s16 =	sadd.s32 $0x3, s12;
	s15 =	sand.u32 @!p2 $0x180, s8;
	_ =	swait.ge @!p2 [sflag:s14], $0x4000  }
0x6c: {  	p1 =	sge.u32 s16, s5;
	s13 =	sshrl.u32 @!p2 s13, $0x9;
	[sflag:s14] =	ssyncset.done @!p2 $0x0  }
0x6d: {  	s8 =	sadd.s32 @!p1 $0x180, s8;
	s13 =	sand.u32 @!p2 $0x7F, s13;
	[sflag:s14] =	ssyncadd.s32 @!p2 $0xFFFFC000  }
0x6e: {  	s9 =	sshrl.u32 s9, $0x1;
	s13 =	smul.u32 @!p2 $0x3, s13;
	s14 =	sor.u32 @!p2 $0x200, s15  }
0x6f: {  	p3 =	por p3, p2;
	s8 =	sand.u32 @!p1 $0x180, s8;
	s15 =	smul.u32 @!p1 $0xAB, s16  }
0x70: {  	s17 =	simm.s32 @!p2 $0x80;
	s12 =	ssub.s32 @!p2 s12, s13;
	s13 =	simm.s32 @!p3 $0x3  }
0x71: {  	s12 =	sand.u32 @!p2 $0xFF, s12;
	s15 =	sshrl.u32 @!p1 s15, $0x9;
	_ =	swait.ge @!p3 [sflag:s13], $0x4000  }
0x72: {  	s12 =	sshll.u32 @!p2 s12, $0xE;
	s15 =	sand.u32 @!p1 $0x7F, s15;
	[sflag:s13] =	ssyncset.done @!p3 $0x0  }
0x73: {  	[sflag:s13] =	ssyncadd.s32 @!p3 $0xFFFFC000;
	s13 =	smul.u32 @!p1 $0x3, s15  }
0x74: {  	s12 =	sor.u32 @!p2 $0x400, s12;
	s15 =	smul.u32 $0xFFFD0000, s9  }
0x75: {  	[spmem:s3] =	stream.indirect.scatter.add.f32 @!p2 [tilespmem:s12], [sflag:$0x3], $0x80, s14, s17, $0xb8;
	v63 =	vld [tilespmem:$0x0]  }
0x76: {  	s14 =	simm.s32 @!p1 $0x0;
	s12 =	ssub.s32 @!p1 s16, s13;
	s13 =	sadd.s32 @!p1 $0xFFFFFFF0, s28  }
0x77: {  	s16 =	sor.u32 @!p1 $0x200, s8;
	s8 =	smul.u32 $0xFFFFFA00, s9;
	s12 =	sand.u32 @!p1 $0xFF, s12  }
.Ltmp1:
0x78: {  	p2 =	sge.u32 s10, s5;
	s9 =	sshll.u32 @!p1 s12, $0x7;
	(pc) =	sbr.rel @p0 .LBB2_4-.Ltmp1, $4  }
0x79: {  	[tilespmem:s9], [sflag:$0x1] =	stream.linear.gather @!p1 [hbm4b:s13+s14], $0x80, $0x38;
	v63 =	vld [tilespmem:$0x0]  }
0x7a: {  	s10 =	sshra.s32 s8, $0x2;
	s8 =	simm.s32 @!p2 $0x1;
	s9 =	sshra.s32 s15, $0x2  }
0x7b: {  	[tilespmem:s16], [sflag:$0x1] =	stream.linear.gather @!p1 [hbm4b:s28+s14], $0x80, $0x38;
	v63 =	vld [tilespmem:$0x0]  }
0x7c: {  	s7 =	sadd.s32 s9, s7;
	s9 =	sadd.s32 s10, s26;
	_ =	swait.ge @!p2 [sflag:s8], $0x100  }
0x7d: {  	[sflag:s8] =	ssyncset.done @!p2 $0x0  }
0x7e: {  	s1 =	simm.s32 @!p2 $0x80;
	[sflag:s8] =	ssyncadd.s32 @!p2 $0xFFFFFF00  }
0x7f: {  	[tilespmem:s7], [sflag:$0x2] =	stream.indirect.gather @!p2 [hbm4b:s0+s1], $0x80, s9, s1, $0xb8;
	v63 =	vld [tilespmem:$0x0]  }
0x80: {  	_ =	swait.ge [sflag:s30], $0x4000  }
0x81: {  	s26 =	stileid.u32;
	[sflag:s30] =	ssyncset.done $0x0  }
0x82: {  	s2 =	sshrl.u32 s11, $0x3;
	s31 =	sadd.s32 $0x1, s31;
	[sflag:s30] =	ssyncadd.s32 $0xFFFFC000  }
0x83: {  	p0 =	sne.s32 s31, s18;
	s1 =	sshll.u32 s26, $0x6;
	[bflag:$0x0] =	sbarrier.arrive $0xFFFF  }
.Ltmp2:
0x84: {  	s1 =	sor.u32 $0x1C04, s1;
	s28 =	rddreg [dreg:$0xe];
	(pc) =	sbr.rel @p0 .LBB2_1-.Ltmp2, $4  }
0x85: {  	[hbm:s28], [sflag:s1] =	dma.local [spmem:s2], $0x2780  }
0x86: {  	_ =	swait.ge [sflag:s29], $0x2780  }
0x87: {  	[sflag:s29] =	ssyncset.done $0x0  }
0x88: {  	[sflag:s29] =	ssyncadd.s32 $0xFFFFD880  }
0x89: {  	_ =	sfence.sel $0x180000  }
0x8a: {  	[bflag:$0x0] =	sbarrier.arrive $0xFFFF  }
0x8b: {  	_ =	strace $0x90000047  }
0x8c: {  	s0 =	stileid.u32;
	[bflag:$0x2] =	sbarrier.arrive $0xFFFF  }
0x8d: {  	p0 =	sne.s32 s0, $0x0;
	s0 =	rddreg [dreg:$0x4]  }
0x8e: {  	s0 =	sadd.s32 @!p0 $0x100000, s0  }
0x8f: {  	[sflag:s0] =	ssyncadd.tile.s32 @!p0 $0x1;
	_ =	shalt  }
.Lfunc_end2:
_tile_overlayer_lowered:
.L_overlay_start_2:
0x90: {  	(tag) =	ssettag $0x2  }
0x91: {  	s0 =	rddreg [dreg:$0x0];
	s2 =	stileid.u32  }
0x92: {  	s1 =	rddreg [dreg:$0x1];
	p0 =	sne.s32 s2, $0x0  }
0x93: {  	s3 =	rddreg [dreg:$0x2];
	[bflag:$0x3] =	sbarrier.arrive $0xFFFF;
	s2 =	simm.s32 @!p0 $0x1C04  }
0x94: {  	[timem:s3], [sflag:s2] =	dma.local @!p0 [hbm:s0], s1  }
0x95: {  	s0 =	simm.s32 @!p0 $0x4  }
0x96: {  	_ =	swait.ge @!p0 [sflag:s0], s1  }
0x97: {  	s1 =	ssub.s32 @!p0 $0x0, s1;
	[sflag:s0] =	ssyncset.done @!p0 $0x0  }
0x98: {  	[sflag:s0] =	ssyncadd.s32 @!p0 s1  }
0x99: {  	[bflag:$0x3] =	sbarrier.arrive $0xFFFF  }
0x9a: {  	_ =	shalt  }

</sc_bundles>
